<compile_context>
chip_gen: v7x
topology: tpu7x:2x2x1
jax: 0.10.2.dev20260603
libtpu: 0.0.44.dev20260713+nightly
codegen_flags: <defaults>
</compile_context>

<pallas_src>
import functools

import jax
import jax.numpy as jnp
from jax import lax
from jax.experimental import pallas as pl
from jax.experimental.pallas import tpu as pltpu
from jax.experimental.pallas import tpu_sc as plsc

B = 16384
HB = B // 2
PK = 100001
D = 64
TV = 1000
T = 16

NC = 2
NS = 16
NW = NC * NS
BPW = B // NW
PK_CH = 256

_MESH = dict(core_axis_name="c", subcore_axis_name="s",
             num_cores=NC, num_subcores=NS)
_SC_PARAMS = pltpu.CompilerParams(needs_layout_passes=False,
                                  use_tc_tiling_on_sc=False)


def _sc_pool(title, text_flat):
    @functools.partial(
        pl.kernel,
        out_type=jax.ShapeDtypeStruct((B, D), jnp.float32),
        mesh=plsc.VectorSubcoreMesh(**_MESH),
        compiler_params=_SC_PARAMS,
        scratch_types=[
            pltpu.VMEM((BPW, T), jnp.int32),
            pltpu.VMEM((TV * D,), jnp.float32),
            pltpu.VMEM((BPW, D), jnp.float32),
        ],
    )
    def k(title_hbm, text_hbm, text2_hbm, title_v, table_v, tsum_v):
        wid = lax.axis_index("s") * NC + lax.axis_index("c")
        base = wid * BPW

        pltpu.sync_copy(text_hbm, table_v)
        pltpu.sync_copy(title_hbm.at[pl.ds(base, BPW)], title_v)

        zero16 = jnp.zeros((16,), jnp.float32)
        for kk in range(D // 16):
            table_v[pl.ds(kk * 16, 16)] = zero16

        one16 = jnp.full((16,), 1.0, jnp.float32)

        def row_body(r, carry):
            accs = [jnp.zeros((16,), jnp.float32) for _ in range(D // 16)]
            trow = title_v[r, :]
            cnt = plsc.all_reduce_population_count(trow != 0)
            offs = trow * D
            for t in range(T):
                off = offs[t]
                for kk in range(D // 16):
                    g = table_v[pl.ds(off + kk * 16, 16)]
                    accs[kk] = accs[kk] + g
            scale = one16 / jnp.maximum(cnt.astype(jnp.float32), one16)
            for kk in range(D // 16):
                tsum_v[r, pl.ds(kk * 16, 16)] = accs[kk] * scale
            return carry

        lax.fori_loop(0, BPW, row_body, 0)
        pltpu.sync_copy(tsum_v, text2_hbm.at[pl.ds(base, BPW)])

    return k(title, text_flat)


def _sc_pk(item_id, pk_table, combo, price, ts, wmisc_flat):
    @functools.partial(
        pl.kernel,
        out_type=[
            jax.ShapeDtypeStruct((B, D), jnp.float32),
            jax.ShapeDtypeStruct((B, D), jnp.float32),
        ],
        mesh=plsc.VectorSubcoreMesh(**_MESH),
        compiler_params=_SC_PARAMS,
        scratch_types=[
            pltpu.VMEM((BPW,), jnp.int32),
            pltpu.VMEM((BPW,), jnp.int32),
            pltpu.VMEM((BPW,), jnp.float32),
            pltpu.VMEM((BPW,), jnp.float32),
            pltpu.VMEM((130 * D,), jnp.float32),
            pltpu.VMEM((PK_CH, D), jnp.float32),
            pltpu.VMEM((PK_CH, D), jnp.float32),
            pltpu.VMEM((BPW, D), jnp.float32),
            pltpu.SemaphoreType.DMA,
            pltpu.SemaphoreType.DMA,
        ],
    )
    def k(item_hbm, pk_hbm, combo_hbm, price_hbm, ts_hbm, wm_hbm,
          pk2_hbm, misc2_hbm,
          idx_v, combo_v, price_v, ts_v, wm_v, rows_a, rows_b, misc_v,
          sem_a, sem_b):
        wid = lax.axis_index("s") * NC + lax.axis_index("c")
        base = wid * BPW
        pltpu.sync_copy(item_hbm.at[pl.ds(base, BPW)], idx_v)
        bufs = [rows_a, rows_b]
        sems = [sem_a, sem_b]
        cps = [None, None]
        cps[0] = pltpu.async_copy(
            pk_hbm.at[idx_v.at[pl.ds(0, PK_CH)]], rows_a, sem_a)
        pltpu.sync_copy(combo_hbm.at[pl.ds(base, BPW)], combo_v)
        pltpu.sync_copy(price_hbm.at[pl.ds(base, BPW)], price_v)
        pltpu.sync_copy(ts_hbm.at[pl.ds(base, BPW)], ts_v)
        pltpu.sync_copy(wm_hbm, wm_v)

        wp = [wm_v[pl.ds(128 * D + kk * 16, 16)] for kk in range(D // 16)]
        wt = [wm_v[pl.ds(129 * D + kk * 16, 16)] for kk in range(D // 16)]

        def misc_body(r16, carry):
            r = r16 * 16
            cvec = combo_v[pl.ds(r, 16)] * D
            pvec = price_v[pl.ds(r, 16)]
            tvec = ts_v[pl.ds(r, 16)]
            for j in range(16):
                co = cvec[j]
                p = pvec[j]
                t = tvec[j]
                for kk in range(D // 16):
                    acc = (wm_v[pl.ds(co + kk * 16, 16)]
                           + p * wp[kk] + t * wt[kk])
                    misc_v[r + j, pl.ds(kk * 16, 16)] = acc
            return carry

        lax.fori_loop(0, BPW // 16, misc_body, 0)
        pltpu.sync_copy(misc_v, misc2_hbm.at[pl.ds(base, BPW)])

        for c in range(1, BPW // PK_CH):
            cps[c % 2] = pltpu.async_copy(
                pk_hbm.at[idx_v.at[pl.ds(c * PK_CH, PK_CH)]],
                bufs[c % 2], sems[c % 2])
        for c in range(BPW // PK_CH):
            cps[c % 2].wait()
            pltpu.sync_copy(bufs[c % 2],
                            pk2_hbm.at[pl.ds(base + c * PK_CH, PK_CH)])

    return k(item_id, pk_table, combo, price, ts, wmisc_flat)


def _tc_fnn(pk2, text2, misc2, W1pk, W1text, W2, b2):
    BLK = 2048
    grid = (HB // BLK,)
    row_spec = pl.BlockSpec((BLK, 2 * D), lambda i: (i, 0))
    full_spec = pl.BlockSpec((D, D), lambda i: (0, 0))

    def body(pk_ref, text_ref, misc_ref, w1pk_ref, w1t_ref, w2_ref, b2_ref,
             out_ref):
        halves = []
        for h in (0, D):
            x1 = jnp.dot(pk_ref[:, h:h + D], w1pk_ref[...],
                         preferred_element_type=jnp.float32)
            x1 += jnp.dot(text_ref[:, h:h + D], w1t_ref[...],
                          preferred_element_type=jnp.float32)
            x1 += misc_ref[:, h:h + D]
            hrelu = jnp.maximum(x1, 0.0)
            halves.append(jnp.dot(hrelu, w2_ref[...],
                                  preferred_element_type=jnp.float32)
                          + b2_ref[...])
        out_ref[...] = jnp.stack(halves, axis=1).reshape(2 * BLK, D)

    return pl.pallas_call(
        body,
        grid=grid,
        in_specs=[
            row_spec,
            row_spec,
            row_spec,
            full_spec,
            full_spec,
            full_spec,
            pl.BlockSpec((1, D), lambda i: (0, 0)),
        ],
        out_specs=pl.BlockSpec((2 * BLK, D), lambda i: (i, 0)),
        out_shape=jax.ShapeDtypeStruct((B, D), jnp.float32),
    )(pk2, text2, misc2, W1pk, W1text, W2, b2)


def kernel(item_id, category, brand, title, price, created_at,
           pk_table, text_table, W1, b1, W2, b2):
    item_id = item_id.astype(jnp.int32)
    title_i = title.astype(jnp.int32)
    text2 = _sc_pool(title_i, text_table.reshape(-1))
    combo_tab = (W1[D:D + 16][:, None, :] + W1[D + 16:D + 24][None, :, :]
                 + b1[None, None, :]).reshape(128, D)
    wmisc = jnp.concatenate([combo_tab, W1[D + 24 + D:]], axis=0)
    combo = category.astype(jnp.int32) * 8 + brand.astype(jnp.int32)
    pk_rows, misc_rows = _sc_pk(item_id, pk_table, combo,
                                price, created_at, wmisc.reshape(-1))
    pk2 = pk_rows.reshape(HB, 2 * D)
    misc2 = misc_rows.reshape(HB, 2 * D)
    return _tc_fnn(pk2, text2.reshape(HB, 2 * D), misc2,
                   W1[0:D], W1[D + 24:D + 24 + D], W2, b2.reshape(1, D))

# --- scband reference (transcript-rebuilt; emitter-appended) ---
"""Pipeline reference for scband-item-catalog-embedding-16913581211710 (READ-ONLY COPY).

The authoritative reference and input builder live on the scoring server;
editing this copy changes nothing except your own understanding.
"""

import jax, jax.numpy as jnp
import numpy as np

B = 16384          # batch of candidate items
PK = 100001        # len(pk_index_list) + 1 at production scale (RECSYS vocab=100000)
D = 64             # item_space_dim
TV = 1000          # TextVectorization max_tokens (hardcoded vocab_size in module)
T = 16             # tokenized title length
NC_CAT = 16        # len(categories_lists['category'])
NC_BRAND = 8       # len(categories_lists['brand'])
CONCAT_DIM = D + NC_CAT + NC_BRAND + D + 1 + 1  # pk + one_hot(cat) + one_hot(brand) + text + price + created_at = 154


def setup_inputs(seed: int = 0) -> dict:
    key = jax.random.key(seed)
    ks = jax.random.split(key, 12)
    # StringLookup / TextVectorization outputs are modeled as integer token ids.
    item_id = jax.random.randint(ks[0], (B,), 0, PK)
    category = jax.random.randint(ks[1], (B,), 0, NC_CAT)
    brand = jax.random.randint(ks[2], (B,), 0, NC_BRAND)
    title = jax.random.randint(ks[3], (B, T), 0, TV)
    price = jax.random.normal(ks[4], (B,), dtype=jnp.float32)
    created_at = jax.random.normal(ks[5], (B,), dtype=jnp.float32)
    # Learned parameters
    pk_table = jax.random.normal(ks[6], (PK, D), dtype=jnp.float32) * 0.05
    text_table = jax.random.normal(ks[7], (TV, D), dtype=jnp.float32) * 0.05
    W1 = jax.random.normal(ks[8], (CONCAT_DIM, D), dtype=jnp.float32) * 0.05
    b1 = jnp.zeros((D,), jnp.float32)
    W2 = jax.random.normal(ks[9], (D, D), dtype=jnp.float32) * 0.05
    b2 = jnp.zeros((D,), jnp.float32)
    return {"item_id": item_id, "category": category, "brand": brand, "title": title,
            "price": price, "created_at": created_at,
            "pk_table": pk_table, "text_table": text_table,
            "W1": W1, "b1": b1, "W2": W2, "b2": b2}


def reference(item_id, category, brand, title, price, created_at,
              pk_table, text_table, W1, b1, W2, b2):
    # pk embedding: StringLookup -> Embedding == gather from table
    pk_emb = jnp.take(pk_table, item_id, axis=0)                     # [B, D]
    # category features: StringLookup -> one_hot
    cat_oh = jax.nn.one_hot(category, NC_CAT, dtype=jnp.float32)     # [B, 16]
    brand_oh = jax.nn.one_hot(brand, NC_BRAND, dtype=jnp.float32)    # [B, 8]
    # text feature: TextVectorization -> Embedding(mask_zero=True) -> GlobalAveragePooling1D (masked mean)
    tok_emb = jnp.take(text_table, title, axis=0)                    # [B, T, D]
    mask = (title != 0).astype(jnp.float32)[:, :, None]              # mask_zero semantics
    text_emb = jnp.sum(tok_emb * mask, axis=1) / jnp.maximum(jnp.sum(mask, axis=1), 1.0)  # [B, D]
    # numeric / timestamp: Normalization (adapted mean=0, var=1), reshaped to [-1, 1]
    norm_mean = jnp.float32(0.0)
    norm_var = jnp.float32(1.0)
    price_n = jnp.reshape((price - norm_mean) / jnp.sqrt(norm_var), (-1, 1))
    ts_n = jnp.reshape((created_at - norm_mean) / jnp.sqrt(norm_var), (-1, 1))
    # concat in schema iteration order: pk, category, brand, title, price, created_at
    x = jnp.concatenate([pk_emb, cat_oh, brand_oh, text_emb, price_n, ts_n], axis=1)  # [B, 154]
    # fnn: Dense(D, relu) -> Dense(D)
    h = jax.nn.relu(x @ W1 + b1)
    return h @ W2 + b2

if __name__ == "__main__":
    import jax
    _d = setup_inputs()
    print(jax.jit(kernel)(*tuple(_d.values())))

</pallas_src>

<mosaic_0001>
#map = affine_map<(d0, d1) -> (0)>
#map1 = affine_map<(d0, d1) -> (0, 0)>
module attributes {stable_mosaic.version = 14 : i64} {
  func.func @k(%arg0: i32, %arg1: i32, %arg2: memref<16384xi32, #tpu.memory_space<hbm>>, %arg3: memref<100001x64xf32, #tpu.memory_space<hbm>>, %arg4: memref<16384xi32, #tpu.memory_space<hbm>>, %arg5: memref<16384xf32, #tpu.memory_space<hbm>>, %arg6: memref<16384xf32, #tpu.memory_space<hbm>>, %arg7: memref<8320xf32, #tpu.memory_space<hbm>>, %arg8: memref<16384x64xf32, #tpu.memory_space<hbm>>, %arg9: memref<16384x64xf32, #tpu.memory_space<hbm>>, %arg10: memref<512xi32, #tpu.memory_space<vmem>>, %arg11: memref<512xi32, #tpu.memory_space<vmem>>, %arg12: memref<512xf32, #tpu.memory_space<vmem>>, %arg13: memref<512xf32, #tpu.memory_space<vmem>>, %arg14: memref<8320xf32, #tpu.memory_space<vmem>>, %arg15: memref<256x64xf32, #tpu.memory_space<vmem>>, %arg16: memref<256x64xf32, #tpu.memory_space<vmem>>, %arg17: memref<512x64xf32, #tpu.memory_space<vmem>>, %arg18: memref<!tpu.dma_semaphore, #tpu.memory_space<semaphore_mem>>, %arg19: memref<!tpu.dma_semaphore, #tpu.memory_space<semaphore_mem>>) attributes {dimension_semantics = [#tpu.dimension_semantics<core_parallel>, #tpu.dimension_semantics<subcore_parallel>], iteration_bounds = array<i64: 2, 16>, scalar_prefetch = 0 : i64, scratch_operands = 10 : i64, tpu.core_type = #tpu.core_type<sc_vector_subcore>, window_params = [{transform_indices = #map}, {transform_indices = #map1}, {transform_indices = #map}, {transform_indices = #map}, {transform_indices = #map}, {transform_indices = #map}, {transform_indices = #map1}, {transform_indices = #map1}]} {
    %mul3A = arith.constant 2 : i32
    %mul3A_0 = arith.muli %arg1, %mul3A : i32
    %add3A = arith.addi %mul3A_0, %arg0 : i32
    %mul3A_1 = arith.constant 512 : i32
    %mul3A_2 = arith.muli %add3A, %mul3A_1 : i32
    "tpu.region"() ({
      %run_scoped3A = tpu.sem_alloc : memref<!tpu.dma_semaphore, #tpu.memory_space<semaphore_mem>>
      %dma_start3A_45 = tpu.memref_slice %arg2[%mul3A_2] : memref<16384xi32, #tpu.memory_space<hbm>> -> memref<512xi32, #tpu.memory_space<hbm>>
      %dma_start3A_46 = tpu.memref_slice %arg2[%mul3A_2] : memref<16384xi32, #tpu.memory_space<hbm>> -> memref<512xi32, #tpu.memory_space<hbm>>
      tpu.enqueue_dma source(%dma_start3A_46 : memref<512xi32, #tpu.memory_space<hbm>>) target(%arg10 : memref<512xi32, #tpu.memory_space<vmem>>) target_semaphore(%run_scoped3A : memref<!tpu.dma_semaphore, #tpu.memory_space<semaphore_mem>>)
      %dma_wait3A_47 = tpu.memref_slice %arg2[%mul3A_2] : memref<16384xi32, #tpu.memory_space<hbm>> -> memref<512xi32, #tpu.memory_space<hbm>>
      %dma_wait3A_48 = tpu.memref_slice %arg2[%mul3A_2] : memref<16384xi32, #tpu.memory_space<hbm>> -> memref<512xi32, #tpu.memory_space<hbm>>
      tpu.wait_dma2 semaphore(%run_scoped3A : memref<!tpu.dma_semaphore, #tpu.memory_space<semaphore_mem>>) src(%dma_wait3A_48 : memref<512xi32, #tpu.memory_space<hbm>>) dst(%arg10 : memref<512xi32, #tpu.memory_space<vmem>>)
      tpu.yield
    }) : () -> ()
    %dma_start3A = arith.constant 0 : i32
    %dma_start3A_3 = tpu.memref_slice %arg10[%dma_start3A] : memref<512xi32, #tpu.memory_space<vmem>> -> memref<256xi32, #tpu.memory_space<vmem>>
    %dma_start3A_4 = arith.constant 0 : i32
    %dma_start3A_5 = arith.constant 0 : i32
    %dma_start3A_6 = tpu.memref_slice %arg3[%dma_start3A_4, %dma_start3A_5] : memref<100001x64xf32, #tpu.memory_space<hbm>> -> memref<100001x64xf32, #tpu.memory_space<hbm>>
    tpu.enqueue_indirect_dma source(%dma_start3A_6 : memref<100001x64xf32, #tpu.memory_space<hbm>>) target(%arg15 : memref<256x64xf32, #tpu.memory_space<vmem>>) offsets(%dma_start3A_3 : memref<256xi32, #tpu.memory_space<vmem>>) semaphore(%arg18 : memref<!tpu.dma_semaphore, #tpu.memory_space<semaphore_mem>>)
    "tpu.region"() ({
      %run_scoped3A = tpu.sem_alloc : memref<!tpu.dma_semaphore, #tpu.memory_space<semaphore_mem>>
      %dma_start3A_45 = tpu.memref_slice %arg4[%mul3A_2] : memref<16384xi32, #tpu.memory_space<hbm>> -> memref<512xi32, #tpu.memory_space<hbm>>
      %dma_start3A_46 = tpu.memref_slice %arg4[%mul3A_2] : memref<16384xi32, #tpu.memory_space<hbm>> -> memref<512xi32, #tpu.memory_space<hbm>>
      tpu.enqueue_dma source(%dma_start3A_46 : memref<512xi32, #tpu.memory_space<hbm>>) target(%arg11 : memref<512xi32, #tpu.memory_space<vmem>>) target_semaphore(%run_scoped3A : memref<!tpu.dma_semaphore, #tpu.memory_space<semaphore_mem>>)
      %dma_wait3A_47 = tpu.memref_slice %arg4[%mul3A_2] : memref<16384xi32, #tpu.memory_space<hbm>> -> memref<512xi32, #tpu.memory_space<hbm>>
      %dma_wait3A_48 = tpu.memref_slice %arg4[%mul3A_2] : memref<16384xi32, #tpu.memory_space<hbm>> -> memref<512xi32, #tpu.memory_space<hbm>>
      tpu.wait_dma2 semaphore(%run_scoped3A : memref<!tpu.dma_semaphore, #tpu.memory_space<semaphore_mem>>) src(%dma_wait3A_48 : memref<512xi32, #tpu.memory_space<hbm>>) dst(%arg11 : memref<512xi32, #tpu.memory_space<vmem>>)
      tpu.yield
    }) : () -> ()
    "tpu.region"() ({
      %run_scoped3A = tpu.sem_alloc : memref<!tpu.dma_semaphore, #tpu.memory_space<semaphore_mem>>
      %dma_start3A_45 = tpu.memref_slice %arg5[%mul3A_2] : memref<16384xf32, #tpu.memory_space<hbm>> -> memref<512xf32, #tpu.memory_space<hbm>>
      %dma_start3A_46 = tpu.memref_slice %arg5[%mul3A_2] : memref<16384xf32, #tpu.memory_space<hbm>> -> memref<512xf32, #tpu.memory_space<hbm>>
      tpu.enqueue_dma source(%dma_start3A_46 : memref<512xf32, #tpu.memory_space<hbm>>) target(%arg12 : memref<512xf32, #tpu.memory_space<vmem>>) target_semaphore(%run_scoped3A : memref<!tpu.dma_semaphore, #tpu.memory_space<semaphore_mem>>)
      %dma_wait3A_47 = tpu.memref_slice %arg5[%mul3A_2] : memref<16384xf32, #tpu.memory_space<hbm>> -> memref<512xf32, #tpu.memory_space<hbm>>
      %dma_wait3A_48 = tpu.memref_slice %arg5[%mul3A_2] : memref<16384xf32, #tpu.memory_space<hbm>> -> memref<512xf32, #tpu.memory_space<hbm>>
      tpu.wait_dma2 semaphore(%run_scoped3A : memref<!tpu.dma_semaphore, #tpu.memory_space<semaphore_mem>>) src(%dma_wait3A_48 : memref<512xf32, #tpu.memory_space<hbm>>) dst(%arg12 : memref<512xf32, #tpu.memory_space<vmem>>)
      tpu.yield
    }) : () -> ()
    "tpu.region"() ({
      %run_scoped3A = tpu.sem_alloc : memref<!tpu.dma_semaphore, #tpu.memory_space<semaphore_mem>>
      %dma_start3A_45 = tpu.memref_slice %arg6[%mul3A_2] : memref<16384xf32, #tpu.memory_space<hbm>> -> memref<512xf32, #tpu.memory_space<hbm>>
      %dma_start3A_46 = tpu.memref_slice %arg6[%mul3A_2] : memref<16384xf32, #tpu.memory_space<hbm>> -> memref<512xf32, #tpu.memory_space<hbm>>
      tpu.enqueue_dma source(%dma_start3A_46 : memref<512xf32, #tpu.memory_space<hbm>>) target(%arg13 : memref<512xf32, #tpu.memory_space<vmem>>) target_semaphore(%run_scoped3A : memref<!tpu.dma_semaphore, #tpu.memory_space<semaphore_mem>>)
      %dma_wait3A_47 = tpu.memref_slice %arg6[%mul3A_2] : memref<16384xf32, #tpu.memory_space<hbm>> -> memref<512xf32, #tpu.memory_space<hbm>>
      %dma_wait3A_48 = tpu.memref_slice %arg6[%mul3A_2] : memref<16384xf32, #tpu.memory_space<hbm>> -> memref<512xf32, #tpu.memory_space<hbm>>
      tpu.wait_dma2 semaphore(%run_scoped3A : memref<!tpu.dma_semaphore, #tpu.memory_space<semaphore_mem>>) src(%dma_wait3A_48 : memref<512xf32, #tpu.memory_space<hbm>>) dst(%arg13 : memref<512xf32, #tpu.memory_space<vmem>>)
      tpu.yield
    }) : () -> ()
    "tpu.region"() ({
      %run_scoped3A = tpu.sem_alloc : memref<!tpu.dma_semaphore, #tpu.memory_space<semaphore_mem>>
      tpu.enqueue_dma source(%arg7 : memref<8320xf32, #tpu.memory_space<hbm>>) target(%arg14 : memref<8320xf32, #tpu.memory_space<vmem>>) target_semaphore(%run_scoped3A : memref<!tpu.dma_semaphore, #tpu.memory_space<semaphore_mem>>)
      tpu.wait_dma2 semaphore(%run_scoped3A : memref<!tpu.dma_semaphore, #tpu.memory_space<semaphore_mem>>) src(%arg7 : memref<8320xf32, #tpu.memory_space<hbm>>) dst(%arg14 : memref<8320xf32, #tpu.memory_space<vmem>>)
      tpu.yield
    }) : () -> ()
    %get3A = arith.constant 8192 : index
    %get3A_7 = tpu.vector_load %arg14[%get3A] {strides = array<i32>} : memref<8320xf32, #tpu.memory_space<vmem>>, vector<16xf32>,
    %get3A_8 = arith.constant 8208 : index
    %get3A_9 = tpu.vector_load %arg14[%get3A_8] {strides = array<i32>} : memref<8320xf32, #tpu.memory_space<vmem>>, vector<16xf32>,
    %get3A_10 = arith.constant 8224 : index
    %get3A_11 = tpu.vector_load %arg14[%get3A_10] {strides = array<i32>} : memref<8320xf32, #tpu.memory_space<vmem>>, vector<16xf32>,
    %get3A_12 = arith.constant 8240 : index
    %get3A_13 = tpu.vector_load %arg14[%get3A_12] {strides = array<i32>} : memref<8320xf32, #tpu.memory_space<vmem>>, vector<16xf32>,
    %get3A_14 = arith.constant 8256 : index
    %get3A_15 = tpu.vector_load %arg14[%get3A_14] {strides = array<i32>} : memref<8320xf32, #tpu.memory_space<vmem>>, vector<16xf32>,
    %get3A_16 = arith.constant 8272 : index
    %get3A_17 = tpu.vector_load %arg14[%get3A_16] {strides = array<i32>} : memref<8320xf32, #tpu.memory_space<vmem>>, vector<16xf32>,
    %get3A_18 = arith.constant 8288 : index
    %get3A_19 = tpu.vector_load %arg14[%get3A_18] {strides = array<i32>} : memref<8320xf32, #tpu.memory_space<vmem>>, vector<16xf32>,
    %get3A_20 = arith.constant 8304 : index
    %get3A_21 = tpu.vector_load %arg14[%get3A_20] {strides = array<i32>} : memref<8320xf32, #tpu.memory_space<vmem>>, vector<16xf32>,
    %scan3A = arith.constant 0 : i32
    %scan3A_22 = arith.constant 0 : i32
    %scan3A_23 = arith.constant 32 : i32
    %scan3A_24 = arith.addi %scan3A_22, %scan3A_23 : i32
    %scan3A_25 = arith.constant 1 : i32
    scf.for %scan3A_45 = %scan3A_22 to %scan3A_24 step %scan3A_25  : i32 {
      %mul3A_46 = arith.constant 16 : i32
      %mul3A_47 = arith.muli %scan3A_45, %mul3A_46 : i32
      %get3A_48 = arith.index_cast %mul3A_47 : i32 to index
      %get3A_49 = tpu.vector_load %arg11[%get3A_48] {strides = array<i32>} : memref<512xi32, #tpu.memory_space<vmem>>, vector<16xi32>,
      %mul3A_50 = arith.constant 64 : i32
      %mul3A_51 = vector.broadcast %mul3A_50 : i32 to vector<16xi32>
      %mul3A_52 = arith.muli %get3A_49, %mul3A_51 : vector<16xi32>
      %get3A_53 = arith.index_cast %mul3A_47 : i32 to index
      %get3A_54 = tpu.vector_load %arg12[%get3A_53] {strides = array<i32>} : memref<512xf32, #tpu.memory_space<vmem>>, vector<16xf32>,
      %get3A_55 = arith.index_cast %mul3A_47 : i32 to index
      %get3A_56 = tpu.vector_load %arg13[%get3A_55] {strides = array<i32>} : memref<512xf32, #tpu.memory_space<vmem>>, vector<16xf32>,
      %slice3A = vector.extract_strided_slice %mul3A_52 {offsets = [0], sizes = [1], strides = [1]} : vector<16xi32> to vector<1xi32>
      %squeeze3A = vector.extract %slice3A[0] : i32 from vector<1xi32>
      %slice3A_57 = vector.extract_strided_slice %get3A_54 {offsets = [0], sizes = [1], strides = [1]} : vector<16xf32> to vector<1xf32>
      %squeeze3A_58 = vector.extract %slice3A_57[0] : f32 from vector<1xf32>
      %slice3A_59 = vector.extract_strided_slice %get3A_56 {offsets = [0], sizes = [1], strides = [1]} : vector<16xf32> to vector<1xf32>
      %squeeze3A_60 = vector.extract %slice3A_59[0] : f32 from vector<1xf32>
      %add3A_61 = arith.constant 0 : i32
      %add3A_62 = arith.addi %squeeze3A, %add3A_61 : i32
      %get3A_63 = arith.index_cast %add3A_62 : i32 to index
      %get3A_64 = tpu.vector_load %arg14[%get3A_63] {strides = array<i32>} : memref<8320xf32, #tpu.memory_space<vmem>>, vector<16xf32>,
      %mul3A_65 = vector.broadcast %squeeze3A_58 : f32 to vector<16xf32>
      %mul3A_66 = arith.mulf %mul3A_65, %get3A_7 : vector<16xf32>
      %add3A_67 = arith.addf %get3A_64, %mul3A_66 : vector<16xf32>
      %mul3A_68 = vector.broadcast %squeeze3A_60 : f32 to vector<16xf32>
      %mul3A_69 = arith.mulf %mul3A_68, %get3A_15 : vector<16xf32>
      %add3A_70 = arith.addf %add3A_67, %mul3A_69 : vector<16xf32>
      %add3A_71 = arith.constant 0 : i32
      %add3A_72 = arith.addi %mul3A_47, %add3A_71 : i32
      %swap3A = arith.index_cast %add3A_72 : i32 to index
      %swap3A_73 = arith.constant 0 : index
      %swap3A_74 = tpu.vector_load %arg17[%swap3A, %swap3A_73] {strides = array<i32>} : memref<512x64xf32, #tpu.memory_space<vmem>>, vector<16xf32>,
      tpu.vector_store %arg17[%swap3A, %swap3A_73], %add3A_70 {strides = array<i32>} : memref<512x64xf32, #tpu.memory_space<vmem>>, vector<16xf32>,
      %add3A_75 = arith.constant 16 : i32
      %add3A_76 = arith.addi %squeeze3A, %add3A_75 : i32
      %get3A_77 = arith.index_cast %add3A_76 : i32 to index
      %get3A_78 = tpu.vector_load %arg14[%get3A_77] {strides = array<i32>} : memref<8320xf32, #tpu.memory_space<vmem>>, vector<16xf32>,
      %mul3A_79 = vector.broadcast %squeeze3A_58 : f32 to vector<16xf32>
      %mul3A_80 = arith.mulf %mul3A_79, %get3A_9 : vector<16xf32>
      %add3A_81 = arith.addf %get3A_78, %mul3A_80 : vector<16xf32>
      %mul3A_82 = vector.broadcast %squeeze3A_60 : f32 to vector<16xf32>
      %mul3A_83 = arith.mulf %mul3A_82, %get3A_17 : vector<16xf32>
      %add3A_84 = arith.addf %add3A_81, %mul3A_83 : vector<16xf32>
      %add3A_85 = arith.constant 0 : i32
      %add3A_86 = arith.addi %mul3A_47, %add3A_85 : i32
      %swap3A_87 = arith.index_cast %add3A_86 : i32 to index
      %swap3A_88 = arith.constant 16 : index
      %swap3A_89 = tpu.vector_load %arg17[%swap3A_87, %swap3A_88] {strides = array<i32>} : memref<512x64xf32, #tpu.memory_space<vmem>>, vector<16xf32>,
      tpu.vector_store %arg17[%swap3A_87, %swap3A_88], %add3A_84 {strides = array<i32>} : memref<512x64xf32, #tpu.memory_space<vmem>>, vector<16xf32>,
      %add3A_90 = arith.constant 32 : i32
      %add3A_91 = arith.addi %squeeze3A, %add3A_90 : i32
      %get3A_92 = arith.index_cast %add3A_91 : i32 to index
      %get3A_93 = tpu.vector_load %arg14[%get3A_92] {strides = array<i32>} : memref<8320xf32, #tpu.memory_space<vmem>>, vector<16xf32>,
      %mul3A_94 = vector.broadcast %squeeze3A_58 : f32 to vector<16xf32>
      %mul3A_95 = arith.mulf %mul3A_94, %get3A_11 : vector<16xf32>
      %add3A_96 = arith.addf %get3A_93, %mul3A_95 : vector<16xf32>
      %mul3A_97 = vector.broadcast %squeeze3A_60 : f32 to vector<16xf32>
      %mul3A_98 = arith.mulf %mul3A_97, %get3A_19 : vector<16xf32>
      %add3A_99 = arith.addf %add3A_96, %mul3A_98 : vector<16xf32>
      %add3A_100 = arith.constant 0 : i32
      %add3A_101 = arith.addi %mul3A_47, %add3A_100 : i32
      %swap3A_102 = arith.index_cast %add3A_101 : i32 to index
      %swap3A_103 = arith.constant 32 : index
      %swap3A_104 = tpu.vector_load %arg17[%swap3A_102, %swap3A_103] {strides = array<i32>} : memref<512x64xf32, #tpu.memory_space<vmem>>, vector<16xf32>,
      tpu.vector_store %arg17[%swap3A_102, %swap3A_103], %add3A_99 {strides = array<i32>} : memref<512x64xf32, #tpu.memory_space<vmem>>, vector<16xf32>,
      %add3A_105 = arith.constant 48 : i32
      %add3A_106 = arith.addi %squeeze3A, %add3A_105 : i32
      %get3A_107 = arith.index_cast %add3A_106 : i32 to index
      %get3A_108 = tpu.vector_load %arg14[%get3A_107] {strides = array<i32>} : memref<8320xf32, #tpu.memory_space<vmem>>, vector<16xf32>,
      %mul3A_109 = vector.broadcast %squeeze3A_58 : f32 to vector<16xf32>
      %mul3A_110 = arith.mulf %mul3A_109, %get3A_13 : vector<16xf32>
      %add3A_111 = arith.addf %get3A_108, %mul3A_110 : vector<16xf32>
      %mul3A_112 = vector.broadcast %squeeze3A_60 : f32 to vector<16xf32>
      %mul3A_113 = arith.mulf %mul3A_112, %get3A_21 : vector<16xf32>
      %add3A_114 = arith.addf %add3A_111, %mul3A_113 : vector<16xf32>
      %add3A_115 = arith.constant 0 : i32
      %add3A_116 = arith.addi %mul3A_47, %add3A_115 : i32
      %swap3A_117 = arith.index_cast %add3A_116 : i32 to index
      %swap3A_118 = arith.constant 48 : index
      %swap3A_119 = tpu.vector_load %arg17[%swap3A_117, %swap3A_118] {strides = array<i32>} : memref<512x64xf32, #tpu.memory_space<vmem>>, vector<16xf32>,
      tpu.vector_store %arg17[%swap3A_117, %swap3A_118], %add3A_114 {strides = array<i32>} : memref<512x64xf32, #tpu.memory_space<vmem>>, vector<16xf32>,
      %slice3A_120 = vector.extract_strided_slice %mul3A_52 {offsets = [1], sizes = [1], strides = [1]} : vector<16xi32> to vector<1xi32>
      %squeeze3A_121 = vector.extract %slice3A_120[0] : i32 from vector<1xi32>
      %slice3A_122 = vector.extract_strided_slice %get3A_54 {offsets = [1], sizes = [1], strides = [1]} : vector<16xf32> to vector<1xf32>
      %squeeze3A_123 = vector.extract %slice3A_122[0] : f32 from vector<1xf32>
      %slice3A_124 = vector.extract_strided_slice %get3A_56 {offsets = [1], sizes = [1], strides = [1]} : vector<16xf32> to vector<1xf32>
      %squeeze3A_125 = vector.extract %slice3A_124[0] : f32 from vector<1xf32>
      %add3A_126 = arith.constant 0 : i32
      %add3A_127 = arith.addi %squeeze3A_121, %add3A_126 : i32
      %get3A_128 = arith.index_cast %add3A_127 : i32 to index
      %get3A_129 = tpu.vector_load %arg14[%get3A_128] {strides = array<i32>} : memref<8320xf32, #tpu.memory_space<vmem>>, vector<16xf32>,
      %mul3A_130 = vector.broadcast %squeeze3A_123 : f32 to vector<16xf32>
      %mul3A_131 = arith.mulf %mul3A_130, %get3A_7 : vector<16xf32>
      %add3A_132 = arith.addf %get3A_129, %mul3A_131 : vector<16xf32>
      %mul3A_133 = vector.broadcast %squeeze3A_125 : f32 to vector<16xf32>
      %mul3A_134 = arith.mulf %mul3A_133, %get3A_15 : vector<16xf32>
      %add3A_135 = arith.addf %add3A_132, %mul3A_134 : vector<16xf32>
      %add3A_136 = arith.constant 1 : i32
      %add3A_137 = arith.addi %mul3A_47, %add3A_136 : i32
      %swap3A_138 = arith.index_cast %add3A_137 : i32 to index
      %swap3A_139 = arith.constant 0 : index
      %swap3A_140 = tpu.vector_load %arg17[%swap3A_138, %swap3A_139] {strides = array<i32>} : memref<512x64xf32, #tpu.memory_space<vmem>>, vector<16xf32>,
      tpu.vector_store %arg17[%swap3A_138, %swap3A_139], %add3A_135 {strides = array<i32>} : memref<512x64xf32, #tpu.memory_space<vmem>>, vector<16xf32>,
      %add3A_141 = arith.constant 16 : i32
      %add3A_142 = arith.addi %squeeze3A_121, %add3A_141 : i32
      %get3A_143 = arith.index_cast %add3A_142 : i32 to index
      %get3A_144 = tpu.vector_load %arg14[%get3A_143] {strides = array<i32>} : memref<8320xf32, #tpu.memory_space<vmem>>, vector<16xf32>,
      %mul3A_145 = vector.broadcast %squeeze3A_123 : f32 to vector<16xf32>
      %mul3A_146 = arith.mulf %mul3A_145, %get3A_9 : vector<16xf32>
      %add3A_147 = arith.addf %get3A_144, %mul3A_146 : vector<16xf32>
      %mul3A_148 = vector.broadcast %squeeze3A_125 : f32 to vector<16xf32>
      %mul3A_149 = arith.mulf %mul3A_148, %get3A_17 : vector<16xf32>
      %add3A_150 = arith.addf %add3A_147, %mul3A_149 : vector<16xf32>
      %add3A_151 = arith.constant 1 : i32
      %add3A_152 = arith.addi %mul3A_47, %add3A_151 : i32
      %swap3A_153 = arith.index_cast %add3A_152 : i32 to index
      %swap3A_154 = arith.constant 16 : index
      %swap3A_155 = tpu.vector_load %arg17[%swap3A_153, %swap3A_154] {strides = array<i32>} : memref<512x64xf32, #tpu.memory_space<vmem>>, vector<16xf32>,
      tpu.vector_store %arg17[%swap3A_153, %swap3A_154], %add3A_150 {strides = array<i32>} : memref<512x64xf32, #tpu.memory_space<vmem>>, vector<16xf32>,
      %add3A_156 = arith.constant 32 : i32
      %add3A_157 = arith.addi %squeeze3A_121, %add3A_156 : i32
      %get3A_158 = arith.index_cast %add3A_157 : i32 to index
      %get3A_159 = tpu.vector_load %arg14[%get3A_158] {strides = array<i32>} : memref<8320xf32, #tpu.memory_space<vmem>>, vector<16xf32>,
      %mul3A_160 = vector.broadcast %squeeze3A_123 : f32 to vector<16xf32>
      %mul3A_161 = arith.mulf %mul3A_160, %get3A_11 : vector<16xf32>
      %add3A_162 = arith.addf %get3A_159, %mul3A_161 : vector<16xf32>
      %mul3A_163 = vector.broadcast %squeeze3A_125 : f32 to vector<16xf32>
      %mul3A_164 = arith.mulf %mul3A_163, %get3A_19 : vector<16xf32>
      %add3A_165 = arith.addf %add3A_162, %mul3A_164 : vector<16xf32>
      %add3A_166 = arith.constant 1 : i32
      %add3A_167 = arith.addi %mul3A_47, %add3A_166 : i32
      %swap3A_168 = arith.index_cast %add3A_167 : i32 to index
      %swap3A_169 = arith.constant 32 : index
      %swap3A_170 = tpu.vector_load %arg17[%swap3A_168, %swap3A_169] {strides = array<i32>} : memref<512x64xf32, #tpu.memory_space<vmem>>, vector<16xf32>,
      tpu.vector_store %arg17[%swap3A_168, %swap3A_169], %add3A_165 {strides = array<i32>} : memref<512x64xf32, #tpu.memory_space<vmem>>, vector<16xf32>,
      %add3A_171 = arith.constant 48 : i32
      %add3A_172 = arith.addi %squeeze3A_121, %add3A_171 : i32
      %get3A_173 = arith.index_cast %add3A_172 : i32 to index
      %get3A_174 = tpu.vector_load %arg14[%get3A_173] {strides = array<i32>} : memref<8320xf32, #tpu.memory_space<vmem>>, vector<16xf32>,
      %mul3A_175 = vector.broadcast %squeeze3A_123 : f32 to vector<16xf32>
      %mul3A_176 = arith.mulf %mul3A_175, %get3A_13 : vector<16xf32>
      %add3A_177 = arith.addf %get3A_174, %mul3A_176 : vector<16xf32>
      %mul3A_178 = vector.broadcast %squeeze3A_125 : f32 to vector<16xf32>
      %mul3A_179 = arith.mulf %mul3A_178, %get3A_21 : vector<16xf32>
      %add3A_180 = arith.addf %add3A_177, %mul3A_179 : vector<16xf32>
      %add3A_181 = arith.constant 1 : i32
      %add3A_182 = arith.addi %mul3A_47, %add3A_181 : i32
      %swap3A_183 = arith.index_cast %add3A_182 : i32 to index
      %swap3A_184 = arith.constant 48 : index
      %swap3A_185 = tpu.vector_load %arg17[%swap3A_183, %swap3A_184] {strides = array<i32>} : memref<512x64xf32, #tpu.memory_space<vmem>>, vector<16xf32>,
      tpu.vector_store %arg17[%swap3A_183, %swap3A_184], %add3A_180 {strides = array<i32>} : memref<512x64xf32, #tpu.memory_space<vmem>>, vector<16xf32>,
      %slice3A_186 = vector.extract_strided_slice %mul3A_52 {offsets = [2], sizes = [1], strides = [1]} : vector<16xi32> to vector<1xi32>
      %squeeze3A_187 = vector.extract %slice3A_186[0] : i32 from vector<1xi32>
      %slice3A_188 = vector.extract_strided_slice %get3A_54 {offsets = [2], sizes = [1], strides = [1]} : vector<16xf32> to vector<1xf32>
      %squeeze3A_189 = vector.extract %slice3A_188[0] : f32 from vector<1xf32>
      %slice3A_190 = vector.extract_strided_slice %get3A_56 {offsets = [2], sizes = [1], strides = [1]} : vector<16xf32> to vector<1xf32>
      %squeeze3A_191 = vector.extract %slice3A_190[0] : f32 from vector<1xf32>
      %add3A_192 = arith.constant 0 : i32
      %add3A_193 = arith.addi %squeeze3A_187, %add3A_192 : i32
      %get3A_194 = arith.index_cast %add3A_193 : i32 to index
      %get3A_195 = tpu.vector_load %arg14[%get3A_194] {strides = array<i32>} : memref<8320xf32, #tpu.memory_space<vmem>>, vector<16xf32>,
      %mul3A_196 = vector.broadcast %squeeze3A_189 : f32 to vector<16xf32>
      %mul3A_197 = arith.mulf %mul3A_196, %get3A_7 : vector<16xf32>
      %add3A_198 = arith.addf %get3A_195, %mul3A_197 : vector<16xf32>
      %mul3A_199 = vector.broadcast %squeeze3A_191 : f32 to vector<16xf32>
      %mul3A_200 = arith.mulf %mul3A_199, %get3A_15 : vector<16xf32>
      %add3A_201 = arith.addf %add3A_198, %mul3A_200 : vector<16xf32>
      %add3A_202 = arith.constant 2 : i32
      %add3A_203 = arith.addi %mul3A_47, %add3A_202 : i32
      %swap3A_204 = arith.index_cast %add3A_203 : i32 to index
      %swap3A_205 = arith.constant 0 : index
      %swap3A_206 = tpu.vector_load %arg17[%swap3A_204, %swap3A_205] {strides = array<i32>} : memref<512x64xf32, #tpu.memory_space<vmem>>, vector<16xf32>,
      tpu.vector_store %arg17[%swap3A_204, %swap3A_205], %add3A_201 {strides = array<i32>} : memref<512x64xf32, #tpu.memory_space<vmem>>, vector<16xf32>,
      %add3A_207 = arith.constant 16 : i32
      %add3A_208 = arith.addi %squeeze3A_187, %add3A_207 : i32
      %get3A_209 = arith.index_cast %add3A_208 : i32 to index
      %get3A_210 = tpu.vector_load %arg14[%get3A_209] {strides = array<i32>} : memref<8320xf32, #tpu.memory_space<vmem>>, vector<16xf32>,
      %mul3A_211 = vector.broadcast %squeeze3A_189 : f32 to vector<16xf32>
      %mul3A_212 = arith.mulf %mul3A_211, %get3A_9 : vector<16xf32>
      %add3A_213 = arith.addf %get3A_210, %mul3A_212 : vector<16xf32>
      %mul3A_214 = vector.broadcast %squeeze3A_191 : f32 to vector<16xf32>
      %mul3A_215 = arith.mulf %mul3A_214, %get3A_17 : vector<16xf32>
      %add3A_216 = arith.addf %add3A_213, %mul3A_215 : vector<16xf32>
      %add3A_217 = arith.constant 2 : i32
      %add3A_218 = arith.addi %mul3A_47, %add3A_217 : i32
      %swap3A_219 = arith.index_cast %add3A_218 : i32 to index
      %swap3A_220 = arith.constant 16 : index
      %swap3A_221 = tpu.vector_load %arg17[%swap3A_219, %swap3A_220] {strides = array<i32>} : memref<512x64xf32, #tpu.memory_space<vmem>>, vector<16xf32>,
      tpu.vector_store %arg17[%swap3A_219, %swap3A_220], %add3A_216 {strides = array<i32>} : memref<512x64xf32, #tpu.memory_space<vmem>>, vector<16xf32>,
      %add3A_222 = arith.constant 32 : i32
      %add3A_223 = arith.addi %squeeze3A_187, %add3A_222 : i32
      %get3A_224 = arith.index_cast %add3A_223 : i32 to index
      %get3A_225 = tpu.vector_load %arg14[%get3A_224] {strides = array<i32>} : memref<8320xf32, #tpu.memory_space<vmem>>, vector<16xf32>,
      %mul3A_226 = vector.broadcast %squeeze3A_189 : f32 to vector<16xf32>
      %mul3A_227 = arith.mulf %mul3A_226, %get3A_11 : vector<16xf32>
      %add3A_228 = arith.addf %get3A_225, %mul3A_227 : vector<16xf32>
      %mul3A_229 = vector.broadcast %squeeze3A_191 : f32 to vector<16xf32>
      %mul3A_230 = arith.mulf %mul3A_229, %get3A_19 : vector<16xf32>
      %add3A_231 = arith.addf %add3A_228, %mul3A_230 : vector<16xf32>
      %add3A_232 = arith.constant 2 : i32
      %add3A_233 = arith.addi %mul3A_47, %add3A_232 : i32
      %swap3A_234 = arith.index_cast %add3A_233 : i32 to index
      %swap3A_235 = arith.constant 32 : index
      %swap3A_236 = tpu.vector_load %arg17[%swap3A_234, %swap3A_235] {strides = array<i32>} : memref<512x64xf32, #tpu.memory_space<vmem>>, vector<16xf32>,
      tpu.vector_store %arg17[%swap3A_234, %swap3A_235], %add3A_231 {strides = array<i32>} : memref<512x64xf32, #tpu.memory_space<vmem>>, vector<16xf32>,
      %add3A_237 = arith.constant 48 : i32
      %add3A_238 = arith.addi %squeeze3A_187, %add3A_237 : i32
      %get3A_239 = arith.index_cast %add3A_238 : i32 to index
      %get3A_240 = tpu.vector_load %arg14[%get3A_239] {strides = array<i32>} : memref<8320xf32, #tpu.memory_space<vmem>>, vector<16xf32>,
      %mul3A_241 = vector.broadcast %squeeze3A_189 : f32 to vector<16xf32>
      %mul3A_242 = arith.mulf %mul3A_241, %get3A_13 : vector<16xf32>
      %add3A_243 = arith.addf %get3A_240, %mul3A_242 : vector<16xf32>
      %mul3A_244 = vector.broadcast %squeeze3A_191 : f32 to vector<16xf32>
      %mul3A_245 = arith.mulf %mul3A_244, %get3A_21 : vector<16xf32>
      %add3A_246 = arith.addf %add3A_243, %mul3A_245 : vector<16xf32>
      %add3A_247 = arith.constant 2 : i32
      %add3A_248 = arith.addi %mul3A_47, %add3A_247 : i32
      %swap3A_249 = arith.index_cast %add3A_248 : i32 to index
      %swap3A_250 = arith.constant 48 : index
      %swap3A_251 = tpu.vector_load %arg17[%swap3A_249, %swap3A_250] {strides = array<i32>} : memref<512x64xf32, #tpu.memory_space<vmem>>, vector<16xf32>,
      tpu.vector_store %arg17[%swap3A_249, %swap3A_250], %add3A_246 {strides = array<i32>} : memref<512x64xf32, #tpu.memory_space<vmem>>, vector<16xf32>,
      %slice3A_252 = vector.extract_strided_slice %mul3A_52 {offsets = [3], sizes = [1], strides = [1]} : vector<16xi32> to vector<1xi32>
      %squeeze3A_253 = vector.extract %slice3A_252[0] : i32 from vector<1xi32>
      %slice3A_254 = vector.extract_strided_slice %get3A_54 {offsets = [3], sizes = [1], strides = [1]} : vector<16xf32> to vector<1xf32>
      %squeeze3A_255 = vector.extract %slice3A_254[0] : f32 from vector<1xf32>
      %slice3A_256 = vector.extract_strided_slice %get3A_56 {offsets = [3], sizes = [1], strides = [1]} : vector<16xf32> to vector<1xf32>
      %squeeze3A_257 = vector.extract %slice3A_256[0] : f32 from vector<1xf32>
      %add3A_258 = arith.constant 0 : i32
      %add3A_259 = arith.addi %squeeze3A_253, %add3A_258 : i32
      %get3A_260 = arith.index_cast %add3A_259 : i32 to index
      %get3A_261 = tpu.vector_load %arg14[%get3A_260] {strides = array<i32>} : memref<8320xf32, #tpu.memory_space<vmem>>, vector<16xf32>,
      %mul3A_262 = vector.broadcast %squeeze3A_255 : f32 to vector<16xf32>
      %mul3A_263 = arith.mulf %mul3A_262, %get3A_7 : vector<16xf32>
      %add3A_264 = arith.addf %get3A_261, %mul3A_263 : vector<16xf32>
      %mul3A_265 = vector.broadcast %squeeze3A_257 : f32 to vector<16xf32>
      %mul3A_266 = arith.mulf %mul3A_265, %get3A_15 : vector<16xf32>
      %add3A_267 = arith.addf %add3A_264, %mul3A_266 : vector<16xf32>
      %add3A_268 = arith.constant 3 : i32
      %add3A_269 = arith.addi %mul3A_47, %add3A_268 : i32
      %swap3A_270 = arith.index_cast %add3A_269 : i32 to index
      %swap3A_271 = arith.constant 0 : index
      %swap3A_272 = tpu.vector_load %arg17[%swap3A_270, %swap3A_271] {strides = array<i32>} : memref<512x64xf32, #tpu.memory_space<vmem>>, vector<16xf32>,
      tpu.vector_store %arg17[%swap3A_270, %swap3A_271], %add3A_267 {strides = array<i32>} : memref<512x64xf32, #tpu.memory_space<vmem>>, vector<16xf32>,
      %add3A_273 = arith.constant 16 : i32
      %add3A_274 = arith.addi %squeeze3A_253, %add3A_273 : i32
      %get3A_275 = arith.index_cast %add3A_274 : i32 to index
      %get3A_276 = tpu.vector_load %arg14[%get3A_275] {strides = array<i32>} : memref<8320xf32, #tpu.memory_space<vmem>>, vector<16xf32>,
      %mul3A_277 = vector.broadcast %squeeze3A_255 : f32 to vector<16xf32>
      %mul3A_278 = arith.mulf %mul3A_277, %get3A_9 : vector<16xf32>
      %add3A_279 = arith.addf %get3A_276, %mul3A_278 : vector<16xf32>
      %mul3A_280 = vector.broadcast %squeeze3A_257 : f32 to vector<16xf32>
      %mul3A_281 = arith.mulf %mul3A_280, %get3A_17 : vector<16xf32>
      %add3A_282 = arith.addf %add3A_279, %mul3A_281 : vector<16xf32>
      %add3A_283 = arith.constant 3 : i32
      %add3A_284 = arith.addi %mul3A_47, %add3A_283 : i32
      %swap3A_285 = arith.index_cast %add3A_284 : i32 to index
      %swap3A_286 = arith.constant 16 : index
      %swap3A_287 = tpu.vector_load %arg17[%swap3A_285, %swap3A_286] {strides = array<i32>} : memref<512x64xf32, #tpu.memory_space<vmem>>, vector<16xf32>,
      tpu.vector_store %arg17[%swap3A_285, %swap3A_286], %add3A_282 {strides = array<i32>} : memref<512x64xf32, #tpu.memory_space<vmem>>, vector<16xf32>,
      %add3A_288 = arith.constant 32 : i32
      %add3A_289 = arith.addi %squeeze3A_253, %add3A_288 : i32
      %get3A_290 = arith.index_cast %add3A_289 : i32 to index
      %get3A_291 = tpu.vector_load %arg14[%get3A_290] {strides = array<i32>} : memref<8320xf32, #tpu.memory_space<vmem>>, vector<16xf32>,
      %mul3A_292 = vector.broadcast %squeeze3A_255 : f32 to vector<16xf32>
      %mul3A_293 = arith.mulf %mul3A_292, %get3A_11 : vector<16xf32>
      %add3A_294 = arith.addf %get3A_291, %mul3A_293 : vector<16xf32>
      %mul3A_295 = vector.broadcast %squeeze3A_257 : f32 to vector<16xf32>
      %mul3A_296 = arith.mulf %mul3A_295, %get3A_19 : vector<16xf32>
      %add3A_297 = arith.addf %add3A_294, %mul3A_296 : vector<16xf32>
      %add3A_298 = arith.constant 3 : i32
      %add3A_299 = arith.addi %mul3A_47, %add3A_298 : i32
      %swap3A_300 = arith.index_cast %add3A_299 : i32 to index
      %swap3A_301 = arith.constant 32 : index
      %swap3A_302 = tpu.vector_load %arg17[%swap3A_300, %swap3A_301] {strides = array<i32>} : memref<512x64xf32, #tpu.memory_space<vmem>>, vector<16xf32>,
      tpu.vector_store %arg17[%swap3A_300, %swap3A_301], %add3A_297 {strides = array<i32>} : memref<512x64xf32, #tpu.memory_space<vmem>>, vector<16xf32>,
      %add3A_303 = arith.constant 48 : i32
      %add3A_304 = arith.addi %squeeze3A_253, %add3A_303 : i32
      %get3A_305 = arith.index_cast %add3A_304 : i32 to index
      %get3A_306 = tpu.vector_load %arg14[%get3A_305] {strides = array<i32>} : memref<8320xf32, #tpu.memory_space<vmem>>, vector<16xf32>,
      %mul3A_307 = vector.broadcast %squeeze3A_255 : f32 to vector<16xf32>
      %mul3A_308 = arith.mulf %mul3A_307, %get3A_13 : vector<16xf32>
      %add3A_309 = arith.addf %get3A_306, %mul3A_308 : vector<16xf32>
      %mul3A_310 = vector.broadcast %squeeze3A_257 : f32 to vector<16xf32>
      %mul3A_311 = arith.mulf %mul3A_310, %get3A_21 : vector<16xf32>
      %add3A_312 = arith.addf %add3A_309, %mul3A_311 : vector<16xf32>
      %add3A_313 = arith.constant 3 : i32
      %add3A_314 = arith.addi %mul3A_47, %add3A_313 : i32
      %swap3A_315 = arith.index_cast %add3A_314 : i32 to index
      %swap3A_316 = arith.constant 48 : index
      %swap3A_317 = tpu.vector_load %arg17[%swap3A_315, %swap3A_316] {strides = array<i32>} : memref<512x64xf32, #tpu.memory_space<vmem>>, vector<16xf32>,
      tpu.vector_store %arg17[%swap3A_315, %swap3A_316], %add3A_312 {strides = array<i32>} : memref<512x64xf32, #tpu.memory_space<vmem>>, vector<16xf32>,
      %slice3A_318 = vector.extract_strided_slice %mul3A_52 {offsets = [4], sizes = [1], strides = [1]} : vector<16xi32> to vector<1xi32>
      %squeeze3A_319 = vector.extract %slice3A_318[0] : i32 from vector<1xi32>
      %slice3A_320 = vector.extract_strided_slice %get3A_54 {offsets = [4], sizes = [1], strides = [1]} : vector<16xf32> to vector<1xf32>
      %squeeze3A_321 = vector.extract %slice3A_320[0] : f32 from vector<1xf32>
      %slice3A_322 = vector.extract_strided_slice %get3A_56 {offsets = [4], sizes = [1], strides = [1]} : vector<16xf32> to vector<1xf32>
      %squeeze3A_323 = vector.extract %slice3A_322[0] : f32 from vector<1xf32>
      %add3A_324 = arith.constant 0 : i32
      %add3A_325 = arith.addi %squeeze3A_319, %add3A_324 : i32
      %get3A_326 = arith.index_cast %add3A_325 : i32 to index
      %get3A_327 = tpu.vector_load %arg14[%get3A_326] {strides = array<i32>} : memref<8320xf32, #tpu.memory_space<vmem>>, vector<16xf32>,
      %mul3A_328 = vector.broadcast %squeeze3A_321 : f32 to vector<16xf32>
      %mul3A_329 = arith.mulf %mul3A_328, %get3A_7 : vector<16xf32>
      %add3A_330 = arith.addf %get3A_327, %mul3A_329 : vector<16xf32>
      %mul3A_331 = vector.broadcast %squeeze3A_323 : f32 to vector<16xf32>
      %mul3A_332 = arith.mulf %mul3A_331, %get3A_15 : vector<16xf32>
      %add3A_333 = arith.addf %add3A_330, %mul3A_332 : vector<16xf32>
      %add3A_334 = arith.constant 4 : i32
      %add3A_335 = arith.addi %mul3A_47, %add3A_334 : i32
      %swap3A_336 = arith.index_cast %add3A_335 : i32 to index
      %swap3A_337 = arith.constant 0 : index
      %swap3A_338 = tpu.vector_load %arg17[%swap3A_336, %swap3A_337] {strides = array<i32>} : memref<512x64xf32, #tpu.memory_space<vmem>>, vector<16xf32>,
      tpu.vector_store %arg17[%swap3A_336, %swap3A_337], %add3A_333 {strides = array<i32>} : memref<512x64xf32, #tpu.memory_space<vmem>>, vector<16xf32>,
      %add3A_339 = arith.constant 16 : i32
      %add3A_340 = arith.addi %squeeze3A_319, %add3A_339 : i32
      %get3A_341 = arith.index_cast %add3A_340 : i32 to index
      %get3A_342 = tpu.vector_load %arg14[%get3A_341] {strides = array<i32>} : memref<8320xf32, #tpu.memory_space<vmem>>, vector<16xf32>,
      %mul3A_343 = vector.broadcast %squeeze3A_321 : f32 to vector<16xf32>
      %mul3A_344 = arith.mulf %mul3A_343, %get3A_9 : vector<16xf32>
      %add3A_345 = arith.addf %get3A_342, %mul3A_344 : vector<16xf32>
      %mul3A_346 = vector.broadcast %squeeze3A_323 : f32 to vector<16xf32>
      %mul3A_347 = arith.mulf %mul3A_346, %get3A_17 : vector<16xf32>
      %add3A_348 = arith.addf %add3A_345, %mul3A_347 : vector<16xf32>
      %add3A_349 = arith.constant 4 : i32
      %add3A_350 = arith.addi %mul3A_47, %add3A_349 : i32
      %swap3A_351 = arith.index_cast %add3A_350 : i32 to index
      %swap3A_352 = arith.constant 16 : index
      %swap3A_353 = tpu.vector_load %arg17[%swap3A_351, %swap3A_352] {strides = array<i32>} : memref<512x64xf32, #tpu.memory_space<vmem>>, vector<16xf32>,
      tpu.vector_store %arg17[%swap3A_351, %swap3A_352], %add3A_348 {strides = array<i32>} : memref<512x64xf32, #tpu.memory_space<vmem>>, vector<16xf32>,
      %add3A_354 = arith.constant 32 : i32
      %add3A_355 = arith.addi %squeeze3A_319, %add3A_354 : i32
      %get3A_356 = arith.index_cast %add3A_355 : i32 to index
      %get3A_357 = tpu.vector_load %arg14[%get3A_356] {strides = array<i32>} : memref<8320xf32, #tpu.memory_space<vmem>>, vector<16xf32>,
      %mul3A_358 = vector.broadcast %squeeze3A_321 : f32 to vector<16xf32>
      %mul3A_359 = arith.mulf %mul3A_358, %get3A_11 : vector<16xf32>
      %add3A_360 = arith.addf %get3A_357, %mul3A_359 : vector<16xf32>
      %mul3A_361 = vector.broadcast %squeeze3A_323 : f32 to vector<16xf32>
      %mul3A_362 = arith.mulf %mul3A_361, %get3A_19 : vector<16xf32>
      %add3A_363 = arith.addf %add3A_360, %mul3A_362 : vector<16xf32>
      %add3A_364 = arith.constant 4 : i32
      %add3A_365 = arith.addi %mul3A_47, %add3A_364 : i32
      %swap3A_366 = arith.index_cast %add3A_365 : i32 to index
      %swap3A_367 = arith.constant 32 : index
      %swap3A_368 = tpu.vector_load %arg17[%swap3A_366, %swap3A_367] {strides = array<i32>} : memref<512x64xf32, #tpu.memory_space<vmem>>, vector<16xf32>,
      tpu.vector_store %arg17[%swap3A_366, %swap3A_367], %add3A_363 {strides = array<i32>} : memref<512x64xf32, #tpu.memory_space<vmem>>, vector<16xf32>,
      %add3A_369 = arith.constant 48 : i32
      %add3A_370 = arith.addi %squeeze3A_319, %add3A_369 : i32
      %get3A_371 = arith.index_cast %add3A_370 : i32 to index
      %get3A_372 = tpu.vector_load %arg14[%get3A_371] {strides = array<i32>} : memref<8320xf32, #tpu.memory_space<vmem>>, vector<16xf32>,
      %mul3A_373 = vector.broadcast %squeeze3A_321 : f32 to vector<16xf32>
      %mul3A_374 = arith.mulf %mul3A_373, %get3A_13 : vector<16xf32>
      %add3A_375 = arith.addf %get3A_372, %mul3A_374 : vector<16xf32>
      %mul3A_376 = vector.broadcast %squeeze3A_323 : f32 to vector<16xf32>
      %mul3A_377 = arith.mulf %mul3A_376, %get3A_21 : vector<16xf32>
      %add3A_378 = arith.addf %add3A_375, %mul3A_377 : vector<16xf32>
      %add3A_379 = arith.constant 4 : i32
      %add3A_380 = arith.addi %mul3A_47, %add3A_379 : i32
      %swap3A_381 = arith.index_cast %add3A_380 : i32 to index
      %swap3A_382 = arith.constant 48 : index
      %swap3A_383 = tpu.vector_load %arg17[%swap3A_381, %swap3A_382] {strides = array<i32>} : memref<512x64xf32, #tpu.memory_space<vmem>>, vector<16xf32>,
      tpu.vector_store %arg17[%swap3A_381, %swap3A_382], %add3A_378 {strides = array<i32>} : memref<512x64xf32, #tpu.memory_space<vmem>>, vector<16xf32>,
      %slice3A_384 = vector.extract_strided_slice %mul3A_52 {offsets = [5], sizes = [1], strides = [1]} : vector<16xi32> to vector<1xi32>
      %squeeze3A_385 = vector.extract %slice3A_384[0] : i32 from vector<1xi32>
      %slice3A_386 = vector.extract_strided_slice %get3A_54 {offsets = [5], sizes = [1], strides = [1]} : vector<16xf32> to vector<1xf32>
      %squeeze3A_387 = vector.extract %slice3A_386[0] : f32 from vector<1xf32>
      %slice3A_388 = vector.extract_strided_slice %get3A_56 {offsets = [5], sizes = [1], strides = [1]} : vector<16xf32> to vector<1xf32>
      %squeeze3A_389 = vector.extract %slice3A_388[0] : f32 from vector<1xf32>
      %add3A_390 = arith.constant 0 : i32
      %add3A_391 = arith.addi %squeeze3A_385, %add3A_390 : i32
      %get3A_392 = arith.index_cast %add3A_391 : i32 to index
      %get3A_393 = tpu.vector_load %arg14[%get3A_392] {strides = array<i32>} : memref<8320xf32, #tpu.memory_space<vmem>>, vector<16xf32>,
      %mul3A_394 = vector.broadcast %squeeze3A_387 : f32 to vector<16xf32>
      %mul3A_395 = arith.mulf %mul3A_394, %get3A_7 : vector<16xf32>
      %add3A_396 = arith.addf %get3A_393, %mul3A_395 : vector<16xf32>
      %mul3A_397 = vector.broadcast %squeeze3A_389 : f32 to vector<16xf32>
      %mul3A_398 = arith.mulf %mul3A_397, %get3A_15 : vector<16xf32>
      %add3A_399 = arith.addf %add3A_396, %mul3A_398 : vector<16xf32>
      %add3A_400 = arith.constant 5 : i32
      %add3A_401 = arith.addi %mul3A_47, %add3A_400 : i32
      %swap3A_402 = arith.index_cast %add3A_401 : i32 to index
      %swap3A_403 = arith.constant 0 : index
      %swap3A_404 = tpu.vector_load %arg17[%swap3A_402, %swap3A_403] {strides = array<i32>} : memref<512x64xf32, #tpu.memory_space<vmem>>, vector<16xf32>,
      tpu.vector_store %arg17[%swap3A_402, %swap3A_403], %add3A_399 {strides = array<i32>} : memref<512x64xf32, #tpu.memory_space<vmem>>, vector<16xf32>,
      %add3A_405 = arith.constant 16 : i32
      %add3A_406 = arith.addi %squeeze3A_385, %add3A_405 : i32
      %get3A_407 = arith.index_cast %add3A_406 : i32 to index
      %get3A_408 = tpu.vector_load %arg14[%get3A_407] {strides = array<i32>} : memref<8320xf32, #tpu.memory_space<vmem>>, vector<16xf32>,
      %mul3A_409 = vector.broadcast %squeeze3A_387 : f32 to vector<16xf32>
      %mul3A_410 = arith.mulf %mul3A_409, %get3A_9 : vector<16xf32>
      %add3A_411 = arith.addf %get3A_408, %mul3A_410 : vector<16xf32>
      %mul3A_412 = vector.broadcast %squeeze3A_389 : f32 to vector<16xf32>
      %mul3A_413 = arith.mulf %mul3A_412, %get3A_17 : vector<16xf32>
      %add3A_414 = arith.addf %add3A_411, %mul3A_413 : vector<16xf32>
      %add3A_415 = arith.constant 5 : i32
      %add3A_416 = arith.addi %mul3A_47, %add3A_415 : i32
      %swap3A_417 = arith.index_cast %add3A_416 : i32 to index
      %swap3A_418 = arith.constant 16 : index
      %swap3A_419 = tpu.vector_load %arg17[%swap3A_417, %swap3A_418] {strides = array<i32>} : memref<512x64xf32, #tpu.memory_space<vmem>>, vector<16xf32>,
      tpu.vector_store %arg17[%swap3A_417, %swap3A_418], %add3A_414 {strides = array<i32>} : memref<512x64xf32, #tpu.memory_space<vmem>>, vector<16xf32>,
      %add3A_420 = arith.constant 32 : i32
      %add3A_421 = arith.addi %squeeze3A_385, %add3A_420 : i32
      %get3A_422 = arith.index_cast %add3A_421 : i32 to index
      %get3A_423 = tpu.vector_load %arg14[%get3A_422] {strides = array<i32>} : memref<8320xf32, #tpu.memory_space<vmem>>, vector<16xf32>,
      %mul3A_424 = vector.broadcast %squeeze3A_387 : f32 to vector<16xf32>
      %mul3A_425 = arith.mulf %mul3A_424, %get3A_11 : vector<16xf32>
      %add3A_426 = arith.addf %get3A_423, %mul3A_425 : vector<16xf32>
      %mul3A_427 = vector.broadcast %squeeze3A_389 : f32 to vector<16xf32>
      %mul3A_428 = arith.mulf %mul3A_427, %get3A_19 : vector<16xf32>
      %add3A_429 = arith.addf %add3A_426, %mul3A_428 : vector<16xf32>
      %add3A_430 = arith.constant 5 : i32
      %add3A_431 = arith.addi %mul3A_47, %add3A_430 : i32
      %swap3A_432 = arith.index_cast %add3A_431 : i32 to index
      %swap3A_433 = arith.constant 32 : index
      %swap3A_434 = tpu.vector_load %arg17[%swap3A_432, %swap3A_433] {strides = array<i32>} : memref<512x64xf32, #tpu.memory_space<vmem>>, vector<16xf32>,
      tpu.vector_store %arg17[%swap3A_432, %swap3A_433], %add3A_429 {strides = array<i32>} : memref<512x64xf32, #tpu.memory_space<vmem>>, vector<16xf32>,
      %add3A_435 = arith.constant 48 : i32
      %add3A_436 = arith.addi %squeeze3A_385, %add3A_435 : i32
      %get3A_437 = arith.index_cast %add3A_436 : i32 to index
      %get3A_438 = tpu.vector_load %arg14[%get3A_437] {strides = array<i32>} : memref<8320xf32, #tpu.memory_space<vmem>>, vector<16xf32>,
      %mul3A_439 = vector.broadcast %squeeze3A_387 : f32 to vector<16xf32>
      %mul3A_440 = arith.mulf %mul3A_439, %get3A_13 : vector<16xf32>
      %add3A_441 = arith.addf %get3A_438, %mul3A_440 : vector<16xf32>
      %mul3A_442 = vector.broadcast %squeeze3A_389 : f32 to vector<16xf32>
      %mul3A_443 = arith.mulf %mul3A_442, %get3A_21 : vector<16xf32>
      %add3A_444 = arith.addf %add3A_441, %mul3A_443 : vector<16xf32>
      %add3A_445 = arith.constant 5 : i32
      %add3A_446 = arith.addi %mul3A_47, %add3A_445 : i32
      %swap3A_447 = arith.index_cast %add3A_446 : i32 to index
      %swap3A_448 = arith.constant 48 : index
      %swap3A_449 = tpu.vector_load %arg17[%swap3A_447, %swap3A_448] {strides = array<i32>} : memref<512x64xf32, #tpu.memory_space<vmem>>, vector<16xf32>,
      tpu.vector_store %arg17[%swap3A_447, %swap3A_448], %add3A_444 {strides = array<i32>} : memref<512x64xf32, #tpu.memory_space<vmem>>, vector<16xf32>,
      %slice3A_450 = vector.extract_strided_slice %mul3A_52 {offsets = [6], sizes = [1], strides = [1]} : vector<16xi32> to vector<1xi32>
      %squeeze3A_451 = vector.extract %slice3A_450[0] : i32 from vector<1xi32>
      %slice3A_452 = vector.extract_strided_slice %get3A_54 {offsets = [6], sizes = [1], strides = [1]} : vector<16xf32> to vector<1xf32>
      %squeeze3A_453 = vector.extract %slice3A_452[0] : f32 from vector<1xf32>
      %slice3A_454 = vector.extract_strided_slice %get3A_56 {offsets = [6], sizes = [1], strides = [1]} : vector<16xf32> to vector<1xf32>
      %squeeze3A_455 = vector.extract %slice3A_454[0] : f32 from vector<1xf32>
      %add3A_456 = arith.constant 0 : i32
      %add3A_457 = arith.addi %squeeze3A_451, %add3A_456 : i32
      %get3A_458 = arith.index_cast %add3A_457 : i32 to index
      %get3A_459 = tpu.vector_load %arg14[%get3A_458] {strides = array<i32>} : memref<8320xf32, #tpu.memory_space<vmem>>, vector<16xf32>,
      %mul3A_460 = vector.broadcast %squeeze3A_453 : f32 to vector<16xf32>
      %mul3A_461 = arith.mulf %mul3A_460, %get3A_7 : vector<16xf32>
      %add3A_462 = arith.addf %get3A_459, %mul3A_461 : vector<16xf32>
      %mul3A_463 = vector.broadcast %squeeze3A_455 : f32 to vector<16xf32>
      %mul3A_464 = arith.mulf %mul3A_463, %get3A_15 : vector<16xf32>
      %add3A_465 = arith.addf %add3A_462, %mul3A_464 : vector<16xf32>
      %add3A_466 = arith.constant 6 : i32
      %add3A_467 = arith.addi %mul3A_47, %add3A_466 : i32
      %swap3A_468 = arith.index_cast %add3A_467 : i32 to index
      %swap3A_469 = arith.constant 0 : index
      %swap3A_470 = tpu.vector_load %arg17[%swap3A_468, %swap3A_469] {strides = array<i32>} : memref<512x64xf32, #tpu.memory_space<vmem>>, vector<16xf32>,
      tpu.vector_store %arg17[%swap3A_468, %swap3A_469], %add3A_465 {strides = array<i32>} : memref<512x64xf32, #tpu.memory_space<vmem>>, vector<16xf32>,
      %add3A_471 = arith.constant 16 : i32
      %add3A_472 = arith.addi %squeeze3A_451, %add3A_471 : i32
      %get3A_473 = arith.index_cast %add3A_472 : i32 to index
      %get3A_474 = tpu.vector_load %arg14[%get3A_473] {strides = array<i32>} : memref<8320xf32, #tpu.memory_space<vmem>>, vector<16xf32>,
      %mul3A_475 = vector.broadcast %squeeze3A_453 : f32 to vector<16xf32>
      %mul3A_476 = arith.mulf %mul3A_475, %get3A_9 : vector<16xf32>
      %add3A_477 = arith.addf %get3A_474, %mul3A_476 : vector<16xf32>
      %mul3A_478 = vector.broadcast %squeeze3A_455 : f32 to vector<16xf32>
      %mul3A_479 = arith.mulf %mul3A_478, %get3A_17 : vector<16xf32>
      %add3A_480 = arith.addf %add3A_477, %mul3A_479 : vector<16xf32>
      %add3A_481 = arith.constant 6 : i32
      %add3A_482 = arith.addi %mul3A_47, %add3A_481 : i32
      %swap3A_483 = arith.index_cast %add3A_482 : i32 to index
      %swap3A_484 = arith.constant 16 : index
      %swap3A_485 = tpu.vector_load %arg17[%swap3A_483, %swap3A_484] {strides = array<i32>} : memref<512x64xf32, #tpu.memory_space<vmem>>, vector<16xf32>,
      tpu.vector_store %arg17[%swap3A_483, %swap3A_484], %add3A_480 {strides = array<i32>} : memref<512x64xf32, #tpu.memory_space<vmem>>, vector<16xf32>,
      %add3A_486 = arith.constant 32 : i32
      %add3A_487 = arith.addi %squeeze3A_451, %add3A_486 : i32
      %get3A_488 = arith.index_cast %add3A_487 : i32 to index
      %get3A_489 = tpu.vector_load %arg14[%get3A_488] {strides = array<i32>} : memref<8320xf32, #tpu.memory_space<vmem>>, vector<16xf32>,
      %mul3A_490 = vector.broadcast %squeeze3A_453 : f32 to vector<16xf32>
      %mul3A_491 = arith.mulf %mul3A_490, %get3A_11 : vector<16xf32>
      %add3A_492 = arith.addf %get3A_489, %mul3A_491 : vector<16xf32>
      %mul3A_493 = vector.broadcast %squeeze3A_455 : f32 to vector<16xf32>
      %mul3A_494 = arith.mulf %mul3A_493, %get3A_19 : vector<16xf32>
      %add3A_495 = arith.addf %add3A_492, %mul3A_494 : vector<16xf32>
      %add3A_496 = arith.constant 6 : i32
      %add3A_497 = arith.addi %mul3A_47, %add3A_496 : i32
      %swap3A_498 = arith.index_cast %add3A_497 : i32 to index
      %swap3A_499 = arith.constant 32 : index
      %swap3A_500 = tpu.vector_load %arg17[%swap3A_498, %swap3A_499] {strides = array<i32>} : memref<512x64xf32, #tpu.memory_space<vmem>>, vector<16xf32>,
      tpu.vector_store %arg17[%swap3A_498, %swap3A_499], %add3A_495 {strides = array<i32>} : memref<512x64xf32, #tpu.memory_space<vmem>>, vector<16xf32>,
      %add3A_501 = arith.constant 48 : i32
      %add3A_502 = arith.addi %squeeze3A_451, %add3A_501 : i32
      %get3A_503 = arith.index_cast %add3A_502 : i32 to index
      %get3A_504 = tpu.vector_load %arg14[%get3A_503] {strides = array<i32>} : memref<8320xf32, #tpu.memory_space<vmem>>, vector<16xf32>,
      %mul3A_505 = vector.broadcast %squeeze3A_453 : f32 to vector<16xf32>
      %mul3A_506 = arith.mulf %mul3A_505, %get3A_13 : vector<16xf32>
      %add3A_507 = arith.addf %get3A_504, %mul3A_506 : vector<16xf32>
      %mul3A_508 = vector.broadcast %squeeze3A_455 : f32 to vector<16xf32>
      %mul3A_509 = arith.mulf %mul3A_508, %get3A_21 : vector<16xf32>
      %add3A_510 = arith.addf %add3A_507, %mul3A_509 : vector<16xf32>
      %add3A_511 = arith.constant 6 : i32
      %add3A_512 = arith.addi %mul3A_47, %add3A_511 : i32
      %swap3A_513 = arith.index_cast %add3A_512 : i32 to index
      %swap3A_514 = arith.constant 48 : index
      %swap3A_515 = tpu.vector_load %arg17[%swap3A_513, %swap3A_514] {strides = array<i32>} : memref<512x64xf32, #tpu.memory_space<vmem>>, vector<16xf32>,
      tpu.vector_store %arg17[%swap3A_513, %swap3A_514], %add3A_510 {strides = array<i32>} : memref<512x64xf32, #tpu.memory_space<vmem>>, vector<16xf32>,
      %slice3A_516 = vector.extract_strided_slice %mul3A_52 {offsets = [7], sizes = [1], strides = [1]} : vector<16xi32> to vector<1xi32>
      %squeeze3A_517 = vector.extract %slice3A_516[0] : i32 from vector<1xi32>
      %slice3A_518 = vector.extract_strided_slice %get3A_54 {offsets = [7], sizes = [1], strides = [1]} : vector<16xf32> to vector<1xf32>
      %squeeze3A_519 = vector.extract %slice3A_518[0] : f32 from vector<1xf32>
      %slice3A_520 = vector.extract_strided_slice %get3A_56 {offsets = [7], sizes = [1], strides = [1]} : vector<16xf32> to vector<1xf32>
      %squeeze3A_521 = vector.extract %slice3A_520[0] : f32 from vector<1xf32>
      %add3A_522 = arith.constant 0 : i32
      %add3A_523 = arith.addi %squeeze3A_517, %add3A_522 : i32
      %get3A_524 = arith.index_cast %add3A_523 : i32 to index
      %get3A_525 = tpu.vector_load %arg14[%get3A_524] {strides = array<i32>} : memref<8320xf32, #tpu.memory_space<vmem>>, vector<16xf32>,
      %mul3A_526 = vector.broadcast %squeeze3A_519 : f32 to vector<16xf32>
      %mul3A_527 = arith.mulf %mul3A_526, %get3A_7 : vector<16xf32>
      %add3A_528 = arith.addf %get3A_525, %mul3A_527 : vector<16xf32>
      %mul3A_529 = vector.broadcast %squeeze3A_521 : f32 to vector<16xf32>
      %mul3A_530 = arith.mulf %mul3A_529, %get3A_15 : vector<16xf32>
      %add3A_531 = arith.addf %add3A_528, %mul3A_530 : vector<16xf32>
      %add3A_532 = arith.constant 7 : i32
      %add3A_533 = arith.addi %mul3A_47, %add3A_532 : i32
      %swap3A_534 = arith.index_cast %add3A_533 : i32 to index
      %swap3A_535 = arith.constant 0 : index
      %swap3A_536 = tpu.vector_load %arg17[%swap3A_534, %swap3A_535] {strides = array<i32>} : memref<512x64xf32, #tpu.memory_space<vmem>>, vector<16xf32>,
      tpu.vector_store %arg17[%swap3A_534, %swap3A_535], %add3A_531 {strides = array<i32>} : memref<512x64xf32, #tpu.memory_space<vmem>>, vector<16xf32>,
      %add3A_537 = arith.constant 16 : i32
      %add3A_538 = arith.addi %squeeze3A_517, %add3A_537 : i32
      %get3A_539 = arith.index_cast %add3A_538 : i32 to index
      %get3A_540 = tpu.vector_load %arg14[%get3A_539] {strides = array<i32>} : memref<8320xf32, #tpu.memory_space<vmem>>, vector<16xf32>,
      %mul3A_541 = vector.broadcast %squeeze3A_519 : f32 to vector<16xf32>
      %mul3A_542 = arith.mulf %mul3A_541, %get3A_9 : vector<16xf32>
      %add3A_543 = arith.addf %get3A_540, %mul3A_542 : vector<16xf32>
      %mul3A_544 = vector.broadcast %squeeze3A_521 : f32 to vector<16xf32>
      %mul3A_545 = arith.mulf %mul3A_544, %get3A_17 : vector<16xf32>
      %add3A_546 = arith.addf %add3A_543, %mul3A_545 : vector<16xf32>
      %add3A_547 = arith.constant 7 : i32
      %add3A_548 = arith.addi %mul3A_47, %add3A_547 : i32
      %swap3A_549 = arith.index_cast %add3A_548 : i32 to index
      %swap3A_550 = arith.constant 16 : index
      %swap3A_551 = tpu.vector_load %arg17[%swap3A_549, %swap3A_550] {strides = array<i32>} : memref<512x64xf32, #tpu.memory_space<vmem>>, vector<16xf32>,
      tpu.vector_store %arg17[%swap3A_549, %swap3A_550], %add3A_546 {strides = array<i32>} : memref<512x64xf32, #tpu.memory_space<vmem>>, vector<16xf32>,
      %add3A_552 = arith.constant 32 : i32
      %add3A_553 = arith.addi %squeeze3A_517, %add3A_552 : i32
      %get3A_554 = arith.index_cast %add3A_553 : i32 to index
      %get3A_555 = tpu.vector_load %arg14[%get3A_554] {strides = array<i32>} : memref<8320xf32, #tpu.memory_space<vmem>>, vector<16xf32>,
      %mul3A_556 = vector.broadcast %squeeze3A_519 : f32 to vector<16xf32>
      %mul3A_557 = arith.mulf %mul3A_556, %get3A_11 : vector<16xf32>
      %add3A_558 = arith.addf %get3A_555, %mul3A_557 : vector<16xf32>
      %mul3A_559 = vector.broadcast %squeeze3A_521 : f32 to vector<16xf32>
      %mul3A_560 = arith.mulf %mul3A_559, %get3A_19 : vector<16xf32>
      %add3A_561 = arith.addf %add3A_558, %mul3A_560 : vector<16xf32>
      %add3A_562 = arith.constant 7 : i32
      %add3A_563 = arith.addi %mul3A_47, %add3A_562 : i32
      %swap3A_564 = arith.index_cast %add3A_563 : i32 to index
      %swap3A_565 = arith.constant 32 : index
      %swap3A_566 = tpu.vector_load %arg17[%swap3A_564, %swap3A_565] {strides = array<i32>} : memref<512x64xf32, #tpu.memory_space<vmem>>, vector<16xf32>,
      tpu.vector_store %arg17[%swap3A_564, %swap3A_565], %add3A_561 {strides = array<i32>} : memref<512x64xf32, #tpu.memory_space<vmem>>, vector<16xf32>,
      %add3A_567 = arith.constant 48 : i32
      %add3A_568 = arith.addi %squeeze3A_517, %add3A_567 : i32
      %get3A_569 = arith.index_cast %add3A_568 : i32 to index
      %get3A_570 = tpu.vector_load %arg14[%get3A_569] {strides = array<i32>} : memref<8320xf32, #tpu.memory_space<vmem>>, vector<16xf32>,
      %mul3A_571 = vector.broadcast %squeeze3A_519 : f32 to vector<16xf32>
      %mul3A_572 = arith.mulf %mul3A_571, %get3A_13 : vector<16xf32>
      %add3A_573 = arith.addf %get3A_570, %mul3A_572 : vector<16xf32>
      %mul3A_574 = vector.broadcast %squeeze3A_521 : f32 to vector<16xf32>
      %mul3A_575 = arith.mulf %mul3A_574, %get3A_21 : vector<16xf32>
      %add3A_576 = arith.addf %add3A_573, %mul3A_575 : vector<16xf32>
      %add3A_577 = arith.constant 7 : i32
      %add3A_578 = arith.addi %mul3A_47, %add3A_577 : i32
      %swap3A_579 = arith.index_cast %add3A_578 : i32 to index
      %swap3A_580 = arith.constant 48 : index
      %swap3A_581 = tpu.vector_load %arg17[%swap3A_579, %swap3A_580] {strides = array<i32>} : memref<512x64xf32, #tpu.memory_space<vmem>>, vector<16xf32>,
      tpu.vector_store %arg17[%swap3A_579, %swap3A_580], %add3A_576 {strides = array<i32>} : memref<512x64xf32, #tpu.memory_space<vmem>>, vector<16xf32>,
      %slice3A_582 = vector.extract_strided_slice %mul3A_52 {offsets = [8], sizes = [1], strides = [1]} : vector<16xi32> to vector<1xi32>
      %squeeze3A_583 = vector.extract %slice3A_582[0] : i32 from vector<1xi32>
      %slice3A_584 = vector.extract_strided_slice %get3A_54 {offsets = [8], sizes = [1], strides = [1]} : vector<16xf32> to vector<1xf32>
      %squeeze3A_585 = vector.extract %slice3A_584[0] : f32 from vector<1xf32>
      %slice3A_586 = vector.extract_strided_slice %get3A_56 {offsets = [8], sizes = [1], strides = [1]} : vector<16xf32> to vector<1xf32>
      %squeeze3A_587 = vector.extract %slice3A_586[0] : f32 from vector<1xf32>
      %add3A_588 = arith.constant 0 : i32
      %add3A_589 = arith.addi %squeeze3A_583, %add3A_588 : i32
      %get3A_590 = arith.index_cast %add3A_589 : i32 to index
      %get3A_591 = tpu.vector_load %arg14[%get3A_590] {strides = array<i32>} : memref<8320xf32, #tpu.memory_space<vmem>>, vector<16xf32>,
      %mul3A_592 = vector.broadcast %squeeze3A_585 : f32 to vector<16xf32>
      %mul3A_593 = arith.mulf %mul3A_592, %get3A_7 : vector<16xf32>
      %add3A_594 = arith.addf %get3A_591, %mul3A_593 : vector<16xf32>
      %mul3A_595 = vector.broadcast %squeeze3A_587 : f32 to vector<16xf32>
      %mul3A_596 = arith.mulf %mul3A_595, %get3A_15 : vector<16xf32>
      %add3A_597 = arith.addf %add3A_594, %mul3A_596 : vector<16xf32>
      %add3A_598 = arith.constant 8 : i32
      %add3A_599 = arith.addi %mul3A_47, %add3A_598 : i32
      %swap3A_600 = arith.index_cast %add3A_599 : i32 to index
      %swap3A_601 = arith.constant 0 : index
      %swap3A_602 = tpu.vector_load %arg17[%swap3A_600, %swap3A_601] {strides = array<i32>} : memref<512x64xf32, #tpu.memory_space<vmem>>, vector<16xf32>,
      tpu.vector_store %arg17[%swap3A_600, %swap3A_601], %add3A_597 {strides = array<i32>} : memref<512x64xf32, #tpu.memory_space<vmem>>, vector<16xf32>,
      %add3A_603 = arith.constant 16 : i32
      %add3A_604 = arith.addi %squeeze3A_583, %add3A_603 : i32
      %get3A_605 = arith.index_cast %add3A_604 : i32 to index
      %get3A_606 = tpu.vector_load %arg14[%get3A_605] {strides = array<i32>} : memref<8320xf32, #tpu.memory_space<vmem>>, vector<16xf32>,
      %mul3A_607 = vector.broadcast %squeeze3A_585 : f32 to vector<16xf32>
      %mul3A_608 = arith.mulf %mul3A_607, %get3A_9 : vector<16xf32>
      %add3A_609 = arith.addf %get3A_606, %mul3A_608 : vector<16xf32>
      %mul3A_610 = vector.broadcast %squeeze3A_587 : f32 to vector<16xf32>
      %mul3A_611 = arith.mulf %mul3A_610, %get3A_17 : vector<16xf32>
      %add3A_612 = arith.addf %add3A_609, %mul3A_611 : vector<16xf32>
      %add3A_613 = arith.constant 8 : i32
      %add3A_614 = arith.addi %mul3A_47, %add3A_613 : i32
      %swap3A_615 = arith.index_cast %add3A_614 : i32 to index
      %swap3A_616 = arith.constant 16 : index
      %swap3A_617 = tpu.vector_load %arg17[%swap3A_615, %swap3A_616] {strides = array<i32>} : memref<512x64xf32, #tpu.memory_space<vmem>>, vector<16xf32>,
      tpu.vector_store %arg17[%swap3A_615, %swap3A_616], %add3A_612 {strides = array<i32>} : memref<512x64xf32, #tpu.memory_space<vmem>>, vector<16xf32>,
      %add3A_618 = arith.constant 32 : i32
      %add3A_619 = arith.addi %squeeze3A_583, %add3A_618 : i32
      %get3A_620 = arith.index_cast %add3A_619 : i32 to index
      %get3A_621 = tpu.vector_load %arg14[%get3A_620] {strides = array<i32>} : memref<8320xf32, #tpu.memory_space<vmem>>, vector<16xf32>,
      %mul3A_622 = vector.broadcast %squeeze3A_585 : f32 to vector<16xf32>
      %mul3A_623 = arith.mulf %mul3A_622, %get3A_11 : vector<16xf32>
      %add3A_624 = arith.addf %get3A_621, %mul3A_623 : vector<16xf32>
      %mul3A_625 = vector.broadcast %squeeze3A_587 : f32 to vector<16xf32>
      %mul3A_626 = arith.mulf %mul3A_625, %get3A_19 : vector<16xf32>
      %add3A_627 = arith.addf %add3A_624, %mul3A_626 : vector<16xf32>
      %add3A_628 = arith.constant 8 : i32
      %add3A_629 = arith.addi %mul3A_47, %add3A_628 : i32
      %swap3A_630 = arith.index_cast %add3A_629 : i32 to index
      %swap3A_631 = arith.constant 32 : index
      %swap3A_632 = tpu.vector_load %arg17[%swap3A_630, %swap3A_631] {strides = array<i32>} : memref<512x64xf32, #tpu.memory_space<vmem>>, vector<16xf32>,
      tpu.vector_store %arg17[%swap3A_630, %swap3A_631], %add3A_627 {strides = array<i32>} : memref<512x64xf32, #tpu.memory_space<vmem>>, vector<16xf32>,
      %add3A_633 = arith.constant 48 : i32
      %add3A_634 = arith.addi %squeeze3A_583, %add3A_633 : i32
      %get3A_635 = arith.index_cast %add3A_634 : i32 to index
      %get3A_636 = tpu.vector_load %arg14[%get3A_635] {strides = array<i32>} : memref<8320xf32, #tpu.memory_space<vmem>>, vector<16xf32>,
      %mul3A_637 = vector.broadcast %squeeze3A_585 : f32 to vector<16xf32>
      %mul3A_638 = arith.mulf %mul3A_637, %get3A_13 : vector<16xf32>
      %add3A_639 = arith.addf %get3A_636, %mul3A_638 : vector<16xf32>
      %mul3A_640 = vector.broadcast %squeeze3A_587 : f32 to vector<16xf32>
      %mul3A_641 = arith.mulf %mul3A_640, %get3A_21 : vector<16xf32>
      %add3A_642 = arith.addf %add3A_639, %mul3A_641 : vector<16xf32>
      %add3A_643 = arith.constant 8 : i32
      %add3A_644 = arith.addi %mul3A_47, %add3A_643 : i32
      %swap3A_645 = arith.index_cast %add3A_644 : i32 to index
      %swap3A_646 = arith.constant 48 : index
      %swap3A_647 = tpu.vector_load %arg17[%swap3A_645, %swap3A_646] {strides = array<i32>} : memref<512x64xf32, #tpu.memory_space<vmem>>, vector<16xf32>,
      tpu.vector_store %arg17[%swap3A_645, %swap3A_646], %add3A_642 {strides = array<i32>} : memref<512x64xf32, #tpu.memory_space<vmem>>, vector<16xf32>,
      %slice3A_648 = vector.extract_strided_slice %mul3A_52 {offsets = [9], sizes = [1], strides = [1]} : vector<16xi32> to vector<1xi32>
      %squeeze3A_649 = vector.extract %slice3A_648[0] : i32 from vector<1xi32>
      %slice3A_650 = vector.extract_strided_slice %get3A_54 {offsets = [9], sizes = [1], strides = [1]} : vector<16xf32> to vector<1xf32>
      %squeeze3A_651 = vector.extract %slice3A_650[0] : f32 from vector<1xf32>
      %slice3A_652 = vector.extract_strided_slice %get3A_56 {offsets = [9], sizes = [1], strides = [1]} : vector<16xf32> to vector<1xf32>
      %squeeze3A_653 = vector.extract %slice3A_652[0] : f32 from vector<1xf32>
      %add3A_654 = arith.constant 0 : i32
      %add3A_655 = arith.addi %squeeze3A_649, %add3A_654 : i32
      %get3A_656 = arith.index_cast %add3A_655 : i32 to index
      %get3A_657 = tpu.vector_load %arg14[%get3A_656] {strides = array<i32>} : memref<8320xf32, #tpu.memory_space<vmem>>, vector<16xf32>,
      %mul3A_658 = vector.broadcast %squeeze3A_651 : f32 to vector<16xf32>
      %mul3A_659 = arith.mulf %mul3A_658, %get3A_7 : vector<16xf32>
      %add3A_660 = arith.addf %get3A_657, %mul3A_659 : vector<16xf32>
      %mul3A_661 = vector.broadcast %squeeze3A_653 : f32 to vector<16xf32>
      %mul3A_662 = arith.mulf %mul3A_661, %get3A_15 : vector<16xf32>
      %add3A_663 = arith.addf %add3A_660, %mul3A_662 : vector<16xf32>
      %add3A_664 = arith.constant 9 : i32
      %add3A_665 = arith.addi %mul3A_47, %add3A_664 : i32
      %swap3A_666 = arith.index_cast %add3A_665 : i32 to index
      %swap3A_667 = arith.constant 0 : index
      %swap3A_668 = tpu.vector_load %arg17[%swap3A_666, %swap3A_667] {strides = array<i32>} : memref<512x64xf32, #tpu.memory_space<vmem>>, vector<16xf32>,
      tpu.vector_store %arg17[%swap3A_666, %swap3A_667], %add3A_663 {strides = array<i32>} : memref<512x64xf32, #tpu.memory_space<vmem>>, vector<16xf32>,
      %add3A_669 = arith.constant 16 : i32
      %add3A_670 = arith.addi %squeeze3A_649, %add3A_669 : i32
      %get3A_671 = arith.index_cast %add3A_670 : i32 to index
      %get3A_672 = tpu.vector_load %arg14[%get3A_671] {strides = array<i32>} : memref<8320xf32, #tpu.memory_space<vmem>>, vector<16xf32>,
      %mul3A_673 = vector.broadcast %squeeze3A_651 : f32 to vector<16xf32>
      %mul3A_674 = arith.mulf %mul3A_673, %get3A_9 : vector<16xf32>
      %add3A_675 = arith.addf %get3A_672, %mul3A_674 : vector<16xf32>
      %mul3A_676 = vector.broadcast %squeeze3A_653 : f32 to vector<16xf32>
      %mul3A_677 = arith.mulf %mul3A_676, %get3A_17 : vector<16xf32>
      %add3A_678 = arith.addf %add3A_675, %mul3A_677 : vector<16xf32>
      %add3A_679 = arith.constant 9 : i32
      %add3A_680 = arith.addi %mul3A_47, %add3A_679 : i32
      %swap3A_681 = arith.index_cast %add3A_680 : i32 to index
      %swap3A_682 = arith.constant 16 : index
      %swap3A_683 = tpu.vector_load %arg17[%swap3A_681, %swap3A_682] {strides = array<i32>} : memref<512x64xf32, #tpu.memory_space<vmem>>, vector<16xf32>,
      tpu.vector_store %arg17[%swap3A_681, %swap3A_682], %add3A_678 {strides = array<i32>} : memref<512x64xf32, #tpu.memory_space<vmem>>, vector<16xf32>,
      %add3A_684 = arith.constant 32 : i32
      %add3A_685 = arith.addi %squeeze3A_649, %add3A_684 : i32
      %get3A_686 = arith.index_cast %add3A_685 : i32 to index
      %get3A_687 = tpu.vector_load %arg14[%get3A_686] {strides = array<i32>} : memref<8320xf32, #tpu.memory_space<vmem>>, vector<16xf32>,
      %mul3A_688 = vector.broadcast %squeeze3A_651 : f32 to vector<16xf32>
      %mul3A_689 = arith.mulf %mul3A_688, %get3A_11 : vector<16xf32>
      %add3A_690 = arith.addf %get3A_687, %mul3A_689 : vector<16xf32>
      %mul3A_691 = vector.broadcast %squeeze3A_653 : f32 to vector<16xf32>
      %mul3A_692 = arith.mulf %mul3A_691, %get3A_19 : vector<16xf32>
      %add3A_693 = arith.addf %add3A_690, %mul3A_692 : vector<16xf32>
      %add3A_694 = arith.constant 9 : i32
      %add3A_695 = arith.addi %mul3A_47, %add3A_694 : i32
      %swap3A_696 = arith.index_cast %add3A_695 : i32 to index
      %swap3A_697 = arith.constant 32 : index
      %swap3A_698 = tpu.vector_load %arg17[%swap3A_696, %swap3A_697] {strides = array<i32>} : memref<512x64xf32, #tpu.memory_space<vmem>>, vector<16xf32>,
      tpu.vector_store %arg17[%swap3A_696, %swap3A_697], %add3A_693 {strides = array<i32>} : memref<512x64xf32, #tpu.memory_space<vmem>>, vector<16xf32>,
      %add3A_699 = arith.constant 48 : i32
      %add3A_700 = arith.addi %squeeze3A_649, %add3A_699 : i32
      %get3A_701 = arith.index_cast %add3A_700 : i32 to index
      %get3A_702 = tpu.vector_load %arg14[%get3A_701] {strides = array<i32>} : memref<8320xf32, #tpu.memory_space<vmem>>, vector<16xf32>,
      %mul3A_703 = vector.broadcast %squeeze3A_651 : f32 to vector<16xf32>
      %mul3A_704 = arith.mulf %mul3A_703, %get3A_13 : vector<16xf32>
      %add3A_705 = arith.addf %get3A_702, %mul3A_704 : vector<16xf32>
      %mul3A_706 = vector.broadcast %squeeze3A_653 : f32 to vector<16xf32>
      %mul3A_707 = arith.mulf %mul3A_706, %get3A_21 : vector<16xf32>
      %add3A_708 = arith.addf %add3A_705, %mul3A_707 : vector<16xf32>
      %add3A_709 = arith.constant 9 : i32
      %add3A_710 = arith.addi %mul3A_47, %add3A_709 : i32
      %swap3A_711 = arith.index_cast %add3A_710 : i32 to index
      %swap3A_712 = arith.constant 48 : index
      %swap3A_713 = tpu.vector_load %arg17[%swap3A_711, %swap3A_712] {strides = array<i32>} : memref<512x64xf32, #tpu.memory_space<vmem>>, vector<16xf32>,
      tpu.vector_store %arg17[%swap3A_711, %swap3A_712], %add3A_708 {strides = array<i32>} : memref<512x64xf32, #tpu.memory_space<vmem>>, vector<16xf32>,
      %slice3A_714 = vector.extract_strided_slice %mul3A_52 {offsets = [10], sizes = [1], strides = [1]} : vector<16xi32> to vector<1xi32>
      %squeeze3A_715 = vector.extract %slice3A_714[0] : i32 from vector<1xi32>
      %slice3A_716 = vector.extract_strided_slice %get3A_54 {offsets = [10], sizes = [1], strides = [1]} : vector<16xf32> to vector<1xf32>
      %squeeze3A_717 = vector.extract %slice3A_716[0] : f32 from vector<1xf32>
      %slice3A_718 = vector.extract_strided_slice %get3A_56 {offsets = [10], sizes = [1], strides = [1]} : vector<16xf32> to vector<1xf32>
      %squeeze3A_719 = vector.extract %slice3A_718[0] : f32 from vector<1xf32>
      %add3A_720 = arith.constant 0 : i32
      %add3A_721 = arith.addi %squeeze3A_715, %add3A_720 : i32
      %get3A_722 = arith.index_cast %add3A_721 : i32 to index
      %get3A_723 = tpu.vector_load %arg14[%get3A_722] {strides = array<i32>} : memref<8320xf32, #tpu.memory_space<vmem>>, vector<16xf32>,
      %mul3A_724 = vector.broadcast %squeeze3A_717 : f32 to vector<16xf32>
      %mul3A_725 = arith.mulf %mul3A_724, %get3A_7 : vector<16xf32>
      %add3A_726 = arith.addf %get3A_723, %mul3A_725 : vector<16xf32>
      %mul3A_727 = vector.broadcast %squeeze3A_719 : f32 to vector<16xf32>
      %mul3A_728 = arith.mulf %mul3A_727, %get3A_15 : vector<16xf32>
      %add3A_729 = arith.addf %add3A_726, %mul3A_728 : vector<16xf32>
      %add3A_730 = arith.constant 10 : i32
      %add3A_731 = arith.addi %mul3A_47, %add3A_730 : i32
      %swap3A_732 = arith.index_cast %add3A_731 : i32 to index
      %swap3A_733 = arith.constant 0 : index
      %swap3A_734 = tpu.vector_load %arg17[%swap3A_732, %swap3A_733] {strides = array<i32>} : memref<512x64xf32, #tpu.memory_space<vmem>>, vector<16xf32>,
      tpu.vector_store %arg17[%swap3A_732, %swap3A_733], %add3A_729 {strides = array<i32>} : memref<512x64xf32, #tpu.memory_space<vmem>>, vector<16xf32>,
      %add3A_735 = arith.constant 16 : i32
      %add3A_736 = arith.addi %squeeze3A_715, %add3A_735 : i32
      %get3A_737 = arith.index_cast %add3A_736 : i32 to index
      %get3A_738 = tpu.vector_load %arg14[%get3A_737] {strides = array<i32>} : memref<8320xf32, #tpu.memory_space<vmem>>, vector<16xf32>,
      %mul3A_739 = vector.broadcast %squeeze3A_717 : f32 to vector<16xf32>
      %mul3A_740 = arith.mulf %mul3A_739, %get3A_9 : vector<16xf32>
      %add3A_741 = arith.addf %get3A_738, %mul3A_740 : vector<16xf32>
      %mul3A_742 = vector.broadcast %squeeze3A_719 : f32 to vector<16xf32>
      %mul3A_743 = arith.mulf %mul3A_742, %get3A_17 : vector<16xf32>
      %add3A_744 = arith.addf %add3A_741, %mul3A_743 : vector<16xf32>
      %add3A_745 = arith.constant 10 : i32
      %add3A_746 = arith.addi %mul3A_47, %add3A_745 : i32
      %swap3A_747 = arith.index_cast %add3A_746 : i32 to index
      %swap3A_748 = arith.constant 16 : index
      %swap3A_749 = tpu.vector_load %arg17[%swap3A_747, %swap3A_748] {strides = array<i32>} : memref<512x64xf32, #tpu.memory_space<vmem>>, vector<16xf32>,
      tpu.vector_store %arg17[%swap3A_747, %swap3A_748], %add3A_744 {strides = array<i32>} : memref<512x64xf32, #tpu.memory_space<vmem>>, vector<16xf32>,
      %add3A_750 = arith.constant 32 : i32
      %add3A_751 = arith.addi %squeeze3A_715, %add3A_750 : i32
      %get3A_752 = arith.index_cast %add3A_751 : i32 to index
      %get3A_753 = tpu.vector_load %arg14[%get3A_752] {strides = array<i32>} : memref<8320xf32, #tpu.memory_space<vmem>>, vector<16xf32>,
      %mul3A_754 = vector.broadcast %squeeze3A_717 : f32 to vector<16xf32>
      %mul3A_755 = arith.mulf %mul3A_754, %get3A_11 : vector<16xf32>
      %add3A_756 = arith.addf %get3A_753, %mul3A_755 : vector<16xf32>
      %mul3A_757 = vector.broadcast %squeeze3A_719 : f32 to vector<16xf32>
      %mul3A_758 = arith.mulf %mul3A_757, %get3A_19 : vector<16xf32>
      %add3A_759 = arith.addf %add3A_756, %mul3A_758 : vector<16xf32>
      %add3A_760 = arith.constant 10 : i32
      %add3A_761 = arith.addi %mul3A_47, %add3A_760 : i32
      %swap3A_762 = arith.index_cast %add3A_761 : i32 to index
      %swap3A_763 = arith.constant 32 : index
      %swap3A_764 = tpu.vector_load %arg17[%swap3A_762, %swap3A_763] {strides = array<i32>} : memref<512x64xf32, #tpu.memory_space<vmem>>, vector<16xf32>,
      tpu.vector_store %arg17[%swap3A_762, %swap3A_763], %add3A_759 {strides = array<i32>} : memref<512x64xf32, #tpu.memory_space<vmem>>, vector<16xf32>,
      %add3A_765 = arith.constant 48 : i32
      %add3A_766 = arith.addi %squeeze3A_715, %add3A_765 : i32
      %get3A_767 = arith.index_cast %add3A_766 : i32 to index
      %get3A_768 = tpu.vector_load %arg14[%get3A_767] {strides = array<i32>} : memref<8320xf32, #tpu.memory_space<vmem>>, vector<16xf32>,
      %mul3A_769 = vector.broadcast %squeeze3A_717 : f32 to vector<16xf32>
      %mul3A_770 = arith.mulf %mul3A_769, %get3A_13 : vector<16xf32>
      %add3A_771 = arith.addf %get3A_768, %mul3A_770 : vector<16xf32>
      %mul3A_772 = vector.broadcast %squeeze3A_719 : f32 to vector<16xf32>
      %mul3A_773 = arith.mulf %mul3A_772, %get3A_21 : vector<16xf32>
      %add3A_774 = arith.addf %add3A_771, %mul3A_773 : vector<16xf32>
      %add3A_775 = arith.constant 10 : i32
      %add3A_776 = arith.addi %mul3A_47, %add3A_775 : i32
      %swap3A_777 = arith.index_cast %add3A_776 : i32 to index
      %swap3A_778 = arith.constant 48 : index
      %swap3A_779 = tpu.vector_load %arg17[%swap3A_777, %swap3A_778] {strides = array<i32>} : memref<512x64xf32, #tpu.memory_space<vmem>>, vector<16xf32>,
      tpu.vector_store %arg17[%swap3A_777, %swap3A_778], %add3A_774 {strides = array<i32>} : memref<512x64xf32, #tpu.memory_space<vmem>>, vector<16xf32>,
      %slice3A_780 = vector.extract_strided_slice %mul3A_52 {offsets = [11], sizes = [1], strides = [1]} : vector<16xi32> to vector<1xi32>
      %squeeze3A_781 = vector.extract %slice3A_780[0] : i32 from vector<1xi32>
      %slice3A_782 = vector.extract_strided_slice %get3A_54 {offsets = [11], sizes = [1], strides = [1]} : vector<16xf32> to vector<1xf32>
      %squeeze3A_783 = vector.extract %slice3A_782[0] : f32 from vector<1xf32>
      %slice3A_784 = vector.extract_strided_slice %get3A_56 {offsets = [11], sizes = [1], strides = [1]} : vector<16xf32> to vector<1xf32>
      %squeeze3A_785 = vector.extract %slice3A_784[0] : f32 from vector<1xf32>
      %add3A_786 = arith.constant 0 : i32
      %add3A_787 = arith.addi %squeeze3A_781, %add3A_786 : i32
      %get3A_788 = arith.index_cast %add3A_787 : i32 to index
      %get3A_789 = tpu.vector_load %arg14[%get3A_788] {strides = array<i32>} : memref<8320xf32, #tpu.memory_space<vmem>>, vector<16xf32>,
      %mul3A_790 = vector.broadcast %squeeze3A_783 : f32 to vector<16xf32>
      %mul3A_791 = arith.mulf %mul3A_790, %get3A_7 : vector<16xf32>
      %add3A_792 = arith.addf %get3A_789, %mul3A_791 : vector<16xf32>
      %mul3A_793 = vector.broadcast %squeeze3A_785 : f32 to vector<16xf32>
      %mul3A_794 = arith.mulf %mul3A_793, %get3A_15 : vector<16xf32>
      %add3A_795 = arith.addf %add3A_792, %mul3A_794 : vector<16xf32>
      %add3A_796 = arith.constant 11 : i32
      %add3A_797 = arith.addi %mul3A_47, %add3A_796 : i32
      %swap3A_798 = arith.index_cast %add3A_797 : i32 to index
      %swap3A_799 = arith.constant 0 : index
      %swap3A_800 = tpu.vector_load %arg17[%swap3A_798, %swap3A_799] {strides = array<i32>} : memref<512x64xf32, #tpu.memory_space<vmem>>, vector<16xf32>,
      tpu.vector_store %arg17[%swap3A_798, %swap3A_799], %add3A_795 {strides = array<i32>} : memref<512x64xf32, #tpu.memory_space<vmem>>, vector<16xf32>,
      %add3A_801 = arith.constant 16 : i32
      %add3A_802 = arith.addi %squeeze3A_781, %add3A_801 : i32
      %get3A_803 = arith.index_cast %add3A_802 : i32 to index
      %get3A_804 = tpu.vector_load %arg14[%get3A_803] {strides = array<i32>} : memref<8320xf32, #tpu.memory_space<vmem>>, vector<16xf32>,
      %mul3A_805 = vector.broadcast %squeeze3A_783 : f32 to vector<16xf32>
      %mul3A_806 = arith.mulf %mul3A_805, %get3A_9 : vector<16xf32>
      %add3A_807 = arith.addf %get3A_804, %mul3A_806 : vector<16xf32>
      %mul3A_808 = vector.broadcast %squeeze3A_785 : f32 to vector<16xf32>
      %mul3A_809 = arith.mulf %mul3A_808, %get3A_17 : vector<16xf32>
      %add3A_810 = arith.addf %add3A_807, %mul3A_809 : vector<16xf32>
      %add3A_811 = arith.constant 11 : i32
      %add3A_812 = arith.addi %mul3A_47, %add3A_811 : i32
      %swap3A_813 = arith.index_cast %add3A_812 : i32 to index
      %swap3A_814 = arith.constant 16 : index
      %swap3A_815 = tpu.vector_load %arg17[%swap3A_813, %swap3A_814] {strides = array<i32>} : memref<512x64xf32, #tpu.memory_space<vmem>>, vector<16xf32>,
      tpu.vector_store %arg17[%swap3A_813, %swap3A_814], %add3A_810 {strides = array<i32>} : memref<512x64xf32, #tpu.memory_space<vmem>>, vector<16xf32>,
      %add3A_816 = arith.constant 32 : i32
      %add3A_817 = arith.addi %squeeze3A_781, %add3A_816 : i32
      %get3A_818 = arith.index_cast %add3A_817 : i32 to index
      %get3A_819 = tpu.vector_load %arg14[%get3A_818] {strides = array<i32>} : memref<8320xf32, #tpu.memory_space<vmem>>, vector<16xf32>,
      %mul3A_820 = vector.broadcast %squeeze3A_783 : f32 to vector<16xf32>
      %mul3A_821 = arith.mulf %mul3A_820, %get3A_11 : vector<16xf32>
      %add3A_822 = arith.addf %get3A_819, %mul3A_821 : vector<16xf32>
      %mul3A_823 = vector.broadcast %squeeze3A_785 : f32 to vector<16xf32>
      %mul3A_824 = arith.mulf %mul3A_823, %get3A_19 : vector<16xf32>
      %add3A_825 = arith.addf %add3A_822, %mul3A_824 : vector<16xf32>
      %add3A_826 = arith.constant 11 : i32
      %add3A_827 = arith.addi %mul3A_47, %add3A_826 : i32
      %swap3A_828 = arith.index_cast %add3A_827 : i32 to index
      %swap3A_829 = arith.constant 32 : index
      %swap3A_830 = tpu.vector_load %arg17[%swap3A_828, %swap3A_829] {strides = array<i32>} : memref<512x64xf32, #tpu.memory_space<vmem>>, vector<16xf32>,
      tpu.vector_store %arg17[%swap3A_828, %swap3A_829], %add3A_825 {strides = array<i32>} : memref<512x64xf32, #tpu.memory_space<vmem>>, vector<16xf32>,
      %add3A_831 = arith.constant 48 : i32
      %add3A_832 = arith.addi %squeeze3A_781, %add3A_831 : i32
      %get3A_833 = arith.index_cast %add3A_832 : i32 to index
      %get3A_834 = tpu.vector_load %arg14[%get3A_833] {strides = array<i32>} : memref<8320xf32, #tpu.memory_space<vmem>>, vector<16xf32>,
      %mul3A_835 = vector.broadcast %squeeze3A_783 : f32 to vector<16xf32>
      %mul3A_836 = arith.mulf %mul3A_835, %get3A_13 : vector<16xf32>
      %add3A_837 = arith.addf %get3A_834, %mul3A_836 : vector<16xf32>
      %mul3A_838 = vector.broadcast %squeeze3A_785 : f32 to vector<16xf32>
      %mul3A_839 = arith.mulf %mul3A_838, %get3A_21 : vector<16xf32>
      %add3A_840 = arith.addf %add3A_837, %mul3A_839 : vector<16xf32>
      %add3A_841 = arith.constant 11 : i32
      %add3A_842 = arith.addi %mul3A_47, %add3A_841 : i32
      %swap3A_843 = arith.index_cast %add3A_842 : i32 to index
      %swap3A_844 = arith.constant 48 : index
      %swap3A_845 = tpu.vector_load %arg17[%swap3A_843, %swap3A_844] {strides = array<i32>} : memref<512x64xf32, #tpu.memory_space<vmem>>, vector<16xf32>,
      tpu.vector_store %arg17[%swap3A_843, %swap3A_844], %add3A_840 {strides = array<i32>} : memref<512x64xf32, #tpu.memory_space<vmem>>, vector<16xf32>,
      %slice3A_846 = vector.extract_strided_slice %mul3A_52 {offsets = [12], sizes = [1], strides = [1]} : vector<16xi32> to vector<1xi32>
      %squeeze3A_847 = vector.extract %slice3A_846[0] : i32 from vector<1xi32>
      %slice3A_848 = vector.extract_strided_slice %get3A_54 {offsets = [12], sizes = [1], strides = [1]} : vector<16xf32> to vector<1xf32>
      %squeeze3A_849 = vector.extract %slice3A_848[0] : f32 from vector<1xf32>
      %slice3A_850 = vector.extract_strided_slice %get3A_56 {offsets = [12], sizes = [1], strides = [1]} : vector<16xf32> to vector<1xf32>
      %squeeze3A_851 = vector.extract %slice3A_850[0] : f32 from vector<1xf32>
      %add3A_852 = arith.constant 0 : i32
      %add3A_853 = arith.addi %squeeze3A_847, %add3A_852 : i32
      %get3A_854 = arith.index_cast %add3A_853 : i32 to index
      %get3A_855 = tpu.vector_load %arg14[%get3A_854] {strides = array<i32>} : memref<8320xf32, #tpu.memory_space<vmem>>, vector<16xf32>,
      %mul3A_856 = vector.broadcast %squeeze3A_849 : f32 to vector<16xf32>
      %mul3A_857 = arith.mulf %mul3A_856, %get3A_7 : vector<16xf32>
      %add3A_858 = arith.addf %get3A_855, %mul3A_857 : vector<16xf32>
      %mul3A_859 = vector.broadcast %squeeze3A_851 : f32 to vector<16xf32>
      %mul3A_860 = arith.mulf %mul3A_859, %get3A_15 : vector<16xf32>
      %add3A_861 = arith.addf %add3A_858, %mul3A_860 : vector<16xf32>
      %add3A_862 = arith.constant 12 : i32
      %add3A_863 = arith.addi %mul3A_47, %add3A_862 : i32
      %swap3A_864 = arith.index_cast %add3A_863 : i32 to index
      %swap3A_865 = arith.constant 0 : index
      %swap3A_866 = tpu.vector_load %arg17[%swap3A_864, %swap3A_865] {strides = array<i32>} : memref<512x64xf32, #tpu.memory_space<vmem>>, vector<16xf32>,
      tpu.vector_store %arg17[%swap3A_864, %swap3A_865], %add3A_861 {strides = array<i32>} : memref<512x64xf32, #tpu.memory_space<vmem>>, vector<16xf32>,
      %add3A_867 = arith.constant 16 : i32
      %add3A_868 = arith.addi %squeeze3A_847, %add3A_867 : i32
      %get3A_869 = arith.index_cast %add3A_868 : i32 to index
      %get3A_870 = tpu.vector_load %arg14[%get3A_869] {strides = array<i32>} : memref<8320xf32, #tpu.memory_space<vmem>>, vector<16xf32>,
      %mul3A_871 = vector.broadcast %squeeze3A_849 : f32 to vector<16xf32>
      %mul3A_872 = arith.mulf %mul3A_871, %get3A_9 : vector<16xf32>
      %add3A_873 = arith.addf %get3A_870, %mul3A_872 : vector<16xf32>
      %mul3A_874 = vector.broadcast %squeeze3A_851 : f32 to vector<16xf32>
      %mul3A_875 = arith.mulf %mul3A_874, %get3A_17 : vector<16xf32>
      %add3A_876 = arith.addf %add3A_873, %mul3A_875 : vector<16xf32>
      %add3A_877 = arith.constant 12 : i32
      %add3A_878 = arith.addi %mul3A_47, %add3A_877 : i32
      %swap3A_879 = arith.index_cast %add3A_878 : i32 to index
      %swap3A_880 = arith.constant 16 : index
      %swap3A_881 = tpu.vector_load %arg17[%swap3A_879, %swap3A_880] {strides = array<i32>} : memref<512x64xf32, #tpu.memory_space<vmem>>, vector<16xf32>,
      tpu.vector_store %arg17[%swap3A_879, %swap3A_880], %add3A_876 {strides = array<i32>} : memref<512x64xf32, #tpu.memory_space<vmem>>, vector<16xf32>,
      %add3A_882 = arith.constant 32 : i32
      %add3A_883 = arith.addi %squeeze3A_847, %add3A_882 : i32
      %get3A_884 = arith.index_cast %add3A_883 : i32 to index
      %get3A_885 = tpu.vector_load %arg14[%get3A_884] {strides = array<i32>} : memref<8320xf32, #tpu.memory_space<vmem>>, vector<16xf32>,
      %mul3A_886 = vector.broadcast %squeeze3A_849 : f32 to vector<16xf32>
      %mul3A_887 = arith.mulf %mul3A_886, %get3A_11 : vector<16xf32>
      %add3A_888 = arith.addf %get3A_885, %mul3A_887 : vector<16xf32>
      %mul3A_889 = vector.broadcast %squeeze3A_851 : f32 to vector<16xf32>
      %mul3A_890 = arith.mulf %mul3A_889, %get3A_19 : vector<16xf32>
      %add3A_891 = arith.addf %add3A_888, %mul3A_890 : vector<16xf32>
      %add3A_892 = arith.constant 12 : i32
      %add3A_893 = arith.addi %mul3A_47, %add3A_892 : i32
      %swap3A_894 = arith.index_cast %add3A_893 : i32 to index
      %swap3A_895 = arith.constant 32 : index
      %swap3A_896 = tpu.vector_load %arg17[%swap3A_894, %swap3A_895] {strides = array<i32>} : memref<512x64xf32, #tpu.memory_space<vmem>>, vector<16xf32>,
      tpu.vector_store %arg17[%swap3A_894, %swap3A_895], %add3A_891 {strides = array<i32>} : memref<512x64xf32, #tpu.memory_space<vmem>>, vector<16xf32>,
      %add3A_897 = arith.constant 48 : i32
      %add3A_898 = arith.addi %squeeze3A_847, %add3A_897 : i32
      %get3A_899 = arith.index_cast %add3A_898 : i32 to index
      %get3A_900 = tpu.vector_load %arg14[%get3A_899] {strides = array<i32>} : memref<8320xf32, #tpu.memory_space<vmem>>, vector<16xf32>,
      %mul3A_901 = vector.broadcast %squeeze3A_849 : f32 to vector<16xf32>
      %mul3A_902 = arith.mulf %mul3A_901, %get3A_13 : vector<16xf32>
      %add3A_903 = arith.addf %get3A_900, %mul3A_902 : vector<16xf32>
      %mul3A_904 = vector.broadcast %squeeze3A_851 : f32 to vector<16xf32>
      %mul3A_905 = arith.mulf %mul3A_904, %get3A_21 : vector<16xf32>
      %add3A_906 = arith.addf %add3A_903, %mul3A_905 : vector<16xf32>
      %add3A_907 = arith.constant 12 : i32
      %add3A_908 = arith.addi %mul3A_47, %add3A_907 : i32
      %swap3A_909 = arith.index_cast %add3A_908 : i32 to index
      %swap3A_910 = arith.constant 48 : index
      %swap3A_911 = tpu.vector_load %arg17[%swap3A_909, %swap3A_910] {strides = array<i32>} : memref<512x64xf32, #tpu.memory_space<vmem>>, vector<16xf32>,
      tpu.vector_store %arg17[%swap3A_909, %swap3A_910], %add3A_906 {strides = array<i32>} : memref<512x64xf32, #tpu.memory_space<vmem>>, vector<16xf32>,
      %slice3A_912 = vector.extract_strided_slice %mul3A_52 {offsets = [13], sizes = [1], strides = [1]} : vector<16xi32> to vector<1xi32>
      %squeeze3A_913 = vector.extract %slice3A_912[0] : i32 from vector<1xi32>
      %slice3A_914 = vector.extract_strided_slice %get3A_54 {offsets = [13], sizes = [1], strides = [1]} : vector<16xf32> to vector<1xf32>
      %squeeze3A_915 = vector.extract %slice3A_914[0] : f32 from vector<1xf32>
      %slice3A_916 = vector.extract_strided_slice %get3A_56 {offsets = [13], sizes = [1], strides = [1]} : vector<16xf32> to vector<1xf32>
      %squeeze3A_917 = vector.extract %slice3A_916[0] : f32 from vector<1xf32>
      %add3A_918 = arith.constant 0 : i32
      %add3A_919 = arith.addi %squeeze3A_913, %add3A_918 : i32
      %get3A_920 = arith.index_cast %add3A_919 : i32 to index
      %get3A_921 = tpu.vector_load %arg14[%get3A_920] {strides = array<i32>} : memref<8320xf32, #tpu.memory_space<vmem>>, vector<16xf32>,
      %mul3A_922 = vector.broadcast %squeeze3A_915 : f32 to vector<16xf32>
      %mul3A_923 = arith.mulf %mul3A_922, %get3A_7 : vector<16xf32>
      %add3A_924 = arith.addf %get3A_921, %mul3A_923 : vector<16xf32>
      %mul3A_925 = vector.broadcast %squeeze3A_917 : f32 to vector<16xf32>
      %mul3A_926 = arith.mulf %mul3A_925, %get3A_15 : vector<16xf32>
      %add3A_927 = arith.addf %add3A_924, %mul3A_926 : vector<16xf32>
      %add3A_928 = arith.constant 13 : i32
      %add3A_929 = arith.addi %mul3A_47, %add3A_928 : i32
      %swap3A_930 = arith.index_cast %add3A_929 : i32 to index
      %swap3A_931 = arith.constant 0 : index
      %swap3A_932 = tpu.vector_load %arg17[%swap3A_930, %swap3A_931] {strides = array<i32>} : memref<512x64xf32, #tpu.memory_space<vmem>>, vector<16xf32>,
      tpu.vector_store %arg17[%swap3A_930, %swap3A_931], %add3A_927 {strides = array<i32>} : memref<512x64xf32, #tpu.memory_space<vmem>>, vector<16xf32>,
      %add3A_933 = arith.constant 16 : i32
      %add3A_934 = arith.addi %squeeze3A_913, %add3A_933 : i32
      %get3A_935 = arith.index_cast %add3A_934 : i32 to index
      %get3A_936 = tpu.vector_load %arg14[%get3A_935] {strides = array<i32>} : memref<8320xf32, #tpu.memory_space<vmem>>, vector<16xf32>,
      %mul3A_937 = vector.broadcast %squeeze3A_915 : f32 to vector<16xf32>
      %mul3A_938 = arith.mulf %mul3A_937, %get3A_9 : vector<16xf32>
      %add3A_939 = arith.addf %get3A_936, %mul3A_938 : vector<16xf32>
      %mul3A_940 = vector.broadcast %squeeze3A_917 : f32 to vector<16xf32>
      %mul3A_941 = arith.mulf %mul3A_940, %get3A_17 : vector<16xf32>
      %add3A_942 = arith.addf %add3A_939, %mul3A_941 : vector<16xf32>
      %add3A_943 = arith.constant 13 : i32
      %add3A_944 = arith.addi %mul3A_47, %add3A_943 : i32
      %swap3A_945 = arith.index_cast %add3A_944 : i32 to index
      %swap3A_946 = arith.constant 16 : index
      %swap3A_947 = tpu.vector_load %arg17[%swap3A_945, %swap3A_946] {strides = array<i32>} : memref<512x64xf32, #tpu.memory_space<vmem>>, vector<16xf32>,
      tpu.vector_store %arg17[%swap3A_945, %swap3A_946], %add3A_942 {strides = array<i32>} : memref<512x64xf32, #tpu.memory_space<vmem>>, vector<16xf32>,
      %add3A_948 = arith.constant 32 : i32
      %add3A_949 = arith.addi %squeeze3A_913, %add3A_948 : i32
      %get3A_950 = arith.index_cast %add3A_949 : i32 to index
      %get3A_951 = tpu.vector_load %arg14[%get3A_950] {strides = array<i32>} : memref<8320xf32, #tpu.memory_space<vmem>>, vector<16xf32>,
      %mul3A_952 = vector.broadcast %squeeze3A_915 : f32 to vector<16xf32>
      %mul3A_953 = arith.mulf %mul3A_952, %get3A_11 : vector<16xf32>
      %add3A_954 = arith.addf %get3A_951, %mul3A_953 : vector<16xf32>
      %mul3A_955 = vector.broadcast %squeeze3A_917 : f32 to vector<16xf32>
      %mul3A_956 = arith.mulf %mul3A_955, %get3A_19 : vector<16xf32>
      %add3A_957 = arith.addf %add3A_954, %mul3A_956 : vector<16xf32>
      %add3A_958 = arith.constant 13 : i32
      %add3A_959 = arith.addi %mul3A_47, %add3A_958 : i32
      %swap3A_960 = arith.index_cast %add3A_959 : i32 to index
      %swap3A_961 = arith.constant 32 : index
      %swap3A_962 = tpu.vector_load %arg17[%swap3A_960, %swap3A_961] {strides = array<i32>} : memref<512x64xf32, #tpu.memory_space<vmem>>, vector<16xf32>,
      tpu.vector_store %arg17[%swap3A_960, %swap3A_961], %add3A_957 {strides = array<i32>} : memref<512x64xf32, #tpu.memory_space<vmem>>, vector<16xf32>,
      %add3A_963 = arith.constant 48 : i32
      %add3A_964 = arith.addi %squeeze3A_913, %add3A_963 : i32
      %get3A_965 = arith.index_cast %add3A_964 : i32 to index
      %get3A_966 = tpu.vector_load %arg14[%get3A_965] {strides = array<i32>} : memref<8320xf32, #tpu.memory_space<vmem>>, vector<16xf32>,
      %mul3A_967 = vector.broadcast %squeeze3A_915 : f32 to vector<16xf32>
      %mul3A_968 = arith.mulf %mul3A_967, %get3A_13 : vector<16xf32>
      %add3A_969 = arith.addf %get3A_966, %mul3A_968 : vector<16xf32>
      %mul3A_970 = vector.broadcast %squeeze3A_917 : f32 to vector<16xf32>
      %mul3A_971 = arith.mulf %mul3A_970, %get3A_21 : vector<16xf32>
      %add3A_972 = arith.addf %add3A_969, %mul3A_971 : vector<16xf32>
      %add3A_973 = arith.constant 13 : i32
      %add3A_974 = arith.addi %mul3A_47, %add3A_973 : i32
      %swap3A_975 = arith.index_cast %add3A_974 : i32 to index
      %swap3A_976 = arith.constant 48 : index
      %swap3A_977 = tpu.vector_load %arg17[%swap3A_975, %swap3A_976] {strides = array<i32>} : memref<512x64xf32, #tpu.memory_space<vmem>>, vector<16xf32>,
      tpu.vector_store %arg17[%swap3A_975, %swap3A_976], %add3A_972 {strides = array<i32>} : memref<512x64xf32, #tpu.memory_space<vmem>>, vector<16xf32>,
      %slice3A_978 = vector.extract_strided_slice %mul3A_52 {offsets = [14], sizes = [1], strides = [1]} : vector<16xi32> to vector<1xi32>
      %squeeze3A_979 = vector.extract %slice3A_978[0] : i32 from vector<1xi32>
      %slice3A_980 = vector.extract_strided_slice %get3A_54 {offsets = [14], sizes = [1], strides = [1]} : vector<16xf32> to vector<1xf32>
      %squeeze3A_981 = vector.extract %slice3A_980[0] : f32 from vector<1xf32>
      %slice3A_982 = vector.extract_strided_slice %get3A_56 {offsets = [14], sizes = [1], strides = [1]} : vector<16xf32> to vector<1xf32>
      %squeeze3A_983 = vector.extract %slice3A_982[0] : f32 from vector<1xf32>
      %add3A_984 = arith.constant 0 : i32
      %add3A_985 = arith.addi %squeeze3A_979, %add3A_984 : i32
      %get3A_986 = arith.index_cast %add3A_985 : i32 to index
      %get3A_987 = tpu.vector_load %arg14[%get3A_986] {strides = array<i32>} : memref<8320xf32, #tpu.memory_space<vmem>>, vector<16xf32>,
      %mul3A_988 = vector.broadcast %squeeze3A_981 : f32 to vector<16xf32>
      %mul3A_989 = arith.mulf %mul3A_988, %get3A_7 : vector<16xf32>
      %add3A_990 = arith.addf %get3A_987, %mul3A_989 : vector<16xf32>
      %mul3A_991 = vector.broadcast %squeeze3A_983 : f32 to vector<16xf32>
      %mul3A_992 = arith.mulf %mul3A_991, %get3A_15 : vector<16xf32>
      %add3A_993 = arith.addf %add3A_990, %mul3A_992 : vector<16xf32>
      %add3A_994 = arith.constant 14 : i32
      %add3A_995 = arith.addi %mul3A_47, %add3A_994 : i32
      %swap3A_996 = arith.index_cast %add3A_995 : i32 to index
      %swap3A_997 = arith.constant 0 : index
      %swap3A_998 = tpu.vector_load %arg17[%swap3A_996, %swap3A_997] {strides = array<i32>} : memref<512x64xf32, #tpu.memory_space<vmem>>, vector<16xf32>,
      tpu.vector_store %arg17[%swap3A_996, %swap3A_997], %add3A_993 {strides = array<i32>} : memref<512x64xf32, #tpu.memory_space<vmem>>, vector<16xf32>,
      %add3A_999 = arith.constant 16 : i32
      %add3A_1000 = arith.addi %squeeze3A_979, %add3A_999 : i32
      %get3A_1001 = arith.index_cast %add3A_1000 : i32 to index
      %get3A_1002 = tpu.vector_load %arg14[%get3A_1001] {strides = array<i32>} : memref<8320xf32, #tpu.memory_space<vmem>>, vector<16xf32>,
      %mul3A_1003 = vector.broadcast %squeeze3A_981 : f32 to vector<16xf32>
      %mul3A_1004 = arith.mulf %mul3A_1003, %get3A_9 : vector<16xf32>
      %add3A_1005 = arith.addf %get3A_1002, %mul3A_1004 : vector<16xf32>
      %mul3A_1006 = vector.broadcast %squeeze3A_983 : f32 to vector<16xf32>
      %mul3A_1007 = arith.mulf %mul3A_1006, %get3A_17 : vector<16xf32>
      %add3A_1008 = arith.addf %add3A_1005, %mul3A_1007 : vector<16xf32>
      %add3A_1009 = arith.constant 14 : i32
      %add3A_1010 = arith.addi %mul3A_47, %add3A_1009 : i32
      %swap3A_1011 = arith.index_cast %add3A_1010 : i32 to index
      %swap3A_1012 = arith.constant 16 : index
      %swap3A_1013 = tpu.vector_load %arg17[%swap3A_1011, %swap3A_1012] {strides = array<i32>} : memref<512x64xf32, #tpu.memory_space<vmem>>, vector<16xf32>,
      tpu.vector_store %arg17[%swap3A_1011, %swap3A_1012], %add3A_1008 {strides = array<i32>} : memref<512x64xf32, #tpu.memory_space<vmem>>, vector<16xf32>,
      %add3A_1014 = arith.constant 32 : i32
      %add3A_1015 = arith.addi %squeeze3A_979, %add3A_1014 : i32
      %get3A_1016 = arith.index_cast %add3A_1015 : i32 to index
      %get3A_1017 = tpu.vector_load %arg14[%get3A_1016] {strides = array<i32>} : memref<8320xf32, #tpu.memory_space<vmem>>, vector<16xf32>,
      %mul3A_1018 = vector.broadcast %squeeze3A_981 : f32 to vector<16xf32>
      %mul3A_1019 = arith.mulf %mul3A_1018, %get3A_11 : vector<16xf32>
      %add3A_1020 = arith.addf %get3A_1017, %mul3A_1019 : vector<16xf32>
      %mul3A_1021 = vector.broadcast %squeeze3A_983 : f32 to vector<16xf32>
      %mul3A_1022 = arith.mulf %mul3A_1021, %get3A_19 : vector<16xf32>
      %add3A_1023 = arith.addf %add3A_1020, %mul3A_1022 : vector<16xf32>
      %add3A_1024 = arith.constant 14 : i32
      %add3A_1025 = arith.addi %mul3A_47, %add3A_1024 : i32
      %swap3A_1026 = arith.index_cast %add3A_1025 : i32 to index
      %swap3A_1027 = arith.constant 32 : index
      %swap3A_1028 = tpu.vector_load %arg17[%swap3A_1026, %swap3A_1027] {strides = array<i32>} : memref<512x64xf32, #tpu.memory_space<vmem>>, vector<16xf32>,
      tpu.vector_store %arg17[%swap3A_1026, %swap3A_1027], %add3A_1023 {strides = array<i32>} : memref<512x64xf32, #tpu.memory_space<vmem>>, vector<16xf32>,
      %add3A_1029 = arith.constant 48 : i32
      %add3A_1030 = arith.addi %squeeze3A_979, %add3A_1029 : i32
      %get3A_1031 = arith.index_cast %add3A_1030 : i32 to index
      %get3A_1032 = tpu.vector_load %arg14[%get3A_1031] {strides = array<i32>} : memref<8320xf32, #tpu.memory_space<vmem>>, vector<16xf32>,
      %mul3A_1033 = vector.broadcast %squeeze3A_981 : f32 to vector<16xf32>
      %mul3A_1034 = arith.mulf %mul3A_1033, %get3A_13 : vector<16xf32>
      %add3A_1035 = arith.addf %get3A_1032, %mul3A_1034 : vector<16xf32>
      %mul3A_1036 = vector.broadcast %squeeze3A_983 : f32 to vector<16xf32>
      %mul3A_1037 = arith.mulf %mul3A_1036, %get3A_21 : vector<16xf32>
      %add3A_1038 = arith.addf %add3A_1035, %mul3A_1037 : vector<16xf32>
      %add3A_1039 = arith.constant 14 : i32
      %add3A_1040 = arith.addi %mul3A_47, %add3A_1039 : i32
      %swap3A_1041 = arith.index_cast %add3A_1040 : i32 to index
      %swap3A_1042 = arith.constant 48 : index
      %swap3A_1043 = tpu.vector_load %arg17[%swap3A_1041, %swap3A_1042] {strides = array<i32>} : memref<512x64xf32, #tpu.memory_space<vmem>>, vector<16xf32>,
      tpu.vector_store %arg17[%swap3A_1041, %swap3A_1042], %add3A_1038 {strides = array<i32>} : memref<512x64xf32, #tpu.memory_space<vmem>>, vector<16xf32>,
      %slice3A_1044 = vector.extract_strided_slice %mul3A_52 {offsets = [15], sizes = [1], strides = [1]} : vector<16xi32> to vector<1xi32>
      %squeeze3A_1045 = vector.extract %slice3A_1044[0] : i32 from vector<1xi32>
      %slice3A_1046 = vector.extract_strided_slice %get3A_54 {offsets = [15], sizes = [1], strides = [1]} : vector<16xf32> to vector<1xf32>
      %squeeze3A_1047 = vector.extract %slice3A_1046[0] : f32 from vector<1xf32>
      %slice3A_1048 = vector.extract_strided_slice %get3A_56 {offsets = [15], sizes = [1], strides = [1]} : vector<16xf32> to vector<1xf32>
      %squeeze3A_1049 = vector.extract %slice3A_1048[0] : f32 from vector<1xf32>
      %add3A_1050 = arith.constant 0 : i32
      %add3A_1051 = arith.addi %squeeze3A_1045, %add3A_1050 : i32
      %get3A_1052 = arith.index_cast %add3A_1051 : i32 to index
      %get3A_1053 = tpu.vector_load %arg14[%get3A_1052] {strides = array<i32>} : memref<8320xf32, #tpu.memory_space<vmem>>, vector<16xf32>,
      %mul3A_1054 = vector.broadcast %squeeze3A_1047 : f32 to vector<16xf32>
      %mul3A_1055 = arith.mulf %mul3A_1054, %get3A_7 : vector<16xf32>
      %add3A_1056 = arith.addf %get3A_1053, %mul3A_1055 : vector<16xf32>
      %mul3A_1057 = vector.broadcast %squeeze3A_1049 : f32 to vector<16xf32>
      %mul3A_1058 = arith.mulf %mul3A_1057, %get3A_15 : vector<16xf32>
      %add3A_1059 = arith.addf %add3A_1056, %mul3A_1058 : vector<16xf32>
      %add3A_1060 = arith.constant 15 : i32
      %add3A_1061 = arith.addi %mul3A_47, %add3A_1060 : i32
      %swap3A_1062 = arith.index_cast %add3A_1061 : i32 to index
      %swap3A_1063 = arith.constant 0 : index
      %swap3A_1064 = tpu.vector_load %arg17[%swap3A_1062, %swap3A_1063] {strides = array<i32>} : memref<512x64xf32, #tpu.memory_space<vmem>>, vector<16xf32>,
      tpu.vector_store %arg17[%swap3A_1062, %swap3A_1063], %add3A_1059 {strides = array<i32>} : memref<512x64xf32, #tpu.memory_space<vmem>>, vector<16xf32>,
      %add3A_1065 = arith.constant 16 : i32
      %add3A_1066 = arith.addi %squeeze3A_1045, %add3A_1065 : i32
      %get3A_1067 = arith.index_cast %add3A_1066 : i32 to index
      %get3A_1068 = tpu.vector_load %arg14[%get3A_1067] {strides = array<i32>} : memref<8320xf32, #tpu.memory_space<vmem>>, vector<16xf32>,
      %mul3A_1069 = vector.broadcast %squeeze3A_1047 : f32 to vector<16xf32>
      %mul3A_1070 = arith.mulf %mul3A_1069, %get3A_9 : vector<16xf32>
      %add3A_1071 = arith.addf %get3A_1068, %mul3A_1070 : vector<16xf32>
      %mul3A_1072 = vector.broadcast %squeeze3A_1049 : f32 to vector<16xf32>
      %mul3A_1073 = arith.mulf %mul3A_1072, %get3A_17 : vector<16xf32>
      %add3A_1074 = arith.addf %add3A_1071, %mul3A_1073 : vector<16xf32>
      %add3A_1075 = arith.constant 15 : i32
      %add3A_1076 = arith.addi %mul3A_47, %add3A_1075 : i32
      %swap3A_1077 = arith.index_cast %add3A_1076 : i32 to index
      %swap3A_1078 = arith.constant 16 : index
      %swap3A_1079 = tpu.vector_load %arg17[%swap3A_1077, %swap3A_1078] {strides = array<i32>} : memref<512x64xf32, #tpu.memory_space<vmem>>, vector<16xf32>,
      tpu.vector_store %arg17[%swap3A_1077, %swap3A_1078], %add3A_1074 {strides = array<i32>} : memref<512x64xf32, #tpu.memory_space<vmem>>, vector<16xf32>,
      %add3A_1080 = arith.constant 32 : i32
      %add3A_1081 = arith.addi %squeeze3A_1045, %add3A_1080 : i32
      %get3A_1082 = arith.index_cast %add3A_1081 : i32 to index
      %get3A_1083 = tpu.vector_load %arg14[%get3A_1082] {strides = array<i32>} : memref<8320xf32, #tpu.memory_space<vmem>>, vector<16xf32>,
      %mul3A_1084 = vector.broadcast %squeeze3A_1047 : f32 to vector<16xf32>
      %mul3A_1085 = arith.mulf %mul3A_1084, %get3A_11 : vector<16xf32>
      %add3A_1086 = arith.addf %get3A_1083, %mul3A_1085 : vector<16xf32>
      %mul3A_1087 = vector.broadcast %squeeze3A_1049 : f32 to vector<16xf32>
      %mul3A_1088 = arith.mulf %mul3A_1087, %get3A_19 : vector<16xf32>
      %add3A_1089 = arith.addf %add3A_1086, %mul3A_1088 : vector<16xf32>
      %add3A_1090 = arith.constant 15 : i32
      %add3A_1091 = arith.addi %mul3A_47, %add3A_1090 : i32
      %swap3A_1092 = arith.index_cast %add3A_1091 : i32 to index
      %swap3A_1093 = arith.constant 32 : index
      %swap3A_1094 = tpu.vector_load %arg17[%swap3A_1092, %swap3A_1093] {strides = array<i32>} : memref<512x64xf32, #tpu.memory_space<vmem>>, vector<16xf32>,
      tpu.vector_store %arg17[%swap3A_1092, %swap3A_1093], %add3A_1089 {strides = array<i32>} : memref<512x64xf32, #tpu.memory_space<vmem>>, vector<16xf32>,
      %add3A_1095 = arith.constant 48 : i32
      %add3A_1096 = arith.addi %squeeze3A_1045, %add3A_1095 : i32
      %get3A_1097 = arith.index_cast %add3A_1096 : i32 to index
      %get3A_1098 = tpu.vector_load %arg14[%get3A_1097] {strides = array<i32>} : memref<8320xf32, #tpu.memory_space<vmem>>, vector<16xf32>,
      %mul3A_1099 = vector.broadcast %squeeze3A_1047 : f32 to vector<16xf32>
      %mul3A_1100 = arith.mulf %mul3A_1099, %get3A_13 : vector<16xf32>
      %add3A_1101 = arith.addf %get3A_1098, %mul3A_1100 : vector<16xf32>
      %mul3A_1102 = vector.broadcast %squeeze3A_1049 : f32 to vector<16xf32>
      %mul3A_1103 = arith.mulf %mul3A_1102, %get3A_21 : vector<16xf32>
      %add3A_1104 = arith.addf %add3A_1101, %mul3A_1103 : vector<16xf32>
      %add3A_1105 = arith.constant 15 : i32
      %add3A_1106 = arith.addi %mul3A_47, %add3A_1105 : i32
      %swap3A_1107 = arith.index_cast %add3A_1106 : i32 to index
      %swap3A_1108 = arith.constant 48 : index
      %swap3A_1109 = tpu.vector_load %arg17[%swap3A_1107, %swap3A_1108] {strides = array<i32>} : memref<512x64xf32, #tpu.memory_space<vmem>>, vector<16xf32>,
      tpu.vector_store %arg17[%swap3A_1107, %swap3A_1108], %add3A_1104 {strides = array<i32>} : memref<512x64xf32, #tpu.memory_space<vmem>>, vector<16xf32>,
    }
    %scan3A_26 = arith.constant 32 : i32
    "tpu.region"() ({
      %run_scoped3A = tpu.sem_alloc : memref<!tpu.dma_semaphore, #tpu.memory_space<semaphore_mem>>
      %dma_start3A_45 = arith.constant 0 : i32
      %dma_start3A_46 = tpu.memref_slice %arg9[%mul3A_2, %dma_start3A_45] : memref<16384x64xf32, #tpu.memory_space<hbm>> -> memref<512x64xf32, #tpu.memory_space<hbm>>
      %dma_start3A_47 = arith.constant 0 : i32
      %dma_start3A_48 = tpu.memref_slice %arg9[%mul3A_2, %dma_start3A_47] : memref<16384x64xf32, #tpu.memory_space<hbm>> -> memref<512x64xf32, #tpu.memory_space<hbm>>
      tpu.enqueue_dma source(%arg17 : memref<512x64xf32, #tpu.memory_space<vmem>>) target(%dma_start3A_48 : memref<512x64xf32, #tpu.memory_space<hbm>>) target_semaphore(%run_scoped3A : memref<!tpu.dma_semaphore, #tpu.memory_space<semaphore_mem>>)
      %dma_wait3A_49 = arith.constant 0 : i32
      %dma_wait3A_50 = tpu.memref_slice %arg9[%mul3A_2, %dma_wait3A_49] : memref<16384x64xf32, #tpu.memory_space<hbm>> -> memref<512x64xf32, #tpu.memory_space<hbm>>
      %dma_wait3A_51 = arith.constant 0 : i32
      %dma_wait3A_52 = tpu.memref_slice %arg9[%mul3A_2, %dma_wait3A_51] : memref<16384x64xf32, #tpu.memory_space<hbm>> -> memref<512x64xf32, #tpu.memory_space<hbm>>
      tpu.wait_dma2 semaphore(%run_scoped3A : memref<!tpu.dma_semaphore, #tpu.memory_space<semaphore_mem>>) src(%arg17 : memref<512x64xf32, #tpu.memory_space<vmem>>) dst(%dma_wait3A_52 : memref<512x64xf32, #tpu.memory_space<hbm>>)
      tpu.yield
    }) : () -> ()
    %dma_start3A_27 = arith.constant 256 : i32
    %dma_start3A_28 = tpu.memref_slice %arg10[%dma_start3A_27] : memref<512xi32, #tpu.memory_space<vmem>> -> memref<256xi32, #tpu.memory_space<vmem>>
    %dma_start3A_29 = arith.constant 0 : i32
    %dma_start3A_30 = arith.constant 0 : i32
    %dma_start3A_31 = tpu.memref_slice %arg3[%dma_start3A_29, %dma_start3A_30] : memref<100001x64xf32, #tpu.memory_space<hbm>> -> memref<100001x64xf32, #tpu.memory_space<hbm>>
    tpu.enqueue_indirect_dma source(%dma_start3A_31 : memref<100001x64xf32, #tpu.memory_space<hbm>>) target(%arg16 : memref<256x64xf32, #tpu.memory_space<vmem>>) offsets(%dma_start3A_28 : memref<256xi32, #tpu.memory_space<vmem>>) semaphore(%arg19 : memref<!tpu.dma_semaphore, #tpu.memory_space<semaphore_mem>>)
    %dma_wait3A = arith.constant 0 : i32
    %dma_wait3A_32 = tpu.memref_slice %arg10[%dma_wait3A] : memref<512xi32, #tpu.memory_space<vmem>> -> memref<256xi32, #tpu.memory_space<vmem>>
    %dma_wait3A_33 = arith.constant 0 : i32
    %dma_wait3A_34 = arith.constant 0 : i32
    %dma_wait3A_35 = tpu.memref_slice %arg3[%dma_wait3A_33, %dma_wait3A_34] : memref<100001x64xf32, #tpu.memory_space<hbm>> -> memref<100001x64xf32, #tpu.memory_space<hbm>>
    tpu.wait_indirect_dma semaphore(%arg18 : memref<!tpu.dma_semaphore, #tpu.memory_space<semaphore_mem>>) src(%dma_wait3A_35 : memref<100001x64xf32, #tpu.memory_space<hbm>>) dst(%arg15 : memref<256x64xf32, #tpu.memory_space<vmem>>)
    %add3A_36 = arith.constant 0 : i32
    %add3A_37 = arith.addi %mul3A_2, %add3A_36 : i32
    "tpu.region"() ({
      %run_scoped3A = tpu.sem_alloc : memref<!tpu.dma_semaphore, #tpu.memory_space<semaphore_mem>>
      %dma_start3A_45 = arith.constant 0 : i32
      %dma_start3A_46 = tpu.memref_slice %arg8[%add3A_37, %dma_start3A_45] : memref<16384x64xf32, #tpu.memory_space<hbm>> -> memref<256x64xf32, #tpu.memory_space<hbm>>
      %dma_start3A_47 = arith.constant 0 : i32
      %dma_start3A_48 = tpu.memref_slice %arg8[%add3A_37, %dma_start3A_47] : memref<16384x64xf32, #tpu.memory_space<hbm>> -> memref<256x64xf32, #tpu.memory_space<hbm>>
      tpu.enqueue_dma source(%arg15 : memref<256x64xf32, #tpu.memory_space<vmem>>) target(%dma_start3A_48 : memref<256x64xf32, #tpu.memory_space<hbm>>) target_semaphore(%run_scoped3A : memref<!tpu.dma_semaphore, #tpu.memory_space<semaphore_mem>>)
      %dma_wait3A_49 = arith.constant 0 : i32
      %dma_wait3A_50 = tpu.memref_slice %arg8[%add3A_37, %dma_wait3A_49] : memref<16384x64xf32, #tpu.memory_space<hbm>> -> memref<256x64xf32, #tpu.memory_space<hbm>>
      %dma_wait3A_51 = arith.constant 0 : i32
      %dma_wait3A_52 = tpu.memref_slice %arg8[%add3A_37, %dma_wait3A_51] : memref<16384x64xf32, #tpu.memory_space<hbm>> -> memref<256x64xf32, #tpu.memory_space<hbm>>
      tpu.wait_dma2 semaphore(%run_scoped3A : memref<!tpu.dma_semaphore, #tpu.memory_space<semaphore_mem>>) src(%arg15 : memref<256x64xf32, #tpu.memory_space<vmem>>) dst(%dma_wait3A_52 : memref<256x64xf32, #tpu.memory_space<hbm>>)
      tpu.yield
    }) : () -> ()
    %dma_wait3A_38 = arith.constant 256 : i32
    %dma_wait3A_39 = tpu.memref_slice %arg10[%dma_wait3A_38] : memref<512xi32, #tpu.memory_space<vmem>> -> memref<256xi32, #tpu.memory_space<vmem>>
    %dma_wait3A_40 = arith.constant 0 : i32
    %dma_wait3A_41 = arith.constant 0 : i32
    %dma_wait3A_42 = tpu.memref_slice %arg3[%dma_wait3A_40, %dma_wait3A_41] : memref<100001x64xf32, #tpu.memory_space<hbm>> -> memref<100001x64xf32, #tpu.memory_space<hbm>>
    tpu.wait_indirect_dma semaphore(%arg19 : memref<!tpu.dma_semaphore, #tpu.memory_space<semaphore_mem>>) src(%dma_wait3A_42 : memref<100001x64xf32, #tpu.memory_space<hbm>>) dst(%arg16 : memref<256x64xf32, #tpu.memory_space<vmem>>)
    %add3A_43 = arith.constant 256 : i32
    %add3A_44 = arith.addi %mul3A_2, %add3A_43 : i32
    "tpu.region"() ({
      %run_scoped3A = tpu.sem_alloc : memref<!tpu.dma_semaphore, #tpu.memory_space<semaphore_mem>>
      %dma_start3A_45 = arith.constant 0 : i32
      %dma_start3A_46 = tpu.memref_slice %arg8[%add3A_44, %dma_start3A_45] : memref<16384x64xf32, #tpu.memory_space<hbm>> -> memref<256x64xf32, #tpu.memory_space<hbm>>
      %dma_start3A_47 = arith.constant 0 : i32
      %dma_start3A_48 = tpu.memref_slice %arg8[%add3A_44, %dma_start3A_47] : memref<16384x64xf32, #tpu.memory_space<hbm>> -> memref<256x64xf32, #tpu.memory_space<hbm>>
      tpu.enqueue_dma source(%arg16 : memref<256x64xf32, #tpu.memory_space<vmem>>) target(%dma_start3A_48 : memref<256x64xf32, #tpu.memory_space<hbm>>) target_semaphore(%run_scoped3A : memref<!tpu.dma_semaphore, #tpu.memory_space<semaphore_mem>>)
      %dma_wait3A_49 = arith.constant 0 : i32
      %dma_wait3A_50 = tpu.memref_slice %arg8[%add3A_44, %dma_wait3A_49] : memref<16384x64xf32, #tpu.memory_space<hbm>> -> memref<256x64xf32, #tpu.memory_space<hbm>>
      %dma_wait3A_51 = arith.constant 0 : i32
      %dma_wait3A_52 = tpu.memref_slice %arg8[%add3A_44, %dma_wait3A_51] : memref<16384x64xf32, #tpu.memory_space<hbm>> -> memref<256x64xf32, #tpu.memory_space<hbm>>
      tpu.wait_dma2 semaphore(%run_scoped3A : memref<!tpu.dma_semaphore, #tpu.memory_space<semaphore_mem>>) src(%arg16 : memref<256x64xf32, #tpu.memory_space<vmem>>) dst(%dma_wait3A_52 : memref<256x64xf32, #tpu.memory_space<hbm>>)
      tpu.yield
    }) : () -> ()
    return
  }
}

#map = affine_map<(d0, d1) -> (0, 0)>
#map1 = affine_map<(d0, d1) -> (0)>
module attributes {stable_mosaic.version = 14 : i64} {
  func.func @k(%arg0: i32, %arg1: i32, %arg2: memref<16384x16xi32, #tpu.memory_space<hbm>>, %arg3: memref<64000xf32, #tpu.memory_space<hbm>>, %arg4: memref<16384x64xf32, #tpu.memory_space<hbm>>, %arg5: memref<512x16xi32, #tpu.memory_space<vmem>>, %arg6: memref<64000xf32, #tpu.memory_space<vmem>>, %arg7: memref<512x64xf32, #tpu.memory_space<vmem>>) attributes {dimension_semantics = [#tpu.dimension_semantics<core_parallel>, #tpu.dimension_semantics<subcore_parallel>], iteration_bounds = array<i64: 2, 16>, scalar_prefetch = 0 : i64, scratch_operands = 3 : i64, tpu.core_type = #tpu.core_type<sc_vector_subcore>, window_params = [{transform_indices = #map}, {transform_indices = #map1}, {transform_indices = #map}]} {
    %mul3A = arith.constant 2 : i32
    %mul3A_0 = arith.muli %arg1, %mul3A : i32
    %add3A = arith.addi %mul3A_0, %arg0 : i32
    %mul3A_1 = arith.constant 512 : i32
    %mul3A_2 = arith.muli %add3A, %mul3A_1 : i32
    "tpu.region"() ({
      %run_scoped3A = tpu.sem_alloc : memref<!tpu.dma_semaphore, #tpu.memory_space<semaphore_mem>>
      tpu.enqueue_dma source(%arg3 : memref<64000xf32, #tpu.memory_space<hbm>>) target(%arg6 : memref<64000xf32, #tpu.memory_space<vmem>>) target_semaphore(%run_scoped3A : memref<!tpu.dma_semaphore, #tpu.memory_space<semaphore_mem>>)
      tpu.wait_dma2 semaphore(%run_scoped3A : memref<!tpu.dma_semaphore, #tpu.memory_space<semaphore_mem>>) src(%arg3 : memref<64000xf32, #tpu.memory_space<hbm>>) dst(%arg6 : memref<64000xf32, #tpu.memory_space<vmem>>)
      tpu.yield
    }) : () -> ()
    "tpu.region"() ({
      %run_scoped3A = tpu.sem_alloc : memref<!tpu.dma_semaphore, #tpu.memory_space<semaphore_mem>>
      %dma_start3A = arith.constant 0 : i32
      %dma_start3A_18 = tpu.memref_slice %arg2[%mul3A_2, %dma_start3A] : memref<16384x16xi32, #tpu.memory_space<hbm>> -> memref<512x16xi32, #tpu.memory_space<hbm>>
      %dma_start3A_19 = arith.constant 0 : i32
      %dma_start3A_20 = tpu.memref_slice %arg2[%mul3A_2, %dma_start3A_19] : memref<16384x16xi32, #tpu.memory_space<hbm>> -> memref<512x16xi32, #tpu.memory_space<hbm>>
      tpu.enqueue_dma source(%dma_start3A_20 : memref<512x16xi32, #tpu.memory_space<hbm>>) target(%arg5 : memref<512x16xi32, #tpu.memory_space<vmem>>) target_semaphore(%run_scoped3A : memref<!tpu.dma_semaphore, #tpu.memory_space<semaphore_mem>>)
      %dma_wait3A = arith.constant 0 : i32
      %dma_wait3A_21 = tpu.memref_slice %arg2[%mul3A_2, %dma_wait3A] : memref<16384x16xi32, #tpu.memory_space<hbm>> -> memref<512x16xi32, #tpu.memory_space<hbm>>
      %dma_wait3A_22 = arith.constant 0 : i32
      %dma_wait3A_23 = tpu.memref_slice %arg2[%mul3A_2, %dma_wait3A_22] : memref<16384x16xi32, #tpu.memory_space<hbm>> -> memref<512x16xi32, #tpu.memory_space<hbm>>
      tpu.wait_dma2 semaphore(%run_scoped3A : memref<!tpu.dma_semaphore, #tpu.memory_space<semaphore_mem>>) src(%dma_wait3A_23 : memref<512x16xi32, #tpu.memory_space<hbm>>) dst(%arg5 : memref<512x16xi32, #tpu.memory_space<vmem>>)
      tpu.yield
    }) : () -> ()
    %broadcast_in_dim3A = arith.constant 0.000000e+00 : f32
    %broadcast_in_dim3A_3 = vector.broadcast %broadcast_in_dim3A : f32 to vector<16xf32>
    %swap3A = arith.constant 0 : index
    %swap3A_4 = tpu.vector_load %arg6[%swap3A] {strides = array<i32>} : memref<64000xf32, #tpu.memory_space<vmem>>, vector<16xf32>,
    tpu.vector_store %arg6[%swap3A], %broadcast_in_dim3A_3 {strides = array<i32>} : memref<64000xf32, #tpu.memory_space<vmem>>, vector<16xf32>,
    %swap3A_5 = arith.constant 16 : index
    %swap3A_6 = tpu.vector_load %arg6[%swap3A_5] {strides = array<i32>} : memref<64000xf32, #tpu.memory_space<vmem>>, vector<16xf32>,
    tpu.vector_store %arg6[%swap3A_5], %broadcast_in_dim3A_3 {strides = array<i32>} : memref<64000xf32, #tpu.memory_space<vmem>>, vector<16xf32>,
    %swap3A_7 = arith.constant 32 : index
    %swap3A_8 = tpu.vector_load %arg6[%swap3A_7] {strides = array<i32>} : memref<64000xf32, #tpu.memory_space<vmem>>, vector<16xf32>,
    tpu.vector_store %arg6[%swap3A_7], %broadcast_in_dim3A_3 {strides = array<i32>} : memref<64000xf32, #tpu.memory_space<vmem>>, vector<16xf32>,
    %swap3A_9 = arith.constant 48 : index
    %swap3A_10 = tpu.vector_load %arg6[%swap3A_9] {strides = array<i32>} : memref<64000xf32, #tpu.memory_space<vmem>>, vector<16xf32>,
    tpu.vector_store %arg6[%swap3A_9], %broadcast_in_dim3A_3 {strides = array<i32>} : memref<64000xf32, #tpu.memory_space<vmem>>, vector<16xf32>,
    %broadcast_in_dim3A_11 = arith.constant 1.000000e+00 : f32
    %broadcast_in_dim3A_12 = vector.broadcast %broadcast_in_dim3A_11 : f32 to vector<16xf32>
    %scan3A = arith.constant 0 : i32
    %scan3A_13 = arith.constant 0 : i32
    %scan3A_14 = arith.constant 512 : i32
    %scan3A_15 = arith.addi %scan3A_13, %scan3A_14 : i32
    %scan3A_16 = arith.constant 1 : i32
    scf.for %scan3A_18 = %scan3A_13 to %scan3A_15 step %scan3A_16  : i32 {
      %broadcast_in_dim3A_19 = arith.constant 0.000000e+00 : f32
      %broadcast_in_dim3A_20 = vector.broadcast %broadcast_in_dim3A_19 : f32 to vector<16xf32>
      %broadcast_in_dim3A_21 = arith.constant 0.000000e+00 : f32
      %broadcast_in_dim3A_22 = vector.broadcast %broadcast_in_dim3A_21 : f32 to vector<16xf32>
      %broadcast_in_dim3A_23 = arith.constant 0.000000e+00 : f32
      %broadcast_in_dim3A_24 = vector.broadcast %broadcast_in_dim3A_23 : f32 to vector<16xf32>
      %broadcast_in_dim3A_25 = arith.constant 0.000000e+00 : f32
      %broadcast_in_dim3A_26 = vector.broadcast %broadcast_in_dim3A_25 : f32 to vector<16xf32>
      %get3A = arith.index_cast %scan3A_18 : i32 to index
      %get3A_27 = arith.constant 0 : index
      %get3A_28 = tpu.vector_load %arg5[%get3A, %get3A_27] {strides = array<i32>} : memref<512x16xi32, #tpu.memory_space<vmem>>, vector<16xi32>,
      %ne3A = arith.constant 0 : i32
      %ne3A_29 = vector.broadcast %ne3A : i32 to vector<16xi32>
      %ne3A_30 = arith.cmpi ne, %get3A_28, %ne3A_29 : vector<16xi32>
      %all_reduce_population_count3A = tpu.all_reduce %ne3A_30 {dim = 0 : i64, kind = #tpu.reduction_kind<sum>} : vector<16xi1> -> vector<16xi32>
      %mul3A_31 = arith.constant 64 : i32
      %mul3A_32 = vector.broadcast %mul3A_31 : i32 to vector<16xi32>
      %mul3A_33 = arith.muli %get3A_28, %mul3A_32 : vector<16xi32>
      %slice3A = vector.extract_strided_slice %mul3A_33 {offsets = [0], sizes = [1], strides = [1]} : vector<16xi32> to vector<1xi32>
      %squeeze3A = vector.extract %slice3A[0] : i32 from vector<1xi32>
      %add3A_34 = arith.constant 0 : i32
      %add3A_35 = arith.addi %squeeze3A, %add3A_34 : i32
      %get3A_36 = arith.index_cast %add3A_35 : i32 to index
      %get3A_37 = tpu.vector_load %arg6[%get3A_36] {strides = array<i32>} : memref<64000xf32, #tpu.memory_space<vmem>>, vector<16xf32>,
      %add3A_38 = arith.addf %broadcast_in_dim3A_20, %get3A_37 : vector<16xf32>
      %add3A_39 = arith.constant 16 : i32
      %add3A_40 = arith.addi %squeeze3A, %add3A_39 : i32
      %get3A_41 = arith.index_cast %add3A_40 : i32 to index
      %get3A_42 = tpu.vector_load %arg6[%get3A_41] {strides = array<i32>} : memref<64000xf32, #tpu.memory_space<vmem>>, vector<16xf32>,
      %add3A_43 = arith.addf %broadcast_in_dim3A_22, %get3A_42 : vector<16xf32>
      %add3A_44 = arith.constant 32 : i32
      %add3A_45 = arith.addi %squeeze3A, %add3A_44 : i32
      %get3A_46 = arith.index_cast %add3A_45 : i32 to index
      %get3A_47 = tpu.vector_load %arg6[%get3A_46] {strides = array<i32>} : memref<64000xf32, #tpu.memory_space<vmem>>, vector<16xf32>,
      %add3A_48 = arith.addf %broadcast_in_dim3A_24, %get3A_47 : vector<16xf32>
      %add3A_49 = arith.constant 48 : i32
      %add3A_50 = arith.addi %squeeze3A, %add3A_49 : i32
      %get3A_51 = arith.index_cast %add3A_50 : i32 to index
      %get3A_52 = tpu.vector_load %arg6[%get3A_51] {strides = array<i32>} : memref<64000xf32, #tpu.memory_space<vmem>>, vector<16xf32>,
      %add3A_53 = arith.addf %broadcast_in_dim3A_26, %get3A_52 : vector<16xf32>
      %slice3A_54 = vector.extract_strided_slice %mul3A_33 {offsets = [1], sizes = [1], strides = [1]} : vector<16xi32> to vector<1xi32>
      %squeeze3A_55 = vector.extract %slice3A_54[0] : i32 from vector<1xi32>
      %add3A_56 = arith.constant 0 : i32
      %add3A_57 = arith.addi %squeeze3A_55, %add3A_56 : i32
      %get3A_58 = arith.index_cast %add3A_57 : i32 to index
      %get3A_59 = tpu.vector_load %arg6[%get3A_58] {strides = array<i32>} : memref<64000xf32, #tpu.memory_space<vmem>>, vector<16xf32>,
      %add3A_60 = arith.addf %add3A_38, %get3A_59 : vector<16xf32>
      %add3A_61 = arith.constant 16 : i32
      %add3A_62 = arith.addi %squeeze3A_55, %add3A_61 : i32
      %get3A_63 = arith.index_cast %add3A_62 : i32 to index
      %get3A_64 = tpu.vector_load %arg6[%get3A_63] {strides = array<i32>} : memref<64000xf32, #tpu.memory_space<vmem>>, vector<16xf32>,
      %add3A_65 = arith.addf %add3A_43, %get3A_64 : vector<16xf32>
      %add3A_66 = arith.constant 32 : i32
      %add3A_67 = arith.addi %squeeze3A_55, %add3A_66 : i32
      %get3A_68 = arith.index_cast %add3A_67 : i32 to index
      %get3A_69 = tpu.vector_load %arg6[%get3A_68] {strides = array<i32>} : memref<64000xf32, #tpu.memory_space<vmem>>, vector<16xf32>,
      %add3A_70 = arith.addf %add3A_48, %get3A_69 : vector<16xf32>
      %add3A_71 = arith.constant 48 : i32
      %add3A_72 = arith.addi %squeeze3A_55, %add3A_71 : i32
      %get3A_73 = arith.index_cast %add3A_72 : i32 to index
      %get3A_74 = tpu.vector_load %arg6[%get3A_73] {strides = array<i32>} : memref<64000xf32, #tpu.memory_space<vmem>>, vector<16xf32>,
      %add3A_75 = arith.addf %add3A_53, %get3A_74 : vector<16xf32>
      %slice3A_76 = vector.extract_strided_slice %mul3A_33 {offsets = [2], sizes = [1], strides = [1]} : vector<16xi32> to vector<1xi32>
      %squeeze3A_77 = vector.extract %slice3A_76[0] : i32 from vector<1xi32>
      %add3A_78 = arith.constant 0 : i32
      %add3A_79 = arith.addi %squeeze3A_77, %add3A_78 : i32
      %get3A_80 = arith.index_cast %add3A_79 : i32 to index
      %get3A_81 = tpu.vector_load %arg6[%get3A_80] {strides = array<i32>} : memref<64000xf32, #tpu.memory_space<vmem>>, vector<16xf32>,
      %add3A_82 = arith.addf %add3A_60, %get3A_81 : vector<16xf32>
      %add3A_83 = arith.constant 16 : i32
      %add3A_84 = arith.addi %squeeze3A_77, %add3A_83 : i32
      %get3A_85 = arith.index_cast %add3A_84 : i32 to index
      %get3A_86 = tpu.vector_load %arg6[%get3A_85] {strides = array<i32>} : memref<64000xf32, #tpu.memory_space<vmem>>, vector<16xf32>,
      %add3A_87 = arith.addf %add3A_65, %get3A_86 : vector<16xf32>
      %add3A_88 = arith.constant 32 : i32
      %add3A_89 = arith.addi %squeeze3A_77, %add3A_88 : i32
      %get3A_90 = arith.index_cast %add3A_89 : i32 to index
      %get3A_91 = tpu.vector_load %arg6[%get3A_90] {strides = array<i32>} : memref<64000xf32, #tpu.memory_space<vmem>>, vector<16xf32>,
      %add3A_92 = arith.addf %add3A_70, %get3A_91 : vector<16xf32>
      %add3A_93 = arith.constant 48 : i32
      %add3A_94 = arith.addi %squeeze3A_77, %add3A_93 : i32
      %get3A_95 = arith.index_cast %add3A_94 : i32 to index
      %get3A_96 = tpu.vector_load %arg6[%get3A_95] {strides = array<i32>} : memref<64000xf32, #tpu.memory_space<vmem>>, vector<16xf32>,
      %add3A_97 = arith.addf %add3A_75, %get3A_96 : vector<16xf32>
      %slice3A_98 = vector.extract_strided_slice %mul3A_33 {offsets = [3], sizes = [1], strides = [1]} : vector<16xi32> to vector<1xi32>
      %squeeze3A_99 = vector.extract %slice3A_98[0] : i32 from vector<1xi32>
      %add3A_100 = arith.constant 0 : i32
      %add3A_101 = arith.addi %squeeze3A_99, %add3A_100 : i32
      %get3A_102 = arith.index_cast %add3A_101 : i32 to index
      %get3A_103 = tpu.vector_load %arg6[%get3A_102] {strides = array<i32>} : memref<64000xf32, #tpu.memory_space<vmem>>, vector<16xf32>,
      %add3A_104 = arith.addf %add3A_82, %get3A_103 : vector<16xf32>
      %add3A_105 = arith.constant 16 : i32
      %add3A_106 = arith.addi %squeeze3A_99, %add3A_105 : i32
      %get3A_107 = arith.index_cast %add3A_106 : i32 to index
      %get3A_108 = tpu.vector_load %arg6[%get3A_107] {strides = array<i32>} : memref<64000xf32, #tpu.memory_space<vmem>>, vector<16xf32>,
      %add3A_109 = arith.addf %add3A_87, %get3A_108 : vector<16xf32>
      %add3A_110 = arith.constant 32 : i32
      %add3A_111 = arith.addi %squeeze3A_99, %add3A_110 : i32
      %get3A_112 = arith.index_cast %add3A_111 : i32 to index
      %get3A_113 = tpu.vector_load %arg6[%get3A_112] {strides = array<i32>} : memref<64000xf32, #tpu.memory_space<vmem>>, vector<16xf32>,
      %add3A_114 = arith.addf %add3A_92, %get3A_113 : vector<16xf32>
      %add3A_115 = arith.constant 48 : i32
      %add3A_116 = arith.addi %squeeze3A_99, %add3A_115 : i32
      %get3A_117 = arith.index_cast %add3A_116 : i32 to index
      %get3A_118 = tpu.vector_load %arg6[%get3A_117] {strides = array<i32>} : memref<64000xf32, #tpu.memory_space<vmem>>, vector<16xf32>,
      %add3A_119 = arith.addf %add3A_97, %get3A_118 : vector<16xf32>
      %slice3A_120 = vector.extract_strided_slice %mul3A_33 {offsets = [4], sizes = [1], strides = [1]} : vector<16xi32> to vector<1xi32>
      %squeeze3A_121 = vector.extract %slice3A_120[0] : i32 from vector<1xi32>
      %add3A_122 = arith.constant 0 : i32
      %add3A_123 = arith.addi %squeeze3A_121, %add3A_122 : i32
      %get3A_124 = arith.index_cast %add3A_123 : i32 to index
      %get3A_125 = tpu.vector_load %arg6[%get3A_124] {strides = array<i32>} : memref<64000xf32, #tpu.memory_space<vmem>>, vector<16xf32>,
      %add3A_126 = arith.addf %add3A_104, %get3A_125 : vector<16xf32>
      %add3A_127 = arith.constant 16 : i32
      %add3A_128 = arith.addi %squeeze3A_121, %add3A_127 : i32
      %get3A_129 = arith.index_cast %add3A_128 : i32 to index
      %get3A_130 = tpu.vector_load %arg6[%get3A_129] {strides = array<i32>} : memref<64000xf32, #tpu.memory_space<vmem>>, vector<16xf32>,
      %add3A_131 = arith.addf %add3A_109, %get3A_130 : vector<16xf32>
      %add3A_132 = arith.constant 32 : i32
      %add3A_133 = arith.addi %squeeze3A_121, %add3A_132 : i32
      %get3A_134 = arith.index_cast %add3A_133 : i32 to index
      %get3A_135 = tpu.vector_load %arg6[%get3A_134] {strides = array<i32>} : memref<64000xf32, #tpu.memory_space<vmem>>, vector<16xf32>,
      %add3A_136 = arith.addf %add3A_114, %get3A_135 : vector<16xf32>
      %add3A_137 = arith.constant 48 : i32
      %add3A_138 = arith.addi %squeeze3A_121, %add3A_137 : i32
      %get3A_139 = arith.index_cast %add3A_138 : i32 to index
      %get3A_140 = tpu.vector_load %arg6[%get3A_139] {strides = array<i32>} : memref<64000xf32, #tpu.memory_space<vmem>>, vector<16xf32>,
      %add3A_141 = arith.addf %add3A_119, %get3A_140 : vector<16xf32>
      %slice3A_142 = vector.extract_strided_slice %mul3A_33 {offsets = [5], sizes = [1], strides = [1]} : vector<16xi32> to vector<1xi32>
      %squeeze3A_143 = vector.extract %slice3A_142[0] : i32 from vector<1xi32>
      %add3A_144 = arith.constant 0 : i32
      %add3A_145 = arith.addi %squeeze3A_143, %add3A_144 : i32
      %get3A_146 = arith.index_cast %add3A_145 : i32 to index
      %get3A_147 = tpu.vector_load %arg6[%get3A_146] {strides = array<i32>} : memref<64000xf32, #tpu.memory_space<vmem>>, vector<16xf32>,
      %add3A_148 = arith.addf %add3A_126, %get3A_147 : vector<16xf32>
      %add3A_149 = arith.constant 16 : i32
      %add3A_150 = arith.addi %squeeze3A_143, %add3A_149 : i32
      %get3A_151 = arith.index_cast %add3A_150 : i32 to index
      %get3A_152 = tpu.vector_load %arg6[%get3A_151] {strides = array<i32>} : memref<64000xf32, #tpu.memory_space<vmem>>, vector<16xf32>,
      %add3A_153 = arith.addf %add3A_131, %get3A_152 : vector<16xf32>
      %add3A_154 = arith.constant 32 : i32
      %add3A_155 = arith.addi %squeeze3A_143, %add3A_154 : i32
      %get3A_156 = arith.index_cast %add3A_155 : i32 to index
      %get3A_157 = tpu.vector_load %arg6[%get3A_156] {strides = array<i32>} : memref<64000xf32, #tpu.memory_space<vmem>>, vector<16xf32>,
      %add3A_158 = arith.addf %add3A_136, %get3A_157 : vector<16xf32>
      %add3A_159 = arith.constant 48 : i32
      %add3A_160 = arith.addi %squeeze3A_143, %add3A_159 : i32
      %get3A_161 = arith.index_cast %add3A_160 : i32 to index
      %get3A_162 = tpu.vector_load %arg6[%get3A_161] {strides = array<i32>} : memref<64000xf32, #tpu.memory_space<vmem>>, vector<16xf32>,
      %add3A_163 = arith.addf %add3A_141, %get3A_162 : vector<16xf32>
      %slice3A_164 = vector.extract_strided_slice %mul3A_33 {offsets = [6], sizes = [1], strides = [1]} : vector<16xi32> to vector<1xi32>
      %squeeze3A_165 = vector.extract %slice3A_164[0] : i32 from vector<1xi32>
      %add3A_166 = arith.constant 0 : i32
      %add3A_167 = arith.addi %squeeze3A_165, %add3A_166 : i32
      %get3A_168 = arith.index_cast %add3A_167 : i32 to index
      %get3A_169 = tpu.vector_load %arg6[%get3A_168] {strides = array<i32>} : memref<64000xf32, #tpu.memory_space<vmem>>, vector<16xf32>,
      %add3A_170 = arith.addf %add3A_148, %get3A_169 : vector<16xf32>
      %add3A_171 = arith.constant 16 : i32
      %add3A_172 = arith.addi %squeeze3A_165, %add3A_171 : i32
      %get3A_173 = arith.index_cast %add3A_172 : i32 to index
      %get3A_174 = tpu.vector_load %arg6[%get3A_173] {strides = array<i32>} : memref<64000xf32, #tpu.memory_space<vmem>>, vector<16xf32>,
      %add3A_175 = arith.addf %add3A_153, %get3A_174 : vector<16xf32>
      %add3A_176 = arith.constant 32 : i32
      %add3A_177 = arith.addi %squeeze3A_165, %add3A_176 : i32
      %get3A_178 = arith.index_cast %add3A_177 : i32 to index
      %get3A_179 = tpu.vector_load %arg6[%get3A_178] {strides = array<i32>} : memref<64000xf32, #tpu.memory_space<vmem>>, vector<16xf32>,
      %add3A_180 = arith.addf %add3A_158, %get3A_179 : vector<16xf32>
      %add3A_181 = arith.constant 48 : i32
      %add3A_182 = arith.addi %squeeze3A_165, %add3A_181 : i32
      %get3A_183 = arith.index_cast %add3A_182 : i32 to index
      %get3A_184 = tpu.vector_load %arg6[%get3A_183] {strides = array<i32>} : memref<64000xf32, #tpu.memory_space<vmem>>, vector<16xf32>,
      %add3A_185 = arith.addf %add3A_163, %get3A_184 : vector<16xf32>
      %slice3A_186 = vector.extract_strided_slice %mul3A_33 {offsets = [7], sizes = [1], strides = [1]} : vector<16xi32> to vector<1xi32>
      %squeeze3A_187 = vector.extract %slice3A_186[0] : i32 from vector<1xi32>
      %add3A_188 = arith.constant 0 : i32
      %add3A_189 = arith.addi %squeeze3A_187, %add3A_188 : i32
      %get3A_190 = arith.index_cast %add3A_189 : i32 to index
      %get3A_191 = tpu.vector_load %arg6[%get3A_190] {strides = array<i32>} : memref<64000xf32, #tpu.memory_space<vmem>>, vector<16xf32>,
      %add3A_192 = arith.addf %add3A_170, %get3A_191 : vector<16xf32>
      %add3A_193 = arith.constant 16 : i32
      %add3A_194 = arith.addi %squeeze3A_187, %add3A_193 : i32
      %get3A_195 = arith.index_cast %add3A_194 : i32 to index
      %get3A_196 = tpu.vector_load %arg6[%get3A_195] {strides = array<i32>} : memref<64000xf32, #tpu.memory_space<vmem>>, vector<16xf32>,
      %add3A_197 = arith.addf %add3A_175, %get3A_196 : vector<16xf32>
      %add3A_198 = arith.constant 32 : i32
      %add3A_199 = arith.addi %squeeze3A_187, %add3A_198 : i32
      %get3A_200 = arith.index_cast %add3A_199 : i32 to index
      %get3A_201 = tpu.vector_load %arg6[%get3A_200] {strides = array<i32>} : memref<64000xf32, #tpu.memory_space<vmem>>, vector<16xf32>,
      %add3A_202 = arith.addf %add3A_180, %get3A_201 : vector<16xf32>
      %add3A_203 = arith.constant 48 : i32
      %add3A_204 = arith.addi %squeeze3A_187, %add3A_203 : i32
      %get3A_205 = arith.index_cast %add3A_204 : i32 to index
      %get3A_206 = tpu.vector_load %arg6[%get3A_205] {strides = array<i32>} : memref<64000xf32, #tpu.memory_space<vmem>>, vector<16xf32>,
      %add3A_207 = arith.addf %add3A_185, %get3A_206 : vector<16xf32>
      %slice3A_208 = vector.extract_strided_slice %mul3A_33 {offsets = [8], sizes = [1], strides = [1]} : vector<16xi32> to vector<1xi32>
      %squeeze3A_209 = vector.extract %slice3A_208[0] : i32 from vector<1xi32>
      %add3A_210 = arith.constant 0 : i32
      %add3A_211 = arith.addi %squeeze3A_209, %add3A_210 : i32
      %get3A_212 = arith.index_cast %add3A_211 : i32 to index
      %get3A_213 = tpu.vector_load %arg6[%get3A_212] {strides = array<i32>} : memref<64000xf32, #tpu.memory_space<vmem>>, vector<16xf32>,
      %add3A_214 = arith.addf %add3A_192, %get3A_213 : vector<16xf32>
      %add3A_215 = arith.constant 16 : i32
      %add3A_216 = arith.addi %squeeze3A_209, %add3A_215 : i32
      %get3A_217 = arith.index_cast %add3A_216 : i32 to index
      %get3A_218 = tpu.vector_load %arg6[%get3A_217] {strides = array<i32>} : memref<64000xf32, #tpu.memory_space<vmem>>, vector<16xf32>,
      %add3A_219 = arith.addf %add3A_197, %get3A_218 : vector<16xf32>
      %add3A_220 = arith.constant 32 : i32
      %add3A_221 = arith.addi %squeeze3A_209, %add3A_220 : i32
      %get3A_222 = arith.index_cast %add3A_221 : i32 to index
      %get3A_223 = tpu.vector_load %arg6[%get3A_222] {strides = array<i32>} : memref<64000xf32, #tpu.memory_space<vmem>>, vector<16xf32>,
      %add3A_224 = arith.addf %add3A_202, %get3A_223 : vector<16xf32>
      %add3A_225 = arith.constant 48 : i32
      %add3A_226 = arith.addi %squeeze3A_209, %add3A_225 : i32
      %get3A_227 = arith.index_cast %add3A_226 : i32 to index
      %get3A_228 = tpu.vector_load %arg6[%get3A_227] {strides = array<i32>} : memref<64000xf32, #tpu.memory_space<vmem>>, vector<16xf32>,
      %add3A_229 = arith.addf %add3A_207, %get3A_228 : vector<16xf32>
      %slice3A_230 = vector.extract_strided_slice %mul3A_33 {offsets = [9], sizes = [1], strides = [1]} : vector<16xi32> to vector<1xi32>
      %squeeze3A_231 = vector.extract %slice3A_230[0] : i32 from vector<1xi32>
      %add3A_232 = arith.constant 0 : i32
      %add3A_233 = arith.addi %squeeze3A_231, %add3A_232 : i32
      %get3A_234 = arith.index_cast %add3A_233 : i32 to index
      %get3A_235 = tpu.vector_load %arg6[%get3A_234] {strides = array<i32>} : memref<64000xf32, #tpu.memory_space<vmem>>, vector<16xf32>,
      %add3A_236 = arith.addf %add3A_214, %get3A_235 : vector<16xf32>
      %add3A_237 = arith.constant 16 : i32
      %add3A_238 = arith.addi %squeeze3A_231, %add3A_237 : i32
      %get3A_239 = arith.index_cast %add3A_238 : i32 to index
      %get3A_240 = tpu.vector_load %arg6[%get3A_239] {strides = array<i32>} : memref<64000xf32, #tpu.memory_space<vmem>>, vector<16xf32>,
      %add3A_241 = arith.addf %add3A_219, %get3A_240 : vector<16xf32>
      %add3A_242 = arith.constant 32 : i32
      %add3A_243 = arith.addi %squeeze3A_231, %add3A_242 : i32
      %get3A_244 = arith.index_cast %add3A_243 : i32 to index
      %get3A_245 = tpu.vector_load %arg6[%get3A_244] {strides = array<i32>} : memref<64000xf32, #tpu.memory_space<vmem>>, vector<16xf32>,
      %add3A_246 = arith.addf %add3A_224, %get3A_245 : vector<16xf32>
      %add3A_247 = arith.constant 48 : i32
      %add3A_248 = arith.addi %squeeze3A_231, %add3A_247 : i32
      %get3A_249 = arith.index_cast %add3A_248 : i32 to index
      %get3A_250 = tpu.vector_load %arg6[%get3A_249] {strides = array<i32>} : memref<64000xf32, #tpu.memory_space<vmem>>, vector<16xf32>,
      %add3A_251 = arith.addf %add3A_229, %get3A_250 : vector<16xf32>
      %slice3A_252 = vector.extract_strided_slice %mul3A_33 {offsets = [10], sizes = [1], strides = [1]} : vector<16xi32> to vector<1xi32>
      %squeeze3A_253 = vector.extract %slice3A_252[0] : i32 from vector<1xi32>
      %add3A_254 = arith.constant 0 : i32
      %add3A_255 = arith.addi %squeeze3A_253, %add3A_254 : i32
      %get3A_256 = arith.index_cast %add3A_255 : i32 to index
      %get3A_257 = tpu.vector_load %arg6[%get3A_256] {strides = array<i32>} : memref<64000xf32, #tpu.memory_space<vmem>>, vector<16xf32>,
      %add3A_258 = arith.addf %add3A_236, %get3A_257 : vector<16xf32>
      %add3A_259 = arith.constant 16 : i32
      %add3A_260 = arith.addi %squeeze3A_253, %add3A_259 : i32
      %get3A_261 = arith.index_cast %add3A_260 : i32 to index
      %get3A_262 = tpu.vector_load %arg6[%get3A_261] {strides = array<i32>} : memref<64000xf32, #tpu.memory_space<vmem>>, vector<16xf32>,
      %add3A_263 = arith.addf %add3A_241, %get3A_262 : vector<16xf32>
      %add3A_264 = arith.constant 32 : i32
      %add3A_265 = arith.addi %squeeze3A_253, %add3A_264 : i32
      %get3A_266 = arith.index_cast %add3A_265 : i32 to index
      %get3A_267 = tpu.vector_load %arg6[%get3A_266] {strides = array<i32>} : memref<64000xf32, #tpu.memory_space<vmem>>, vector<16xf32>,
      %add3A_268 = arith.addf %add3A_246, %get3A_267 : vector<16xf32>
      %add3A_269 = arith.constant 48 : i32
      %add3A_270 = arith.addi %squeeze3A_253, %add3A_269 : i32
      %get3A_271 = arith.index_cast %add3A_270 : i32 to index
      %get3A_272 = tpu.vector_load %arg6[%get3A_271] {strides = array<i32>} : memref<64000xf32, #tpu.memory_space<vmem>>, vector<16xf32>,
      %add3A_273 = arith.addf %add3A_251, %get3A_272 : vector<16xf32>
      %slice3A_274 = vector.extract_strided_slice %mul3A_33 {offsets = [11], sizes = [1], strides = [1]} : vector<16xi32> to vector<1xi32>
      %squeeze3A_275 = vector.extract %slice3A_274[0] : i32 from vector<1xi32>
      %add3A_276 = arith.constant 0 : i32
      %add3A_277 = arith.addi %squeeze3A_275, %add3A_276 : i32
      %get3A_278 = arith.index_cast %add3A_277 : i32 to index
      %get3A_279 = tpu.vector_load %arg6[%get3A_278] {strides = array<i32>} : memref<64000xf32, #tpu.memory_space<vmem>>, vector<16xf32>,
      %add3A_280 = arith.addf %add3A_258, %get3A_279 : vector<16xf32>
      %add3A_281 = arith.constant 16 : i32
      %add3A_282 = arith.addi %squeeze3A_275, %add3A_281 : i32
      %get3A_283 = arith.index_cast %add3A_282 : i32 to index
      %get3A_284 = tpu.vector_load %arg6[%get3A_283] {strides = array<i32>} : memref<64000xf32, #tpu.memory_space<vmem>>, vector<16xf32>,
      %add3A_285 = arith.addf %add3A_263, %get3A_284 : vector<16xf32>
      %add3A_286 = arith.constant 32 : i32
      %add3A_287 = arith.addi %squeeze3A_275, %add3A_286 : i32
      %get3A_288 = arith.index_cast %add3A_287 : i32 to index
      %get3A_289 = tpu.vector_load %arg6[%get3A_288] {strides = array<i32>} : memref<64000xf32, #tpu.memory_space<vmem>>, vector<16xf32>,
      %add3A_290 = arith.addf %add3A_268, %get3A_289 : vector<16xf32>
      %add3A_291 = arith.constant 48 : i32
      %add3A_292 = arith.addi %squeeze3A_275, %add3A_291 : i32
      %get3A_293 = arith.index_cast %add3A_292 : i32 to index
      %get3A_294 = tpu.vector_load %arg6[%get3A_293] {strides = array<i32>} : memref<64000xf32, #tpu.memory_space<vmem>>, vector<16xf32>,
      %add3A_295 = arith.addf %add3A_273, %get3A_294 : vector<16xf32>
      %slice3A_296 = vector.extract_strided_slice %mul3A_33 {offsets = [12], sizes = [1], strides = [1]} : vector<16xi32> to vector<1xi32>
      %squeeze3A_297 = vector.extract %slice3A_296[0] : i32 from vector<1xi32>
      %add3A_298 = arith.constant 0 : i32
      %add3A_299 = arith.addi %squeeze3A_297, %add3A_298 : i32
      %get3A_300 = arith.index_cast %add3A_299 : i32 to index
      %get3A_301 = tpu.vector_load %arg6[%get3A_300] {strides = array<i32>} : memref<64000xf32, #tpu.memory_space<vmem>>, vector<16xf32>,
      %add3A_302 = arith.addf %add3A_280, %get3A_301 : vector<16xf32>
      %add3A_303 = arith.constant 16 : i32
      %add3A_304 = arith.addi %squeeze3A_297, %add3A_303 : i32
      %get3A_305 = arith.index_cast %add3A_304 : i32 to index
      %get3A_306 = tpu.vector_load %arg6[%get3A_305] {strides = array<i32>} : memref<64000xf32, #tpu.memory_space<vmem>>, vector<16xf32>,
      %add3A_307 = arith.addf %add3A_285, %get3A_306 : vector<16xf32>
      %add3A_308 = arith.constant 32 : i32
      %add3A_309 = arith.addi %squeeze3A_297, %add3A_308 : i32
      %get3A_310 = arith.index_cast %add3A_309 : i32 to index
      %get3A_311 = tpu.vector_load %arg6[%get3A_310] {strides = array<i32>} : memref<64000xf32, #tpu.memory_space<vmem>>, vector<16xf32>,
      %add3A_312 = arith.addf %add3A_290, %get3A_311 : vector<16xf32>
      %add3A_313 = arith.constant 48 : i32
      %add3A_314 = arith.addi %squeeze3A_297, %add3A_313 : i32
      %get3A_315 = arith.index_cast %add3A_314 : i32 to index
      %get3A_316 = tpu.vector_load %arg6[%get3A_315] {strides = array<i32>} : memref<64000xf32, #tpu.memory_space<vmem>>, vector<16xf32>,
      %add3A_317 = arith.addf %add3A_295, %get3A_316 : vector<16xf32>
      %slice3A_318 = vector.extract_strided_slice %mul3A_33 {offsets = [13], sizes = [1], strides = [1]} : vector<16xi32> to vector<1xi32>
      %squeeze3A_319 = vector.extract %slice3A_318[0] : i32 from vector<1xi32>
      %add3A_320 = arith.constant 0 : i32
      %add3A_321 = arith.addi %squeeze3A_319, %add3A_320 : i32
      %get3A_322 = arith.index_cast %add3A_321 : i32 to index
      %get3A_323 = tpu.vector_load %arg6[%get3A_322] {strides = array<i32>} : memref<64000xf32, #tpu.memory_space<vmem>>, vector<16xf32>,
      %add3A_324 = arith.addf %add3A_302, %get3A_323 : vector<16xf32>
      %add3A_325 = arith.constant 16 : i32
      %add3A_326 = arith.addi %squeeze3A_319, %add3A_325 : i32
      %get3A_327 = arith.index_cast %add3A_326 : i32 to index
      %get3A_328 = tpu.vector_load %arg6[%get3A_327] {strides = array<i32>} : memref<64000xf32, #tpu.memory_space<vmem>>, vector<16xf32>,
      %add3A_329 = arith.addf %add3A_307, %get3A_328 : vector<16xf32>
      %add3A_330 = arith.constant 32 : i32
      %add3A_331 = arith.addi %squeeze3A_319, %add3A_330 : i32
      %get3A_332 = arith.index_cast %add3A_331 : i32 to index
      %get3A_333 = tpu.vector_load %arg6[%get3A_332] {strides = array<i32>} : memref<64000xf32, #tpu.memory_space<vmem>>, vector<16xf32>,
      %add3A_334 = arith.addf %add3A_312, %get3A_333 : vector<16xf32>
      %add3A_335 = arith.constant 48 : i32
      %add3A_336 = arith.addi %squeeze3A_319, %add3A_335 : i32
      %get3A_337 = arith.index_cast %add3A_336 : i32 to index
      %get3A_338 = tpu.vector_load %arg6[%get3A_337] {strides = array<i32>} : memref<64000xf32, #tpu.memory_space<vmem>>, vector<16xf32>,
      %add3A_339 = arith.addf %add3A_317, %get3A_338 : vector<16xf32>
      %slice3A_340 = vector.extract_strided_slice %mul3A_33 {offsets = [14], sizes = [1], strides = [1]} : vector<16xi32> to vector<1xi32>
      %squeeze3A_341 = vector.extract %slice3A_340[0] : i32 from vector<1xi32>
      %add3A_342 = arith.constant 0 : i32
      %add3A_343 = arith.addi %squeeze3A_341, %add3A_342 : i32
      %get3A_344 = arith.index_cast %add3A_343 : i32 to index
      %get3A_345 = tpu.vector_load %arg6[%get3A_344] {strides = array<i32>} : memref<64000xf32, #tpu.memory_space<vmem>>, vector<16xf32>,
      %add3A_346 = arith.addf %add3A_324, %get3A_345 : vector<16xf32>
      %add3A_347 = arith.constant 16 : i32
      %add3A_348 = arith.addi %squeeze3A_341, %add3A_347 : i32
      %get3A_349 = arith.index_cast %add3A_348 : i32 to index
      %get3A_350 = tpu.vector_load %arg6[%get3A_349] {strides = array<i32>} : memref<64000xf32, #tpu.memory_space<vmem>>, vector<16xf32>,
      %add3A_351 = arith.addf %add3A_329, %get3A_350 : vector<16xf32>
      %add3A_352 = arith.constant 32 : i32
      %add3A_353 = arith.addi %squeeze3A_341, %add3A_352 : i32
      %get3A_354 = arith.index_cast %add3A_353 : i32 to index
      %get3A_355 = tpu.vector_load %arg6[%get3A_354] {strides = array<i32>} : memref<64000xf32, #tpu.memory_space<vmem>>, vector<16xf32>,
      %add3A_356 = arith.addf %add3A_334, %get3A_355 : vector<16xf32>
      %add3A_357 = arith.constant 48 : i32
      %add3A_358 = arith.addi %squeeze3A_341, %add3A_357 : i32
      %get3A_359 = arith.index_cast %add3A_358 : i32 to index
      %get3A_360 = tpu.vector_load %arg6[%get3A_359] {strides = array<i32>} : memref<64000xf32, #tpu.memory_space<vmem>>, vector<16xf32>,
      %add3A_361 = arith.addf %add3A_339, %get3A_360 : vector<16xf32>
      %slice3A_362 = vector.extract_strided_slice %mul3A_33 {offsets = [15], sizes = [1], strides = [1]} : vector<16xi32> to vector<1xi32>
      %squeeze3A_363 = vector.extract %slice3A_362[0] : i32 from vector<1xi32>
      %add3A_364 = arith.constant 0 : i32
      %add3A_365 = arith.addi %squeeze3A_363, %add3A_364 : i32
      %get3A_366 = arith.index_cast %add3A_365 : i32 to index
      %get3A_367 = tpu.vector_load %arg6[%get3A_366] {strides = array<i32>} : memref<64000xf32, #tpu.memory_space<vmem>>, vector<16xf32>,
      %add3A_368 = arith.addf %add3A_346, %get3A_367 : vector<16xf32>
      %add3A_369 = arith.constant 16 : i32
      %add3A_370 = arith.addi %squeeze3A_363, %add3A_369 : i32
      %get3A_371 = arith.index_cast %add3A_370 : i32 to index
      %get3A_372 = tpu.vector_load %arg6[%get3A_371] {strides = array<i32>} : memref<64000xf32, #tpu.memory_space<vmem>>, vector<16xf32>,
      %add3A_373 = arith.addf %add3A_351, %get3A_372 : vector<16xf32>
      %add3A_374 = arith.constant 32 : i32
      %add3A_375 = arith.addi %squeeze3A_363, %add3A_374 : i32
      %get3A_376 = arith.index_cast %add3A_375 : i32 to index
      %get3A_377 = tpu.vector_load %arg6[%get3A_376] {strides = array<i32>} : memref<64000xf32, #tpu.memory_space<vmem>>, vector<16xf32>,
      %add3A_378 = arith.addf %add3A_356, %get3A_377 : vector<16xf32>
      %add3A_379 = arith.constant 48 : i32
      %add3A_380 = arith.addi %squeeze3A_363, %add3A_379 : i32
      %get3A_381 = arith.index_cast %add3A_380 : i32 to index
      %get3A_382 = tpu.vector_load %arg6[%get3A_381] {strides = array<i32>} : memref<64000xf32, #tpu.memory_space<vmem>>, vector<16xf32>,
      %add3A_383 = arith.addf %add3A_361, %get3A_382 : vector<16xf32>
      %convert_element_type3A = arith.sitofp %all_reduce_population_count3A : vector<16xi32> to vector<16xf32>
      %max3A = arith.maximumf %convert_element_type3A, %broadcast_in_dim3A_12 : vector<16xf32>
      %div3A = arith.divf %broadcast_in_dim3A_12, %max3A : vector<16xf32>
      %mul3A_384 = arith.mulf %add3A_368, %div3A : vector<16xf32>
      %swap3A_385 = arith.index_cast %scan3A_18 : i32 to index
      %swap3A_386 = arith.constant 0 : index
      %swap3A_387 = tpu.vector_load %arg7[%swap3A_385, %swap3A_386] {strides = array<i32>} : memref<512x64xf32, #tpu.memory_space<vmem>>, vector<16xf32>,
      tpu.vector_store %arg7[%swap3A_385, %swap3A_386], %mul3A_384 {strides = array<i32>} : memref<512x64xf32, #tpu.memory_space<vmem>>, vector<16xf32>,
      %mul3A_388 = arith.mulf %add3A_373, %div3A : vector<16xf32>
      %swap3A_389 = arith.index_cast %scan3A_18 : i32 to index
      %swap3A_390 = arith.constant 16 : index
      %swap3A_391 = tpu.vector_load %arg7[%swap3A_389, %swap3A_390] {strides = array<i32>} : memref<512x64xf32, #tpu.memory_space<vmem>>, vector<16xf32>,
      tpu.vector_store %arg7[%swap3A_389, %swap3A_390], %mul3A_388 {strides = array<i32>} : memref<512x64xf32, #tpu.memory_space<vmem>>, vector<16xf32>,
      %mul3A_392 = arith.mulf %add3A_378, %div3A : vector<16xf32>
      %swap3A_393 = arith.index_cast %scan3A_18 : i32 to index
      %swap3A_394 = arith.constant 32 : index
      %swap3A_395 = tpu.vector_load %arg7[%swap3A_393, %swap3A_394] {strides = array<i32>} : memref<512x64xf32, #tpu.memory_space<vmem>>, vector<16xf32>,
      tpu.vector_store %arg7[%swap3A_393, %swap3A_394], %mul3A_392 {strides = array<i32>} : memref<512x64xf32, #tpu.memory_space<vmem>>, vector<16xf32>,
      %mul3A_396 = arith.mulf %add3A_383, %div3A : vector<16xf32>
      %swap3A_397 = arith.index_cast %scan3A_18 : i32 to index
      %swap3A_398 = arith.constant 48 : index
      %swap3A_399 = tpu.vector_load %arg7[%swap3A_397, %swap3A_398] {strides = array<i32>} : memref<512x64xf32, #tpu.memory_space<vmem>>, vector<16xf32>,
      tpu.vector_store %arg7[%swap3A_397, %swap3A_398], %mul3A_396 {strides = array<i32>} : memref<512x64xf32, #tpu.memory_space<vmem>>, vector<16xf32>,
    }
    %scan3A_17 = arith.constant 512 : i32
    "tpu.region"() ({
      %run_scoped3A = tpu.sem_alloc : memref<!tpu.dma_semaphore, #tpu.memory_space<semaphore_mem>>
      %dma_start3A = arith.constant 0 : i32
      %dma_start3A_18 = tpu.memref_slice %arg4[%mul3A_2, %dma_start3A] : memref<16384x64xf32, #tpu.memory_space<hbm>> -> memref<512x64xf32, #tpu.memory_space<hbm>>
      %dma_start3A_19 = arith.constant 0 : i32
      %dma_start3A_20 = tpu.memref_slice %arg4[%mul3A_2, %dma_start3A_19] : memref<16384x64xf32, #tpu.memory_space<hbm>> -> memref<512x64xf32, #tpu.memory_space<hbm>>
      tpu.enqueue_dma source(%arg7 : memref<512x64xf32, #tpu.memory_space<vmem>>) target(%dma_start3A_20 : memref<512x64xf32, #tpu.memory_space<hbm>>) target_semaphore(%run_scoped3A : memref<!tpu.dma_semaphore, #tpu.memory_space<semaphore_mem>>)
      %dma_wait3A = arith.constant 0 : i32
      %dma_wait3A_21 = tpu.memref_slice %arg4[%mul3A_2, %dma_wait3A] : memref<16384x64xf32, #tpu.memory_space<hbm>> -> memref<512x64xf32, #tpu.memory_space<hbm>>
      %dma_wait3A_22 = arith.constant 0 : i32
      %dma_wait3A_23 = tpu.memref_slice %arg4[%mul3A_2, %dma_wait3A_22] : memref<16384x64xf32, #tpu.memory_space<hbm>> -> memref<512x64xf32, #tpu.memory_space<hbm>>
      tpu.wait_dma2 semaphore(%run_scoped3A : memref<!tpu.dma_semaphore, #tpu.memory_space<semaphore_mem>>) src(%arg7 : memref<512x64xf32, #tpu.memory_space<vmem>>) dst(%dma_wait3A_23 : memref<512x64xf32, #tpu.memory_space<hbm>>)
      tpu.yield
    }) : () -> ()
    return
  }
}

module attributes {stable_mosaic.version = 14 : i64} {
  func.func @body(%arg0: i32, %arg1: memref<2048x128xf32, #tpu.memory_space<vmem>>, %arg2: memref<2048x128xf32, #tpu.memory_space<vmem>>, %arg3: memref<2048x128xf32, #tpu.memory_space<vmem>>, %arg4: memref<64x64xf32, #tpu.memory_space<vmem>>, %arg5: memref<64x64xf32, #tpu.memory_space<vmem>>, %arg6: memref<64x64xf32, #tpu.memory_space<vmem>>, %arg7: memref<1x64xf32, #tpu.memory_space<vmem>>, %arg8: memref<4096x64xf32, #tpu.memory_space<vmem>>) attributes {dimension_semantics = [#tpu.dimension_semantics<arbitrary>], iteration_bounds = array<i64: 4>, scalar_prefetch = 0 : i64, scratch_operands = 0 : i64, tpu.core_type = #tpu.core_type<tc>, window_params = [{transform_indices = @transform_0, window_bounds = array<i64: 2048, 128>}, {transform_indices = @transform_1, window_bounds = array<i64: 2048, 128>}, {transform_indices = @transform_2, window_bounds = array<i64: 2048, 128>}, {pipeline_mode = #tpu.pipeline_mode<synchronous>, transform_indices = @transform_3, window_bounds = array<i64: 64, 64>}, {pipeline_mode = #tpu.pipeline_mode<synchronous>, transform_indices = @transform_4, window_bounds = array<i64: 64, 64>}, {pipeline_mode = #tpu.pipeline_mode<synchronous>, transform_indices = @transform_5, window_bounds = array<i64: 64, 64>}, {pipeline_mode = #tpu.pipeline_mode<synchronous>, transform_indices = @transform_6, window_bounds = array<i64: 1, 64>}, {transform_indices = @transform_7, window_bounds = array<i64: 4096, 64>}]} {
    %get3A = arith.constant 0 : index
    %get3A_0 = arith.constant 0 : index
    %get3A_1 = vector.load %arg1[%get3A, %get3A_0] : memref<2048x128xf32, #tpu.memory_space<vmem>>, vector<2048x64xf32>
    %get3A_2 = arith.constant 0 : index
    %get3A_3 = arith.constant 0 : index
    %get3A_4 = vector.load %arg4[%get3A_2, %get3A_3] : memref<64x64xf32, #tpu.memory_space<vmem>>, vector<64x64xf32>
    %dot_general3A = arith.constant dense<0.000000e+00> : vector<2048x64xf32>
    %dot_general3A_5 = tpu.matmul %get3A_1, %get3A_4, %dot_general3A {dimension_numbers = #tpu.dot_dimension_numbers<[1], [0], [0], [1], [0, 0, 1, 1], [], []>, transpose_lhs_hint = false} : vector<2048x64xf32>, vector<64x64xf32>, vector<2048x64xf32> -> vector<2048x64xf32>
    %get3A_6 = arith.constant 0 : index
    %get3A_7 = arith.constant 0 : index
    %get3A_8 = vector.load %arg2[%get3A_6, %get3A_7] : memref<2048x128xf32, #tpu.memory_space<vmem>>, vector<2048x64xf32>
    %get3A_9 = arith.constant 0 : index
    %get3A_10 = arith.constant 0 : index
    %get3A_11 = vector.load %arg5[%get3A_9, %get3A_10] : memref<64x64xf32, #tpu.memory_space<vmem>>, vector<64x64xf32>
    %dot_general3A_12 = arith.constant dense<0.000000e+00> : vector<2048x64xf32>
    %dot_general3A_13 = tpu.matmul %get3A_8, %get3A_11, %dot_general3A_12 {dimension_numbers = #tpu.dot_dimension_numbers<[1], [0], [0], [1], [0, 0, 1, 1], [], []>, transpose_lhs_hint = false} : vector<2048x64xf32>, vector<64x64xf32>, vector<2048x64xf32> -> vector<2048x64xf32>
    %add3A = arith.addf %dot_general3A_5, %dot_general3A_13 : vector<2048x64xf32>
    %get3A_14 = arith.constant 0 : index
    %get3A_15 = arith.constant 0 : index
    %get3A_16 = vector.load %arg3[%get3A_14, %get3A_15] : memref<2048x128xf32, #tpu.memory_space<vmem>>, vector<2048x64xf32>
    %add3A_17 = arith.addf %add3A, %get3A_16 : vector<2048x64xf32>
    %max3A = arith.constant 0.000000e+00 : f32
    %max3A_18 = vector.broadcast %max3A : f32 to vector<2048x64xf32>
    %max3A_19 = arith.maximumf %add3A_17, %max3A_18 : vector<2048x64xf32>
    %get3A_20 = arith.constant 0 : index
    %get3A_21 = arith.constant 0 : index
    %get3A_22 = vector.load %arg6[%get3A_20, %get3A_21] : memref<64x64xf32, #tpu.memory_space<vmem>>, vector<64x64xf32>
    %dot_general3A_23 = arith.constant dense<0.000000e+00> : vector<2048x64xf32>
    %dot_general3A_24 = tpu.matmul %max3A_19, %get3A_22, %dot_general3A_23 {dimension_numbers = #tpu.dot_dimension_numbers<[1], [0], [0], [1], [0, 0, 1, 1], [], []>, transpose_lhs_hint = false} : vector<2048x64xf32>, vector<64x64xf32>, vector<2048x64xf32> -> vector<2048x64xf32>
    %get3A_25 = arith.constant 0 : index
    %get3A_26 = arith.constant 0 : index
    %get3A_27 = vector.load %arg7[%get3A_25, %get3A_26] : memref<1x64xf32, #tpu.memory_space<vmem>>, vector<1x64xf32>
    %add3A_28 = vector.broadcast %get3A_27 : vector<1x64xf32> to vector<2048x64xf32>
    %add3A_29 = arith.addf %dot_general3A_24, %add3A_28 : vector<2048x64xf32>
    %get3A_30 = arith.constant 0 : index
    %get3A_31 = arith.constant 64 : index
    %get3A_32 = vector.load %arg1[%get3A_30, %get3A_31] : memref<2048x128xf32, #tpu.memory_space<vmem>>, vector<2048x64xf32>
    %get3A_33 = arith.constant 0 : index
    %get3A_34 = arith.constant 0 : index
    %get3A_35 = vector.load %arg4[%get3A_33, %get3A_34] : memref<64x64xf32, #tpu.memory_space<vmem>>, vector<64x64xf32>
    %dot_general3A_36 = arith.constant dense<0.000000e+00> : vector<2048x64xf32>
    %dot_general3A_37 = tpu.matmul %get3A_32, %get3A_35, %dot_general3A_36 {dimension_numbers = #tpu.dot_dimension_numbers<[1], [0], [0], [1], [0, 0, 1, 1], [], []>, transpose_lhs_hint = false} : vector<2048x64xf32>, vector<64x64xf32>, vector<2048x64xf32> -> vector<2048x64xf32>
    %get3A_38 = arith.constant 0 : index
    %get3A_39 = arith.constant 64 : index
    %get3A_40 = vector.load %arg2[%get3A_38, %get3A_39] : memref<2048x128xf32, #tpu.memory_space<vmem>>, vector<2048x64xf32>
    %get3A_41 = arith.constant 0 : index
    %get3A_42 = arith.constant 0 : index
    %get3A_43 = vector.load %arg5[%get3A_41, %get3A_42] : memref<64x64xf32, #tpu.memory_space<vmem>>, vector<64x64xf32>
    %dot_general3A_44 = arith.constant dense<0.000000e+00> : vector<2048x64xf32>
    %dot_general3A_45 = tpu.matmul %get3A_40, %get3A_43, %dot_general3A_44 {dimension_numbers = #tpu.dot_dimension_numbers<[1], [0], [0], [1], [0, 0, 1, 1], [], []>, transpose_lhs_hint = false} : vector<2048x64xf32>, vector<64x64xf32>, vector<2048x64xf32> -> vector<2048x64xf32>
    %add3A_46 = arith.addf %dot_general3A_37, %dot_general3A_45 : vector<2048x64xf32>
    %get3A_47 = arith.constant 0 : index
    %get3A_48 = arith.constant 64 : index
    %get3A_49 = vector.load %arg3[%get3A_47, %get3A_48] : memref<2048x128xf32, #tpu.memory_space<vmem>>, vector<2048x64xf32>
    %add3A_50 = arith.addf %add3A_46, %get3A_49 : vector<2048x64xf32>
    %max3A_51 = arith.constant 0.000000e+00 : f32
    %max3A_52 = vector.broadcast %max3A_51 : f32 to vector<2048x64xf32>
    %max3A_53 = arith.maximumf %add3A_50, %max3A_52 : vector<2048x64xf32>
    %get3A_54 = arith.constant 0 : index
    %get3A_55 = arith.constant 0 : index
    %get3A_56 = vector.load %arg6[%get3A_54, %get3A_55] : memref<64x64xf32, #tpu.memory_space<vmem>>, vector<64x64xf32>
    %dot_general3A_57 = arith.constant dense<0.000000e+00> : vector<2048x64xf32>
    %dot_general3A_58 = tpu.matmul %max3A_53, %get3A_56, %dot_general3A_57 {dimension_numbers = #tpu.dot_dimension_numbers<[1], [0], [0], [1], [0, 0, 1, 1], [], []>, transpose_lhs_hint = false} : vector<2048x64xf32>, vector<64x64xf32>, vector<2048x64xf32> -> vector<2048x64xf32>
    %get3A_59 = arith.constant 0 : index
    %get3A_60 = arith.constant 0 : index
    %get3A_61 = vector.load %arg7[%get3A_59, %get3A_60] : memref<1x64xf32, #tpu.memory_space<vmem>>, vector<1x64xf32>
    %add3A_62 = vector.broadcast %get3A_61 : vector<1x64xf32> to vector<2048x64xf32>
    %add3A_63 = arith.addf %dot_general3A_58, %add3A_62 : vector<2048x64xf32>
    %stack3A = vector.shape_cast %add3A_29 : vector<2048x64xf32> to vector<2048x1x64xf32>
    %stack3A_64 = vector.shape_cast %add3A_63 : vector<2048x64xf32> to vector<2048x1x64xf32>
    %stack3A_65 = tpu.concatenate %stack3A, %stack3A_64 in 1 : vector<2048x1x64xf32>, vector<2048x1x64xf32> -> vector<2048x2x64xf32>
    %reshape3A = vector.shape_cast %stack3A_65 : vector<2048x2x64xf32> to vector<4096x64xf32>
    %swap3A = arith.constant 0 : index
    %swap3A_66 = arith.constant 0 : index
    %swap3A_67 = vector.load %arg8[%swap3A, %swap3A_66] : memref<4096x64xf32, #tpu.memory_space<vmem>>, vector<4096x64xf32>
    tpu.vector_store %arg8[%swap3A, %swap3A_66], %reshape3A {strides = array<i32>} : memref<4096x64xf32, #tpu.memory_space<vmem>>, vector<4096x64xf32>,
    return
  }
  func.func @transform_0(%arg0: i32) -> (i32, i32) {
    %c0_i32 = arith.constant 0 : i32
    %c0_i32_0 = arith.constant 0 : i32
    return %arg0, %c0_i32 : i32, i32
  }
  func.func @transform_1(%arg0: i32) -> (i32, i32) {
    %c0_i32 = arith.constant 0 : i32
    %c0_i32_0 = arith.constant 0 : i32
    return %arg0, %c0_i32 : i32, i32
  }
  func.func @transform_2(%arg0: i32) -> (i32, i32) {
    %c0_i32 = arith.constant 0 : i32
    %c0_i32_0 = arith.constant 0 : i32
    return %arg0, %c0_i32 : i32, i32
  }
  func.func @transform_3(%arg0: i32) -> (i32, i32) {
    %c0_i32 = arith.constant 0 : i32
    %c0_i32_0 = arith.constant 0 : i32
    %c0_i32_1 = arith.constant 0 : i32
    return %c0_i32, %c0_i32_0 : i32, i32
  }
  func.func @transform_4(%arg0: i32) -> (i32, i32) {
    %c0_i32 = arith.constant 0 : i32
    %c0_i32_0 = arith.constant 0 : i32
    %c0_i32_1 = arith.constant 0 : i32
    return %c0_i32, %c0_i32_0 : i32, i32
  }
  func.func @transform_5(%arg0: i32) -> (i32, i32) {
    %c0_i32 = arith.constant 0 : i32
    %c0_i32_0 = arith.constant 0 : i32
    %c0_i32_1 = arith.constant 0 : i32
    return %c0_i32, %c0_i32_0 : i32, i32
  }
  func.func @transform_6(%arg0: i32) -> (i32, i32) {
    %c0_i32 = arith.constant 0 : i32
    %c0_i32_0 = arith.constant 0 : i32
    %c0_i32_1 = arith.constant 0 : i32
    return %c0_i32, %c0_i32_0 : i32, i32
  }
  func.func @transform_7(%arg0: i32) -> (i32, i32) {
    %c0_i32 = arith.constant 0 : i32
    %c0_i32_0 = arith.constant 0 : i32
    return %arg0, %c0_i32 : i32, i32
  }
}

</mosaic_0001>

<sc_bundles>
// kernel: kernel.5.cloned.1.call-start
scs
__scs_entry_jumppad:
0x0: {  	(pc) =	sbr.rel $0x88, $3  }
0x1: {  	(tag) =	ssettag $0x0;
	lr =	simm.s32 $0x1  }
0x2: {  	[smem:$0x3F95] =	sst lr;
	_ =	strace $0xD0000000  }
0x3: {  	_ = 	snop  }
0x4: {  	_ = 	snop  }
0x5: {  	_ = 	snop  }
0x6: {  	_ = 	snop  }
0x7: {  	_ = 	snop  }
__scs_overlays_trampoline_lowered:
0x8: {  	[smem:$0x3FA4] =	sst s0  }
0x9: {  	[smem:$0x3FA5] =	sst s1  }
0xa: {  	[smem:$0x3FA6] =	sst s2  }
0xb: {  	[smem:$0x3FA7] =	sst s3  }
0xc: {  	[smem:$0x3FA8] =	sst s4  }
0xd: {  	[smem:$0x3FA9] =	sst s5  }
0xe: {  	[smem:$0x3FAA] =	sst s6  }
0xf: {  	[smem:$0x3FAB] =	sst s7  }
0x10: {  	[smem:$0x3FAC] =	sst s8  }
0x11: {  	[smem:$0x3FAD] =	sst s9;
	s0 =	simm.s32 @!p0 $0x0  }
0x12: {  	s1 =	sld [smem:$0x3F93];
	s0 =	simm.s32 @p0 $0x1  }
0x13: {  	[smem:$0x3FAE] =	sst s0;
	s0 =	simm.s32 @!p1 $0x0  }
0x14: {  	s2 =	sld [smem:$0x3F92];
	s0 =	simm.s32 @p1 $0x1  }
0x15: {  	[smem:$0x3FAF] =	sst s0;
	s0 =	simm.s32 @!p2 $0x0  }
0x16: {  	s3 =	sld [smem:$0x3FDB];
	s0 =	simm.s32 @p2 $0x1  }
0x17: {  	s4 =	simm.s32 $0x1BF5;
	[smem:$0x3FB1] =	sst s0  }
0x18: {  	s0 =	sld [smem:$0x3F94];
	_ =	swait.ge [sflag:s4], $0x0  }
0x19: {  	s7 =	sld [smem:$0x3F95]  }
0x1a: {  	s8 =	sadd.s32 $0xFFFFE003, lr  }
0x1b: {  	s9 =	sadd.s32 $0xFFFFFEF7, lr;
	s5 =	simm.s32 $0xFFFFFFFF;
	p2 =	slt.u32 s8, $0xFFFFF086  }
0x1c: {  	p1 =	slt.u32 s9, $0xF7A;
	s5 =	simm.s32 @!p2 $0x0  }
0x1d: {  	s5 =	simm.s32 @p1 $0x1;
	p0 =	seq.s32 s7, s2  }
0x1e: {  	s7 =	smul.u32 @!p0 $0xF7A, s2;
	p2 =	seq.s32 @!p0 s5, $0x0  }
0x1f: {  	s9 =	smul.u32 $0xF7A, s1;
	s8 =	simm.s32 @!p0 $0x1BF5;
	p2 =	por !p2, p0  }
0x20: {  	[sflag:s8] =	ssyncset.s32 @!p0 $0xFFFFF086;
	s6 =	sadd.s32 @!p0 s3, s7;
	s7 =	simm.s32 @!p0 $0x108  }
0x21: {  	s3 =	sadd.s32 s3, s9;
	s6 =	sadd.s32 @!p0 $0x88, s6;
	s7 =	simm.s32 @p2 $0x1082  }
0x22: {  	[simem:s7], [sflag:s8] =	dma.local @!p0 [hbm:s6], $0xF7A  }
0x23: {  	s9 =	sor.u32 $0xD0000000, s2;
	s6 =	simm.s32 $0x108;
	_ =	swait.ge @!p0 [sflag:s8], $0x0  }
0x24: {  	s3 =	sadd.s32 $0x88, s3;
	s6 =	simm.s32 @!p1 $0x1082;
	[sflag:s4] =	ssyncset.s32 $0xFFFFF086  }
0x25: {  	[simem:s6], [sflag:s4] =	dma.local [hbm:s3], $0xF7A  }
0x26: {  	[smem:$0x3F95] =	sst s1;
	(tag) =	ssettag s2;
	_ =	strace s9  }
0x27: {  	s1 =	sld [smem:$0x3FA5]  }
0x28: {  	s2 =	sld [smem:$0x3FA6]  }
0x29: {  	s4 =	sld [smem:$0x3FA8]  }
0x2a: {  	p0 =	seq.s32 s5, $0x0;
	s5 =	sld [smem:$0x3FA9]  }
0x2b: {  	s6 =	sld [smem:$0x3FAA]  }
0x2c: {  	s7 =	sld [smem:$0x3FAB]  }
0x2d: {  	s3 =	simm.s32 $0x108;
	s8 =	sld [smem:$0x3FAC]  }
0x2e: {  	s3 =	simm.s32 @!p0 $0x1082;
	s9 =	sld [smem:$0x3FAD]  }
0x2f: {  	lr =	sadd.s32 s0, s3;
	s0 =	sld [smem:$0x3FA4]  }
0x30: {  	s3 =	sld [smem:$0x3FA7]  }
0x31: {  	[smem:$0x3FB0] =	sst s10  }
0x32: {  	s10 =	sld [smem:$0x3FAE];
	_ =	sdelay $0x3  }
0x33: {  	p0 =	seq.s32 s10, $0x1;
	s10 =	sld [smem:$0x3FB0];
	_ =	sdelay $0x3  }
0x34: {  	[smem:$0x3FB0] =	sst s10  }
0x35: {  	s10 =	sld [smem:$0x3FAF];
	_ =	sdelay $0x3  }
0x36: {  	p1 =	seq.s32 s10, $0x1;
	s10 =	sld [smem:$0x3FB0];
	_ =	sdelay $0x3  }
0x37: {  	[smem:$0x3FB0] =	sst s10  }
0x38: {  	s10 =	sld [smem:$0x3FB1]  }
0x39: {  	_ = 	snop;
	(pc) =	sbr.ind lr, $3  }
0x3a: {  	_ = 	snop  }
0x3b: {  	_ = 	snop  }
0x3c: {  	p2 =	seq.s32 s10, $0x1;
	s10 =	sld [smem:$0x3FB0]  }
0x3d: {  	_ =	shalt  }
0x3e: {  	_ =	shalt  }
0x3f: {  	_ =	shalt  }
0x40: {  	_ =	shalt  }
0x41: {  	_ =	shalt  }
0x42: {  	_ =	shalt  }
0x43: {  	_ =	shalt  }
0x44: {  	_ =	shalt  }
0x45: {  	_ =	shalt  }
0x46: {  	_ =	shalt  }
0x47: {  	_ =	shalt  }
0x48: {  	_ =	shalt  }
0x49: {  	_ =	shalt  }
0x4a: {  	_ =	shalt  }
0x4b: {  	_ =	shalt  }
0x4c: {  	_ =	shalt  }
0x4d: {  	_ =	shalt  }
0x4e: {  	_ =	shalt  }
0x4f: {  	_ =	shalt  }
0x50: {  	_ =	shalt  }
0x51: {  	_ =	shalt  }
0x52: {  	_ =	shalt  }
0x53: {  	_ =	shalt  }
0x54: {  	_ =	shalt  }
0x55: {  	_ =	shalt  }
0x56: {  	_ =	shalt  }
0x57: {  	_ =	shalt  }
0x58: {  	_ =	shalt  }
0x59: {  	_ =	shalt  }
0x5a: {  	_ =	shalt  }
0x5b: {  	_ =	shalt  }
0x5c: {  	_ =	shalt  }
0x5d: {  	_ =	shalt  }
0x5e: {  	_ =	shalt  }
0x5f: {  	_ =	shalt  }
0x60: {  	_ =	shalt  }
0x61: {  	_ =	shalt  }
0x62: {  	_ =	shalt  }
0x63: {  	_ =	shalt  }
0x64: {  	_ =	shalt  }
0x65: {  	_ =	shalt  }
0x66: {  	_ =	shalt  }
0x67: {  	_ =	shalt  }
0x68: {  	_ =	shalt  }
0x69: {  	_ =	shalt  }
0x6a: {  	_ =	shalt  }
0x6b: {  	_ =	shalt  }
0x6c: {  	_ =	shalt  }
0x6d: {  	_ =	shalt  }
0x6e: {  	_ =	shalt  }
0x6f: {  	_ =	shalt  }
0x70: {  	_ =	shalt  }
0x71: {  	_ =	shalt  }
0x72: {  	_ =	shalt  }
0x73: {  	_ =	shalt  }
0x74: {  	_ =	shalt  }
0x75: {  	_ =	shalt  }
0x76: {  	_ =	shalt  }
0x77: {  	_ =	shalt  }
0x78: {  	_ =	shalt  }
0x79: {  	_ =	shalt  }
0x7a: {  	_ =	shalt  }
0x7b: {  	_ =	shalt  }
0x7c: {  	_ =	shalt  }
0x7d: {  	_ =	shalt  }
0x7e: {  	_ =	shalt  }
0x7f: {  	_ =	shalt  }
0x80: {  	_ =	shalt  }
0x81: {  	_ =	shalt  }
0x82: {  	_ =	shalt  }
0x83: {  	_ =	shalt  }
0x84: {  	_ =	shalt  }
0x85: {  	_ =	shalt  }
0x86: {  	_ =	shalt  }
0x87: {  	_ =	shalt  }
.Lfunc_end0:
.L_simem_size_0:
called_computation_lowered:
.L_overlay_start_0:
0x88: {  	s2 =	sld [smem:$0x3FD9]  }
0x89: {  	s3 =	sld [smem:$0x3FFE];
	_ =	sdelay $0x1  }
0x8a: {  	s1 =	srdreg.scid  }
0x8b: {  	s0 =	sand.u32 $0x1, s1  }
0x8c: {  	s17 =	sshll.u32 s0, $0xA;
	s2 =	sadd.s32 s3, s2  }
0x8d: {  	s2 =	sadd.s32 s2, s17  }
0x8e: {  	[smem:$0x3FBC] =	sst s2  }
0x8f: {  	_ = 	snop  }
0x90: {  	s18 =	sld [smem:$0x3FD0];
	(tm) =	ssettm $0x1  }
0x91: {  	s19 =	sld [smem:$0x3FFB];
	_ =	sdelay $0x3  }
0x92: {  	_ =	strace s19  }
0x93: {  	s2 =	sld [smem:$0x3FFC];
	_ =	sdelay $0x3  }
0x94: {  	_ =	strace s2  }
0x95: {  	s2 =	sld [smem:$0x3FFD];
	_ =	sdelay $0x3  }
0x96: {  	_ =	strace s2  }
0x97: {  	_ =	strace $0x8FFFFFFF  }
0x98: {  	s20 =	sld [smem:$0x3FDB];
	_ =	sdelay $0x1  }
0x99: {  	s4 =	simm.s32 $_scs_section_size  }
0x9a: {  	s5 =	simm.s32 $_size__tile_overlayer_lowered;
	s6 =	simm.s32 $_tile_overlayer_lowered  }
0x9b: {  	s7 =	simm.s32 $0x1BFF;
	s21 =	sshll.u32 s6, $0x1;
	s4 =	sadd.s32 s4, s20  }
0x9c: {  	s22 =	simm.s32 $0x0;
	s5 =	sshll.u32 s5, $0x1;
	s6 =	sadd.s32 s21, s4  }
0x9d: {  	[timem:s22], [sflag:s7] =	dma.local [hbm:s6], s5  }
0x9e: {  	_ =	swait.ge [sflag:s7], s5  }
0x9f: {  	s5 =	ssub.s32 $0x0, s5;
	[sflag:s7] =	ssyncset.done $0x0  }
0xa0: {  	[sflag:s7] =	ssyncadd.s32 s5;
	_ =	sdelay $0x1  }
0xa1: {  	s23 =	simm.s32 $0x1B8B  }
0xa2: {  	_ =	swait.ge [sflag:s23], $0x1  }
0xa3: {  	[sflag:s23] =	ssyncset.done $0x0  }
0xa4: {  	[sflag:s23] =	ssyncadd.s32 $0xFFFFFFFF  }
0xa5: {  	s5 =	sld [smem:$0x0]  }
0xa6: {  	s6 =	sand.u32 $0xFFFFFFFE, s1  }
0xa7: {  	p0 =	sne.s32 s1, s6  }
0xa8: {  	s6 =	sshll.u32 @p0 s6, $0xE  }
0xa9: {  	s6 =	sadd.s32 @p0 $0x11B8D, s6;
	s7 =	sshll.u32 @p0 s5, $0x11  }
0xaa: {  	s6 =	sor.u32 @p0 s7, s6  }
0xab: {  	[sflag:s6] =	ssyncadd.remote.s32 @p0 $0x1;
	_ =	sdelay $0x1  }
0xac: {  	s6 =	simm.s32 @p0 $0x1B8D  }
0xad: {  	_ =	swait.eq @p0 [sflag:s6], $0x1  }
0xae: {  	[sflag:s6] =	ssyncadd.s32 @p0 $0xFFFFFFFF  }
0xaf: {  	s7 =	sshll.u32 @!p0 s1, $0xE  }
0xb0: {  	s7 =	sor.u32 @!p0 $0x4000, s7;
	s6 =	simm.s32 @!p0 $0x1B8D  }
0xb1: {  	s5 =	sshll.u32 @!p0 s5, $0x11;
	s7 =	sadd.s32 @!p0 $0x11B8D, s7;
	_ =	swait.eq @!p0 [sflag:s6], $0x1  }
0xb2: {  	s5 =	sor.u32 @!p0 s5, s7;
	[sflag:s6] =	ssyncadd.s32 @!p0 $0xFFFFFFFF  }
0xb3: {  	s25 =	simm.s32 $0x1B8E;
	s24 =	sld [smem:$0x3FFE];
	[sflag:s5] =	ssyncadd.remote.s32 @!p0 $0x1  }
0xb4: {  	s26 =	simm.s32 $execute0_lowered;
	[smem:$0x3FD2] =	sst s25  }
0xb5: {  	s6 =	sshll.u32 s26, $0x1;
	_ =	strace $0x80000049;
	[dreg:$0x1] =	wrdreg $0xFFFFFFFF  }
0xb6: {  	s28 =	simm.s32 $_size_execute0_lowered;
	s4 =	sadd.s32 s4, s6;
	[dreg:$0x0] =	wrdreg $0x0  }
0xb7: {  	s6 =	sshll.u32 s28, $0x1;
	[dreg:$0x2] =	wrdreg s4  }
0xb8: {  	[dreg:$0x3] =	wrdreg s6  }
0xb9: {  	[dreg:$0x4] =	wrdreg $0xC0  }
0xba: {  	_ =	task [dreg:s22], $0x5FFFF  }
0xbb: {  	[dreg:$0x1] =	wrdreg $0xFFFFFFFF  }
0xbc: {  	[dreg:$0x0] =	wrdreg $0x60  }
0xbd: {  	[dreg:$0x2] =	wrdreg s24  }
0xbe: {  	[dreg:$0x3] =	wrdreg s18  }
0xbf: {  	[dreg:$0x4] =	wrdreg $0x9  }
0xc0: {  	_ =	task.clear_ibuf [dreg:s22], $0x5FFFF;
	_ =	strace $0x90000049  }
0xc1: {  	s29 =	simm.s32 $0x9;
	_ =	strace $0x8000004B  }
0xc2: {  	_ =	swait.ge [sflag:s29], $0x1  }
0xc3: {  	[sflag:s29] =	ssyncadd.s32 $0xFFFFFFFF  }
0xc4: {  	_ =	strace $0x9000004B  }
0xc5: {  	_ =	sfence  }
0xc6: {  	s30 =	sld [smem:$0x0];
	_ =	sdelay $0x2  }
0xc7: {  	s31 =	sshll.u32 s1, $0xD;
	s1 =	sshrl.u32 s1, $0x2  }
0xc8: {  	s4 =	sand.u32 $0x4000, s31;
	s1 =	sadd.s32 s1, s30  }
0xc9: {  	s0 =	sor.u32 s4, s0;
	s1 =	sshll.u32 s1, $0x11  }
0xca: {  	s0 =	sor.u32 s1, s0  }
0xcb: {  	s0 =	sadd.s32 $0x8F2B, s0  }
0xcc: {  	[sflag:s0] =	ssyncadd.remote.s32 $0x1  }
0xcd: {  	_ =	sfence.sel $0xFFFF  }
0xce: {  	[dreg:$0x0] =	wrdreg $0xFFFFFFFF;
	(pc) =	sbr.abs _section_cstart, $3  }
0xcf: {  	[dreg:$0x1] =	wrdreg $0xFFFFFFFF  }
0xd0: {  	_ =	task.clear_ibuf [dreg:s22], $0x2FFFF;
	_ =	strace $0x9FFFFFFF  }
0xd1: {  	(tm) =	ssettm $0x7FFFFFFF  }
tec
execute0_lowered:
.L_overlay_start_1:
0x0: {  	(tag) =	ssettag $0x1  }
0x1: {  	s3 =	rddreg [dreg:$0x0]  }
0x2: {  	s5 =	rddreg [dreg:$0x1];
	s2 =	srdreg.scid  }
0x3: {  	s0 =	rddreg [dreg:$0x2];
	s1 =	stileid.u32  }
0x4: {  	s9 =	simm.s32 $0x11A00;
	s10 =	simm.s32 $0x0;
	s4 =	sand.u32 $0x1, s2  }
0x5: {  	s2 =	simm.s32 $0x0;
	s6 =	sshll.u32 s1, $0xA;
	s7 =	sshll.u32 s4, $0x9  }
0x6: {  	[smem:$0x7FF] =	sst s2;
	s4 =	ssub.s32 $0x2, s4;
	s6 =	sor.u32 s7, s6  }
0x7: {  	_ =	strace $0x8000004A;
	s8 =	sshrl.u32 s4, $0x1;
	s7 =	sshll.u32 s6, $0x1  }
0x8: {  	s8 =	ssub.s32 s4, s8;
	s6 =	sshll.u32 s6, $0x3;
	s7 =	sadd.s32 s7, s3  }
0x9: {  	s3 =	sadd.s32 $0x4B200, s3;
	s5 =	sadd.s32 s5, s6;
	s6 =	smax.u32 s8, $0x1  }
0xa: {  	v0 =	vimm.f32 $0.0e+00;
	s8 =	simm.s32 $0x1;
	s4 =	sadd.s32 $0x43200, s7;
	s7 =	simm.s32 $0x2000  }
.LBB2_1:
0xb: {  	[tilespmem:s7], [sflag:$0x1] =	stream.linear.gather [hbm4b:s3+s2], $0xFA00, $0x38;
	[tilespmem:$0x19A00] =	vst v63  }
0xc: {  	_ =	swait.ge [sflag:s8], $0xFA00  }
0xd: {  	[sflag:s8] =	ssyncset.done $0x0  }
0xe: {  	[sflag:s8] =	ssyncadd.s32 $0xFFFF0600  }
0xf: {  	[tilespmem:s2], [sflag:$0x1] =	stream.linear.gather [hbm4b:s4+s2], $0x2000, $0x38;
	[tilespmem:$0x19A00] =	vst v63  }
0x10: {  	_ =	swait.ge [sflag:s8], $0x2000  }
0x11: {  	[sflag:s8] =	ssyncset.done $0x0  }
0x12: {  	[sflag:s8] =	ssyncadd.s32 $0xFFFFE000  }
0x13: {  	[tilespmem:$0x2000] =	vst v0  }
0x14: {  	[tilespmem:$0x2010] =	vst v0  }
0x15: {  	[tilespmem:$0x2020] =	vst v0  }
0x16: {  	s11 =	simm.s32 $0x0;
	[tilespmem:$0x2030] =	vst v0  }
0x17: {  	v1 =	vld [tilespmem:s11+$0x0];
	_ =	sdelay $0x4  }
0x18: {  	v17 =	vshll.u32 v1, $0x6  }
0x19: {  	(v2sf) =	vpush v17, $0x0;
	_ =	sdelay $0x3  }
0x1a: {  	(v2sf) =	vpush v17, $0x1;
	_ =	sdelay $0x2  }
0x1b: {  	(v2sf) =	vpush v17, $0x2;
	_ =	sdelay $0x3  }
0x1c: {  	(v2sf) =	vpush v17, $0x3;
	_ =	sdelay $0x3  }
0x1d: {  	(v2sf) =	vpush v17, $0x4;
	s31 =	spop (v2sf)  }
0x1e: {  	v20 =	vld [tilespmem:s31+$0x2030]  }
0x1f: {  	v34 =	vld [tilespmem:s31+$0x2020]  }
0x20: {  	v35 =	vld [tilespmem:s31+$0x2000]  }
0x21: {  	(v2sf) =	vpush v17, $0x5;
	s12 =	spop (v2sf);
	v36 =	vld [tilespmem:s31+$0x2010]  }
0x22: {  	v14 =	vld [tilespmem:s12+$0x2010]  }
0x23: {  	v32 =	vld [tilespmem:s12+$0x2000]  }
0x24: {  	s13 =	spop (v2sf);
	v29 =	vld [tilespmem:s12+$0x2020]  }
0x25: {  	v12 =	vld [tilespmem:s13+$0x2010]  }
0x26: {  	(v2sf) =	vpush v17, $0x6;
	v30 =	vld [tilespmem:s13+$0x2000]  }
0x27: {  	v31 =	vld [tilespmem:s13+$0x2020]  }
0x28: {  	s14 =	spop (v2sf);
	v33 =	vld [tilespmem:s13+$0x2030]  }
0x29: {  	v11 =	vld [tilespmem:s14+$0x2000]  }
0x2a: {  	(v2sf) =	vpush v17, $0x7;
	v21 =	vld [tilespmem:s14+$0x2010]  }
0x2b: {  	v27 =	vld [tilespmem:s14+$0x2020]  }
0x2c: {  	s15 =	spop (v2sf);
	v26 =	vld [tilespmem:s14+$0x2030]  }
0x2d: {  	v9 =	vld [tilespmem:s15+$0x2000]  }
0x2e: {  	(v2sf) =	vpush v17, $0x8;
	v18 =	vld [tilespmem:s15+$0x2010]  }
0x2f: {  	(v2sf) =	vpush v17, $0x9;
	v25 =	vld [tilespmem:s15+$0x2020]  }
0x30: {  	(v2sf) =	vpush v17, $0xA;
	s16 =	spop (v2sf);
	v28 =	vld [tilespmem:s15+$0x2030]  }
0x31: {  	(v2sf) =	vpush v17, $0xB;
	v7 =	vld [tilespmem:s16+$0x2000]  }
0x32: {  	(v2sf) =	vpush v17, $0xC;
	v15 =	vld [tilespmem:s16+$0x2010]  }
0x33: {  	(v2sf) =	vpush v17, $0xD;
	v19 =	vld [tilespmem:s16+$0x2020]  }
0x34: {  	(v2sf) =	vpush v17, $0xE;
	v23 =	vld [tilespmem:s16+$0x2030]  }
0x35: {  	s17 =	spop (v2sf);
	(v2sf) =	vpush v17, $0xF;
	v17 =	vld [tilespmem:s12+$0x2030]  }
0x36: {  	v5 =	vld [tilespmem:s17+$0x2000]  }
0x37: {  	v8 =	vld [tilespmem:s17+$0x2010]  }
0x38: {  	v13 =	vld [tilespmem:s17+$0x2020]  }
0x39: {  	s18 =	spop (v2sf);
	v16 =	vld [tilespmem:s17+$0x2030]  }
0x3a: {  	v3 =	vld [tilespmem:s18+$0x2000]  }
0x3b: {  	v20 =	vadd.f32 $0.0e+00, v20;
	v6 =	vld [tilespmem:s18+$0x2020]  }
0x3c: {  	v4 =	vld [tilespmem:s18+$0x2010]  }
0x3d: {  	vm0 =	vne.s32 v1, $0x0;
	s20 =	spop (v2sf);
	v10 =	vld [tilespmem:s18+$0x2030];
	v1 =	vadd.f32 v17, v20  }
0x3e: {  	v38 =	vadd.f32 $0.0e+00, v34;
	v2 =	vld [tilespmem:s20+$0x2030];
	s21 =	spop (v2sf)  }
0x3f: {  	v34 =	vadd.f32 $0.0e+00, v35;
	v24 =	vld [tilespmem:s20+$0x2020];
	v1 =	vadd.f32 v33, v1;
	s19 =	spop (v2sf)  }
0x40: {  	v35 =	vadd.f32 $0.0e+00, v36;
	v36 =	vadd.f32 v29, v38;
	v29 =	vld [tilespmem:s20+$0x2000];
	v17 =	vmpcnt.ones.xlane vm0;
	s18 =	spop (v2sf)  }
0x41: {  	v33 =	vadd.f32 v26, v1;
	v26 =	vld [tilespmem:s20+$0x2010];
	s17 =	spop (v2sf)  }
0x42: {  	v37 =	vcvt.s32.f32 v17;
	v22 =	vld [tilespmem:s21+$0x2020];
	s16 =	spop (v2sf)  }
0x43: {  	s11 =	simm.s32 $0x11A20;
	v20 =	vld [tilespmem:s21+$0x2030];
	s15 =	spop (v2sf)  }
0x44: {  	s13 =	simm.s32 $0x40;
	s12 =	simm.s32 $0x11A20;
	v1 =	vmax.f32 v37, $1.000000000e+00;
	v17 =	vld [tilespmem:s19+$0x2030];
	s14 =	spop (v2sf)  }
.LBB2_2:
0x45: {  	p0 =	sne.s32 s13, $0x7FC0  }
0x46: {  	v32 =	vadd.f32 v32, v34;
	v14 =	vadd.f32 v14, v35;
	v34 =	vld [tilespmem:s21+$0x2010];
	s12 =	sadd.s32 $0x40, s12;
	s20 =	smov.u32 s13;
	s13 =	sadd.s32 $0x40, s13  }
0x47: {  	v31 =	vadd.f32 v31, v36;
	v35 =	vld [tilespmem:s21+$0x2000]  }
0x48: {  	v30 =	vadd.f32 v30, v32;
	v12 =	vadd.f32 v12, v14;
	v14 =	vld [tilespmem:s19+$0x2020]  }
0x49: {  	v27 =	vadd.f32 v27, v31;
	v31 =	vld [tilespmem:s17+$0x2030]  }
0x4a: {  	v11 =	vadd.f32 v11, v30;
	v12 =	vadd.f32 v21, v12;
	v21 =	vld [tilespmem:s18+$0x2030]  }
0x4b: {  	v25 =	vadd.f32 v25, v27;
	v27 =	vld [tilespmem:s18+$0x2010]  }
0x4c: {  	v9 =	vadd.f32 v9, v11;
	v11 =	vadd.f32 v18, v12;
	v12 =	vld [tilespmem:s19+$0x2010]  }
0x4d: {  	v18 =	vadd.f32 v28, v33;
	v19 =	vadd.f32 v19, v25;
	v25 =	vld [tilespmem:s19+$0x2000]  }
0x4e: {  	v7 =	vadd.f32 v7, v9;
	v9 =	vadd.f32 v15, v11;
	v11 =	vld [tilespmem:s18+$0x2020]  }
0x4f: {  	v15 =	vadd.f32 v23, v18;
	v13 =	vadd.f32 v13, v19;
	v18 =	vld [tilespmem:s18+$0x2000]  }
0x50: {  	v5 =	vadd.f32 v5, v7;
	v7 =	vadd.f32 v8, v9;
	v8 =	vld [tilespmem:s17+$0x2020]  }
0x51: {  	v9 =	vadd.f32 v16, v15;
	v6 =	vadd.f32 v6, v13;
	v13 =	vld [tilespmem:s15+$0x2030]  }
0x52: {  	v3 =	vadd.f32 v3, v5;
	v4 =	vadd.f32 v4, v7;
	v5 =	vld [tilespmem:s16+$0x2030]  }
0x53: {  	v7 =	vadd.f32 v10, v9;
	v6 =	vadd.f32 v24, v6;
	v9 =	vld [tilespmem:s16+$0x2010]  }
0x54: {  	v3 =	vadd.f32 v29, v3;
	v4 =	vadd.f32 v26, v4;
	v10 =	vld [tilespmem:s17+$0x2010]  }
0x55: {  	v2 =	vadd.f32 v2, v7;
	v6 =	vadd.f32 v22, v6;
	v7 =	vld [tilespmem:s17+$0x2000]  }
0x56: {  	v3 =	vadd.f32 v35, v3;
	v4 =	vadd.f32 v34, v4;
	v15 =	vld [tilespmem:s16+$0x2020]  }
0x57: {  	v2 =	vadd.f32 v20, v2;
	v6 =	vadd.f32 v14, v6;
	v14 =	vld [tilespmem:s16+$0x2000]  }
0x58: {  	v3 =	vadd.f32 v25, v3;
	v4 =	vadd.f32 v12, v4;
	v12 =	vld [tilespmem:s15+$0x2020]  }
0x59: {  	v2 =	vadd.f32 v17, v2;
	v6 =	vadd.f32 v11, v6;
	v11 =	vld [tilespmem:s14+$0x2010];
	(erf) = vrcp.f32 v1  }
0x5a: {  	v1 =	vadd.f32 v18, v3;
	v3 =	vadd.f32 v27, v4;
	v4 =	vld [tilespmem:s15+$0x2010]  }
0x5b: {  	v2 =	vadd.f32 v21, v2;
	v6 =	vadd.f32 v8, v6;
	v8 =	vld [tilespmem:s15+$0x2000]  }
0x5c: {  	v1 =	vadd.f32 v7, v1;
	v3 =	vadd.f32 v10, v3;
	v7 =	vld [tilespmem:s14+$0x2020]  }
0x5d: {  	v2 =	vadd.f32 v31, v2;
	v6 =	vadd.f32 v15, v6;
	v10 =	vld [tilespmem:s14+$0x2000]  }
0x5e: {  	v1 =	vadd.f32 v14, v1;
	v3 =	vadd.f32 v9, v3;
	v9 =	vld [tilespmem:s14+$0x2030]  }
0x5f: {  	v2 =	vadd.f32 v5, v2;
	v6 =	vadd.f32 v12, v6  }
0x60: {  	v1 =	vadd.f32 v8, v1;
	v3 =	vadd.f32 v4, v3  }
0x61: {  	v2 =	vadd.f32 v13, v2;
	v4 =	vadd.f32 v7, v6  }
0x62: {  	v1 =	vadd.f32 v10, v1;
	v3 =	vadd.f32 v11, v3;
	v5 =	vpop (erf)  }
0x63: {  	v2 =	vadd.f32 v9, v2;
	v4 =	vmul.f32 v4, v5  }
0x64: {  	v1 =	vmul.f32 v1, v5;
	v3 =	vmul.f32 v3, v5  }
0x65: {  	[tilespmem:s11+$0x0] =	vst v4;
	v2 =	vmul.f32 v2, v5  }
0x66: {  	[tilespmem:s11+$0xFFFFFFE0] =	vst v1  }
0x67: {  	[tilespmem:s11+$0x10] =	vst v2  }
0x68: {  	s14 =	sshra.s32 s20, $0x2;
	[tilespmem:s11+$0xFFFFFFF0] =	vst v3;
	s11 =	smov.u32 s12  }
0x69: {  	v1 =	vld [tilespmem:s14+$0x0];
	_ =	sdelay $0x4  }
0x6a: {  	vm0 =	vne.s32 v1, $0x0;
	v2 =	vshll.u32 v1, $0x6  }
0x6b: {  	v1 =	vmpcnt.ones.xlane vm0;
	(v2sf) =	vpush v2, $0x0  }
0x6c: {  	(v2sf) =	vpush v2, $0x1  }
0x6d: {  	v1 =	vcvt.s32.f32 v1;
	(v2sf) =	vpush v2, $0x2  }
0x6e: {  	(v2sf) =	vpush v2, $0x3  }
0x6f: {  	v1 =	vmax.f32 v1, $1.000000000e+00;
	(v2sf) =	vpush v2, $0x4  }
0x70: {  	(v2sf) =	vpush v2, $0x5  }
0x71: {  	(v2sf) =	vpush v2, $0x6  }
0x72: {  	(v2sf) =	vpush v2, $0x7  }
0x73: {  	(v2sf) =	vpush v2, $0x8  }
0x74: {  	(v2sf) =	vpush v2, $0x9  }
0x75: {  	(v2sf) =	vpush v2, $0xA  }
0x76: {  	(v2sf) =	vpush v2, $0xB  }
0x77: {  	(v2sf) =	vpush v2, $0xC  }
0x78: {  	(v2sf) =	vpush v2, $0xD  }
0x79: {  	(v2sf) =	vpush v2, $0xE  }
0x7a: {  	s20 =	spop (v2sf);
	(v2sf) =	vpush v2, $0xF  }
0x7b: {  	v2 =	vld [tilespmem:s20+$0x2030];
	s24 =	spop (v2sf)  }
0x7c: {  	v14 =	vld [tilespmem:s24+$0x2010];
	s23 =	spop (v2sf)  }
0x7d: {  	v12 =	vld [tilespmem:s23+$0x2010];
	s25 =	spop (v2sf)  }
0x7e: {  	v11 =	vld [tilespmem:s25+$0x2000];
	s26 =	spop (v2sf)  }
0x7f: {  	v9 =	vld [tilespmem:s26+$0x2000];
	s28 =	spop (v2sf)  }
0x80: {  	v17 =	vadd.f32 $0.0e+00, v2;
	v7 =	vld [tilespmem:s28+$0x2000];
	s29 =	spop (v2sf)  }
0x81: {  	v5 =	vld [tilespmem:s29+$0x2000];
	s30 =	spop (v2sf)  }
0x82: {  	v3 =	vld [tilespmem:s30+$0x2000];
	s22 =	spop (v2sf)  }
0x83: {  	v6 =	vld [tilespmem:s30+$0x2020];
	s21 =	spop (v2sf)  }
0x84: {  	v4 =	vld [tilespmem:s30+$0x2010];
	s19 =	spop (v2sf)  }
0x85: {  	v8 =	vld [tilespmem:s29+$0x2010];
	s18 =	spop (v2sf)  }
0x86: {  	v2 =	vld [tilespmem:s22+$0x2030];
	s17 =	spop (v2sf)  }
0x87: {  	v13 =	vld [tilespmem:s29+$0x2020];
	s16 =	spop (v2sf)  }
0x88: {  	v15 =	vld [tilespmem:s28+$0x2010];
	s15 =	spop (v2sf)  }
0x89: {  	v21 =	vld [tilespmem:s25+$0x2010];
	s14 =	spop (v2sf)  }
0x8a: {  	v10 =	vld [tilespmem:s30+$0x2030]  }
0x8b: {  	v18 =	vld [tilespmem:s26+$0x2010]  }
0x8c: {  	v19 =	vld [tilespmem:s28+$0x2020]  }
0x8d: {  	v16 =	vld [tilespmem:s29+$0x2030]  }
0x8e: {  	v25 =	vld [tilespmem:s26+$0x2020]  }
0x8f: {  	v27 =	vld [tilespmem:s25+$0x2020]  }
0x90: {  	v32 =	vld [tilespmem:s24+$0x2000]  }
0x91: {  	v30 =	vld [tilespmem:s23+$0x2000]  }
0x92: {  	v31 =	vld [tilespmem:s23+$0x2020]  }
0x93: {  	v23 =	vld [tilespmem:s28+$0x2030]  }
0x94: {  	v29 =	vld [tilespmem:s24+$0x2020]  }
0x95: {  	v20 =	vld [tilespmem:s24+$0x2030]  }
0x96: {  	v26 =	vld [tilespmem:s25+$0x2030]  }
0x97: {  	v28 =	vld [tilespmem:s26+$0x2030]  }
0x98: {  	v22 =	vld [tilespmem:s23+$0x2030]  }
0x99: {  	v33 =	vld [tilespmem:s20+$0x2020]  }
0x9a: {  	v34 =	vld [tilespmem:s20+$0x2000];
	v17 =	vadd.f32 v20, v17  }
0x9b: {  	v35 =	vld [tilespmem:s20+$0x2010]  }
0x9c: {  	v24 =	vld [tilespmem:s22+$0x2020]  }
.Ltmp0:
0x9d: {  	v36 =	vadd.f32 v22, v17;
	v22 =	vld [tilespmem:s21+$0x2020];
	(pc) =	sbr.rel @p0 .LBB2_2-.Ltmp0, $4  }
0x9e: {  	v37 =	vadd.f32 $0.0e+00, v33;
	v20 =	vld [tilespmem:s21+$0x2030]  }
0x9f: {  	v34 =	vadd.f32 $0.0e+00, v34;
	v17 =	vld [tilespmem:s19+$0x2030]  }
0xa0: {  	v33 =	vadd.f32 v26, v36;
	v35 =	vadd.f32 $0.0e+00, v35;
	v26 =	vld [tilespmem:s22+$0x2010]  }
0xa1: {  	v36 =	vadd.f32 v29, v37;
	v29 =	vld [tilespmem:s22+$0x2000]  }
0xa2: {  	v32 =	vadd.f32 v32, v34;
	v63 =	vld [tilespmem:s21+$0x2010]  }
0xa3: {  	v14 =	vadd.f32 v14, v35;
	v37 =	vld [tilespmem:s21+$0x2000];
	v31 =	vadd.f32 v31, v36  }
0xa4: {  	v38 =	vld [tilespmem:s19+$0x2020];
	v30 =	vadd.f32 v30, v32  }
0xa5: {  	v39 =	vld [tilespmem:s17+$0x2030];
	v12 =	vadd.f32 v12, v14;
	v27 =	vadd.f32 v27, v31  }
0xa6: {  	v40 =	vld [tilespmem:s18+$0x2030];
	v43 =	vadd.f32 v28, v33;
	v11 =	vadd.f32 v11, v30  }
0xa7: {  	v41 =	vld [tilespmem:s18+$0x2010];
	v12 =	vadd.f32 v21, v12;
	v25 =	vadd.f32 v25, v27  }
0xa8: {  	v42 =	vld [tilespmem:s19+$0x2010];
	v23 =	vadd.f32 v23, v43;
	v9 =	vadd.f32 v9, v11  }
0xa9: {  	v44 =	vld [tilespmem:s19+$0x2000];
	v12 =	vadd.f32 v18, v12;
	v19 =	vadd.f32 v19, v25  }
0xaa: {  	v45 =	vld [tilespmem:s18+$0x2020];
	v16 =	vadd.f32 v16, v23;
	v7 =	vadd.f32 v7, v9  }
0xab: {  	v46 =	vld [tilespmem:s18+$0x2000];
	v12 =	vadd.f32 v15, v12;
	v13 =	vadd.f32 v13, v19  }
0xac: {  	v47 =	vld [tilespmem:s17+$0x2020];
	v10 =	vadd.f32 v10, v16;
	v5 =	vadd.f32 v5, v7  }
0xad: {  	v48 =	vld [tilespmem:s15+$0x2030];
	v8 =	vadd.f32 v8, v12;
	v6 =	vadd.f32 v6, v13  }
0xae: {  	v49 =	vld [tilespmem:s16+$0x2030];
	v2 =	vadd.f32 v2, v10;
	v3 =	vadd.f32 v3, v5  }
0xaf: {  	v50 =	vld [tilespmem:s16+$0x2010];
	v4 =	vadd.f32 v4, v8;
	v6 =	vadd.f32 v24, v6  }
0xb0: {  	v51 =	vld [tilespmem:s17+$0x2010];
	v2 =	vadd.f32 v20, v2;
	v3 =	vadd.f32 v29, v3  }
0xb1: {  	v52 =	vld [tilespmem:s17+$0x2000];
	v4 =	vadd.f32 v26, v4;
	v6 =	vadd.f32 v22, v6  }
0xb2: {  	v53 =	vld [tilespmem:s16+$0x2020];
	v2 =	vadd.f32 v17, v2;
	v3 =	vadd.f32 v37, v3  }
0xb3: {  	v54 =	vld [tilespmem:s16+$0x2000];
	v4 =	vadd.f32 v63, v4;
	v6 =	vadd.f32 v38, v6  }
0xb4: {  	v55 =	vld [tilespmem:s15+$0x2020];
	(erf) = vrcp.f32 v1;
	v2 =	vadd.f32 v40, v2;
	v3 =	vadd.f32 v44, v3  }
0xb5: {  	v56 =	vld [tilespmem:s15+$0x2010];
	v1 =	vadd.f32 v42, v4;
	v6 =	vadd.f32 v45, v6  }
0xb6: {  	v57 =	vld [tilespmem:s15+$0x2000];
	v2 =	vadd.f32 v39, v2;
	v3 =	vadd.f32 v46, v3  }
0xb7: {  	v60 =	vld [tilespmem:s14+$0x2030];
	v1 =	vadd.f32 v41, v1;
	v6 =	vadd.f32 v47, v6  }
0xb8: {  	v58 =	vld [tilespmem:s14+$0x2020];
	v2 =	vadd.f32 v49, v2;
	v3 =	vadd.f32 v52, v3  }
0xb9: {  	v59 =	vld [tilespmem:s14+$0x2000];
	v1 =	vadd.f32 v51, v1;
	v6 =	vadd.f32 v53, v6  }
0xba: {  	v61 =	vld [tilespmem:s14+$0x2010];
	v2 =	vadd.f32 v48, v2;
	v3 =	vadd.f32 v54, v3  }
0xbb: {  	v1 =	vadd.f32 v50, v1;
	v62 =	vadd.f32 v55, v6  }
0xbc: {  	v2 =	vadd.f32 v60, v2;
	v3 =	vadd.f32 v57, v3  }
0xbd: {  	v63 =	vpop (erf);
	v1 =	vadd.f32 v56, v1;
	v5 =	vadd.f32 v58, v62  }
0xbe: {  	v2 =	vmul.f32 v2, v63;
	v3 =	vadd.f32 v59, v3  }
0xbf: {  	v1 =	vadd.f32 v61, v1;
	v5 =	vmul.f32 v5, v63  }
0xc0: {  	[tilespmem:s11+$0x10] =	vst v2;
	v3 =	vmul.f32 v3, v63  }
0xc1: {  	s10 =	sadd.s32 $0x1, s10;
	v1 =	vmul.f32 v1, v63;
	[tilespmem:s11+$0x0] =	vst v5  }
0xc2: {  	p0 =	sne.s32 s10, s6;
	[tilespmem:s11+$0xFFFFFFE0] =	vst v3  }
.Ltmp1:
0xc3: {  	[tilespmem:s11+$0xFFFFFFF0] =	vst v1;
	(pc) =	sbr.rel @p0 .LBB2_1-.Ltmp1, $4  }
0xc4: {  	[hbm4b:s5+s2] =	stream.linear.scatter [tilespmem:s9], [sflag:$0x1], $0x8000, $0x38;
	[tilespmem:$0x19A00] =	vst v63  }
0xc5: {  	_ =	swait.ge [sflag:s8], $0x8000  }
0xc6: {  	[sflag:s8] =	ssyncset.done $0x0  }
0xc7: {  	[sflag:s8] =	ssyncadd.s32 $0xFFFF8000  }
0xc8: {  	_ =	sfence.sel $0x180000  }
0xc9: {  	[bflag:$0x0] =	sbarrier.arrive $0xFFFF  }
0xca: {  	p0 =	sne.s32 s1, $0x0;
	_ =	strace $0x9000004A  }
0xcb: {  	s0 =	sadd.s32 @!p0 $0x100000, s0;
	[bflag:$0x2] =	sbarrier.arrive $0xFFFF  }
0xcc: {  	[sflag:s0] =	ssyncadd.tile.s32 @!p0 $0x1;
	_ =	shalt  }
.Lfunc_end2:
_tile_overlayer_lowered:
.L_overlay_start_2:
0xcd: {  	(tag) =	ssettag $0x2  }
0xce: {  	s0 =	rddreg [dreg:$0x0];
	s2 =	stileid.u32  }
0xcf: {  	s1 =	rddreg [dreg:$0x1];
	p0 =	sne.s32 s2, $0x0  }
0xd0: {  	s3 =	rddreg [dreg:$0x2];
	[bflag:$0x3] =	sbarrier.arrive $0xFFFF;
	s2 =	simm.s32 @!p0 $0x1C01  }
0xd1: {  	[timem:s3], [sflag:s2] =	dma.local @!p0 [hbm:s0], s1  }
0xd2: {  	s0 =	simm.s32 @!p0 $0x1  }
0xd3: {  	_ =	swait.ge @!p0 [sflag:s0], s1  }
0xd4: {  	s1 =	ssub.s32 @!p0 $0x0, s1;
	[sflag:s0] =	ssyncset.done @!p0 $0x0  }
0xd5: {  	[sflag:s0] =	ssyncadd.s32 @!p0 s1  }
0xd6: {  	[bflag:$0x3] =	sbarrier.arrive $0xFFFF  }
0xd7: {  	_ =	shalt  }

// kernel: kernel.8.cloned.1.call-start
scs
__scs_entry_jumppad:
0x0: {  	(pc) =	sbr.rel $0x88, $3  }
0x1: {  	(tag) =	ssettag $0x0;
	lr =	simm.s32 $0x1  }
0x2: {  	[smem:$0x3F95] =	sst lr;
	_ =	strace $0xD0000000  }
0x3: {  	_ = 	snop  }
0x4: {  	_ = 	snop  }
0x5: {  	_ = 	snop  }
0x6: {  	_ = 	snop  }
0x7: {  	_ = 	snop  }
__scs_overlays_trampoline_lowered:
0x8: {  	[smem:$0x3FA4] =	sst s0  }
0x9: {  	[smem:$0x3FA5] =	sst s1  }
0xa: {  	[smem:$0x3FA6] =	sst s2  }
0xb: {  	[smem:$0x3FA7] =	sst s3  }
0xc: {  	[smem:$0x3FA8] =	sst s4  }
0xd: {  	[smem:$0x3FA9] =	sst s5  }
0xe: {  	[smem:$0x3FAA] =	sst s6  }
0xf: {  	[smem:$0x3FAB] =	sst s7  }
0x10: {  	[smem:$0x3FAC] =	sst s8  }
0x11: {  	[smem:$0x3FAD] =	sst s9;
	s0 =	simm.s32 @!p0 $0x0  }
0x12: {  	s1 =	sld [smem:$0x3F93];
	s0 =	simm.s32 @p0 $0x1  }
0x13: {  	[smem:$0x3FAE] =	sst s0;
	s0 =	simm.s32 @!p1 $0x0  }
0x14: {  	s2 =	sld [smem:$0x3F92];
	s0 =	simm.s32 @p1 $0x1  }
0x15: {  	[smem:$0x3FAF] =	sst s0;
	s0 =	simm.s32 @!p2 $0x0  }
0x16: {  	s3 =	sld [smem:$0x3FDB];
	s0 =	simm.s32 @p2 $0x1  }
0x17: {  	s4 =	simm.s32 $0x1BF5;
	[smem:$0x3FB1] =	sst s0  }
0x18: {  	s0 =	sld [smem:$0x3F94];
	_ =	swait.ge [sflag:s4], $0x0  }
0x19: {  	s7 =	sld [smem:$0x3F95]  }
0x1a: {  	s8 =	sadd.s32 $0xFFFFE003, lr  }
0x1b: {  	s9 =	sadd.s32 $0xFFFFFEF7, lr;
	s5 =	simm.s32 $0xFFFFFFFF;
	p2 =	slt.u32 s8, $0xFFFFF086  }
0x1c: {  	p1 =	slt.u32 s9, $0xF7A;
	s5 =	simm.s32 @!p2 $0x0  }
0x1d: {  	s5 =	simm.s32 @p1 $0x1;
	p0 =	seq.s32 s7, s2  }
0x1e: {  	s7 =	smul.u32 @!p0 $0xF7A, s2;
	p2 =	seq.s32 @!p0 s5, $0x0  }
0x1f: {  	s9 =	smul.u32 $0xF7A, s1;
	s8 =	simm.s32 @!p0 $0x1BF5;
	p2 =	por !p2, p0  }
0x20: {  	[sflag:s8] =	ssyncset.s32 @!p0 $0xFFFFF086;
	s6 =	sadd.s32 @!p0 s3, s7;
	s7 =	simm.s32 @!p0 $0x108  }
0x21: {  	s3 =	sadd.s32 s3, s9;
	s6 =	sadd.s32 @!p0 $0x88, s6;
	s7 =	simm.s32 @p2 $0x1082  }
0x22: {  	[simem:s7], [sflag:s8] =	dma.local @!p0 [hbm:s6], $0xF7A  }
0x23: {  	s9 =	sor.u32 $0xD0000000, s2;
	s6 =	simm.s32 $0x108;
	_ =	swait.ge @!p0 [sflag:s8], $0x0  }
0x24: {  	s3 =	sadd.s32 $0x88, s3;
	s6 =	simm.s32 @!p1 $0x1082;
	[sflag:s4] =	ssyncset.s32 $0xFFFFF086  }
0x25: {  	[simem:s6], [sflag:s4] =	dma.local [hbm:s3], $0xF7A  }
0x26: {  	[smem:$0x3F95] =	sst s1;
	(tag) =	ssettag s2;
	_ =	strace s9  }
0x27: {  	s1 =	sld [smem:$0x3FA5]  }
0x28: {  	s2 =	sld [smem:$0x3FA6]  }
0x29: {  	s4 =	sld [smem:$0x3FA8]  }
0x2a: {  	p0 =	seq.s32 s5, $0x0;
	s5 =	sld [smem:$0x3FA9]  }
0x2b: {  	s6 =	sld [smem:$0x3FAA]  }
0x2c: {  	s7 =	sld [smem:$0x3FAB]  }
0x2d: {  	s3 =	simm.s32 $0x108;
	s8 =	sld [smem:$0x3FAC]  }
0x2e: {  	s3 =	simm.s32 @!p0 $0x1082;
	s9 =	sld [smem:$0x3FAD]  }
0x2f: {  	lr =	sadd.s32 s0, s3;
	s0 =	sld [smem:$0x3FA4]  }
0x30: {  	s3 =	sld [smem:$0x3FA7]  }
0x31: {  	[smem:$0x3FB0] =	sst s10  }
0x32: {  	s10 =	sld [smem:$0x3FAE];
	_ =	sdelay $0x3  }
0x33: {  	p0 =	seq.s32 s10, $0x1;
	s10 =	sld [smem:$0x3FB0];
	_ =	sdelay $0x3  }
0x34: {  	[smem:$0x3FB0] =	sst s10  }
0x35: {  	s10 =	sld [smem:$0x3FAF];
	_ =	sdelay $0x3  }
0x36: {  	p1 =	seq.s32 s10, $0x1;
	s10 =	sld [smem:$0x3FB0];
	_ =	sdelay $0x3  }
0x37: {  	[smem:$0x3FB0] =	sst s10  }
0x38: {  	s10 =	sld [smem:$0x3FB1]  }
0x39: {  	_ = 	snop;
	(pc) =	sbr.ind lr, $3  }
0x3a: {  	_ = 	snop  }
0x3b: {  	_ = 	snop  }
0x3c: {  	p2 =	seq.s32 s10, $0x1;
	s10 =	sld [smem:$0x3FB0]  }
0x3d: {  	_ =	shalt  }
0x3e: {  	_ =	shalt  }
0x3f: {  	_ =	shalt  }
0x40: {  	_ =	shalt  }
0x41: {  	_ =	shalt  }
0x42: {  	_ =	shalt  }
0x43: {  	_ =	shalt  }
0x44: {  	_ =	shalt  }
0x45: {  	_ =	shalt  }
0x46: {  	_ =	shalt  }
0x47: {  	_ =	shalt  }
0x48: {  	_ =	shalt  }
0x49: {  	_ =	shalt  }
0x4a: {  	_ =	shalt  }
0x4b: {  	_ =	shalt  }
0x4c: {  	_ =	shalt  }
0x4d: {  	_ =	shalt  }
0x4e: {  	_ =	shalt  }
0x4f: {  	_ =	shalt  }
0x50: {  	_ =	shalt  }
0x51: {  	_ =	shalt  }
0x52: {  	_ =	shalt  }
0x53: {  	_ =	shalt  }
0x54: {  	_ =	shalt  }
0x55: {  	_ =	shalt  }
0x56: {  	_ =	shalt  }
0x57: {  	_ =	shalt  }
0x58: {  	_ =	shalt  }
0x59: {  	_ =	shalt  }
0x5a: {  	_ =	shalt  }
0x5b: {  	_ =	shalt  }
0x5c: {  	_ =	shalt  }
0x5d: {  	_ =	shalt  }
0x5e: {  	_ =	shalt  }
0x5f: {  	_ =	shalt  }
0x60: {  	_ =	shalt  }
0x61: {  	_ =	shalt  }
0x62: {  	_ =	shalt  }
0x63: {  	_ =	shalt  }
0x64: {  	_ =	shalt  }
0x65: {  	_ =	shalt  }
0x66: {  	_ =	shalt  }
0x67: {  	_ =	shalt  }
0x68: {  	_ =	shalt  }
0x69: {  	_ =	shalt  }
0x6a: {  	_ =	shalt  }
0x6b: {  	_ =	shalt  }
0x6c: {  	_ =	shalt  }
0x6d: {  	_ =	shalt  }
0x6e: {  	_ =	shalt  }
0x6f: {  	_ =	shalt  }
0x70: {  	_ =	shalt  }
0x71: {  	_ =	shalt  }
0x72: {  	_ =	shalt  }
0x73: {  	_ =	shalt  }
0x74: {  	_ =	shalt  }
0x75: {  	_ =	shalt  }
0x76: {  	_ =	shalt  }
0x77: {  	_ =	shalt  }
0x78: {  	_ =	shalt  }
0x79: {  	_ =	shalt  }
0x7a: {  	_ =	shalt  }
0x7b: {  	_ =	shalt  }
0x7c: {  	_ =	shalt  }
0x7d: {  	_ =	shalt  }
0x7e: {  	_ =	shalt  }
0x7f: {  	_ =	shalt  }
0x80: {  	_ =	shalt  }
0x81: {  	_ =	shalt  }
0x82: {  	_ =	shalt  }
0x83: {  	_ =	shalt  }
0x84: {  	_ =	shalt  }
0x85: {  	_ =	shalt  }
0x86: {  	_ =	shalt  }
0x87: {  	_ =	shalt  }
.Lfunc_end0:
.L_simem_size_0:
called_computation.1_lowered:
.L_overlay_start_0:
0x88: {  	s2 =	sld [smem:$0x3FD9]  }
0x89: {  	s3 =	sld [smem:$0x3FFE];
	_ =	sdelay $0x1  }
0x8a: {  	s1 =	srdreg.scid  }
0x8b: {  	s0 =	sand.u32 $0x1, s1  }
0x8c: {  	s17 =	sshll.u32 s0, $0xA;
	s2 =	sadd.s32 s3, s2  }
0x8d: {  	s2 =	sadd.s32 s2, s17  }
0x8e: {  	[smem:$0x3FBC] =	sst s2  }
0x8f: {  	_ = 	snop  }
0x90: {  	s2 =	sld [smem:$0x3FC9]  }
0x91: {  	s18 =	sld [smem:$0x3FC5]  }
0x92: {  	s4 =	sld [smem:$0x3FC4];
	(tm) =	ssettm $0x1  }
0x93: {  	s5 =	sld [smem:$0x3FFB];
	_ =	sdelay $0x3  }
0x94: {  	_ =	strace s5  }
0x95: {  	s5 =	sld [smem:$0x3FFC];
	_ =	sdelay $0x3  }
0x96: {  	_ =	strace s5  }
0x97: {  	s5 =	sld [smem:$0x3FFD];
	_ =	sdelay $0x3  }
0x98: {  	_ =	strace s5  }
0x99: {  	_ =	strace $0x8FFFFFFF  }
0x9a: {  	s19 =	sld [smem:$0x3FDB];
	_ =	sdelay $0x1  }
0x9b: {  	s6 =	simm.s32 $_scs_section_size  }
0x9c: {  	s7 =	simm.s32 $_size__tile_overlayer_lowered;
	s8 =	simm.s32 $_tile_overlayer_lowered  }
0x9d: {  	s22 =	simm.s32 $0x1BFF;
	s21 =	sshll.u32 s8, $0x1;
	s5 =	sadd.s32 s6, s19  }
0x9e: {  	s9 =	simm.s32 $0x0;
	s20 =	sshll.u32 s7, $0x1;
	s7 =	sadd.s32 s21, s5  }
0x9f: {  	[timem:s9], [sflag:s22] =	dma.local [hbm:s7], s20  }
0xa0: {  	_ =	swait.ge [sflag:s22], s20  }
0xa1: {  	s6 =	ssub.s32 $0x0, s20;
	[sflag:s22] =	ssyncset.done $0x0  }
0xa2: {  	[sflag:s22] =	ssyncadd.s32 s6;
	_ =	sdelay $0x1  }
0xa3: {  	s23 =	simm.s32 $0x1B8B  }
0xa4: {  	_ =	swait.ge [sflag:s23], $0x1  }
0xa5: {  	[sflag:s23] =	ssyncset.done $0x0  }
0xa6: {  	s25 =	simm.s32 $0x1B8E;
	s24 =	sld [smem:$0x3FFE];
	[sflag:s23] =	ssyncadd.s32 $0xFFFFFFFF  }
0xa7: {  	s26 =	simm.s32 $execute0_lowered;
	[smem:$0x3FD2] =	sst s25  }
0xa8: {  	s7 =	sshll.u32 s26, $0x1;
	_ =	strace $0x80000046;
	[dreg:$0x1] =	wrdreg $0xFFFFFFFF  }
0xa9: {  	s28 =	simm.s32 $_size_execute0_lowered;
	s5 =	sadd.s32 s5, s7;
	[dreg:$0x0] =	wrdreg $0x0  }
0xaa: {  	s7 =	sshll.u32 s28, $0x1;
	[dreg:$0x2] =	wrdreg s5  }
0xab: {  	[dreg:$0x3] =	wrdreg s7  }
0xac: {  	[dreg:$0x4] =	wrdreg $0xC0  }
0xad: {  	_ =	task [dreg:s9], $0x5FFFF  }
0xae: {  	[dreg:$0x1] =	wrdreg $0xFFFFFFFF  }
0xaf: {  	[dreg:$0x0] =	wrdreg $0x60  }
0xb0: {  	[dreg:$0x2] =	wrdreg s2  }
0xb1: {  	[dreg:$0x3] =	wrdreg s24  }
0xb2: {  	[dreg:$0x4] =	wrdreg s18  }
0xb3: {  	[dreg:$0x5] =	wrdreg s4  }
0xb4: {  	[dreg:$0x6] =	wrdreg $0xA  }
0xb5: {  	_ =	task.clear_ibuf [dreg:s9], $0x7FFFF;
	_ =	strace $0x90000046  }
0xb6: {  	s29 =	simm.s32 $0xA;
	_ =	strace $0x80000048  }
0xb7: {  	_ =	swait.ge [sflag:s29], $0x1  }
0xb8: {  	[sflag:s29] =	ssyncadd.s32 $0xFFFFFFFF  }
0xb9: {  	_ =	strace $0x90000048  }
0xba: {  	_ =	sfence  }
0xbb: {  	s30 =	sld [smem:$0x0];
	_ =	sdelay $0x2  }
0xbc: {  	s31 =	sshll.u32 s1, $0xD;
	s1 =	sshrl.u32 s1, $0x2  }
0xbd: {  	s3 =	sand.u32 $0x4000, s31;
	s1 =	sadd.s32 s1, s30  }
0xbe: {  	s0 =	sor.u32 s3, s0;
	s1 =	sshll.u32 s1, $0x11  }
0xbf: {  	s0 =	sor.u32 s1, s0  }
0xc0: {  	s0 =	sadd.s32 $0x8F2B, s0  }
0xc1: {  	[sflag:s0] =	ssyncadd.remote.s32 $0x1  }
0xc2: {  	_ =	sfence.sel $0xFFFF  }
0xc3: {  	[dreg:$0x0] =	wrdreg $0xFFFFFFFF;
	(pc) =	sbr.abs _section_cstart, $3  }
0xc4: {  	[dreg:$0x1] =	wrdreg $0xFFFFFFFF  }
0xc5: {  	_ =	task.clear_ibuf [dreg:s9], $0x2FFFF;
	_ =	strace $0x9FFFFFFF  }
0xc6: {  	(tm) =	ssettm $0x7FFFFFFF  }
0xc7: {  	_ =	shalt  }
tec
execute0_lowered:
.L_overlay_start_1:
0x0: {  	(tag) =	ssettag $0x1  }
0x1: {  	s5 =	rddreg [dreg:$0x0]  }
0x2: {  	s6 =	rddreg [dreg:$0x1]  }
0x3: {  	s7 =	rddreg [dreg:$0x2]  }
0x4: {  	s8 =	rddreg [dreg:$0x3];
	s2 =	srdreg.scid  }
0x5: {  	s0 =	rddreg [dreg:$0x4];
	s1 =	stileid.u32  }
0x6: {  	s14 =	simm.s32 $0x100;
	s15 =	simm.s32 $0x2880;
	s16 =	simm.s32 $0x200  }
0x7: {  	s17 =	simm.s32 $0x400;
	s18 =	simm.s32 $0x600;
	s19 =	simm.s32 $0x800  }
0x8: {  	s20 =	simm.s32 $0xA880;
	s21 =	simm.s32 $0x6880;
	s22 =	simm.s32 $0x1  }
0x9: {  	s23 =	simm.s32 $0x2;
	s24 =	simm.s32 $0x0;
	s4 =	sand.u32 $0x1, s2  }
0xa: {  	s2 =	simm.s32 $0x0;
	s3 =	sshll.u32 s1, $0xA;
	s9 =	sshll.u32 s4, $0x9  }
0xb: {  	[smem:$0x7FF] =	sst s2;
	s12 =	ssub.s32 $0x2, s4;
	s4 =	sadd.s32 $0x2400, s6  }
0xc: {  	s9 =	sor.u32 s9, s3;
	_ =	strace $0x80000047;
	s3 =	sadd.s32 $0x189000, s6  }
0xd: {  	s31 =	sshrl.u32 s12, $0x1;
	s10 =	sshrl.u32 s9, $0x3;
	s9 =	sshll.u32 s9, $0x3  }
0xe: {  	s12 =	ssub.s32 s12, s31;
	s11 =	sadd.s32 s10, s6;
	s13 =	sadd.s32 s9, s6  }
0xf: {  	s5 =	sadd.s32 s5, s10;
	s7 =	sadd.s32 s7, s10;
	s8 =	sadd.s32 s8, s10  }
0x10: {  	s12 =	smax.u32 s12, $0x1;
	s6 =	sadd.s32 $0x2A00, s11;
	s9 =	sadd.s32 $0x23200, s13  }
0x11: {  	s10 =	sadd.s32 $0x3200, s13;
	s11 =	sadd.s32 $0x3A00, s13;
	s13 =	simm.s32 $0x3  }
.LBB2_1:
0x12: {  	[tilespmem:s2], [sflag:$0x3] =	stream.linear.gather [hbm4b:s5+s2], $0x200, $0x38;
	[tilespmem:$0x12880] =	vst v63  }
0x13: {  	_ =	swait.ge [sflag:s13], $0x200  }
0x14: {  	[sflag:s13] =	ssyncset.done $0x0  }
0x15: {  	[sflag:s13] =	ssyncadd.s32 $0xFFFFFE00  }
0x16: {  	[tilespmem:s15], [sflag:$0x1] =	stream.indirect.gather [hbm4b:s3+s14], $0x40, s2, s14, $0xb8;
	[tilespmem:$0x12880] =	vst v63  }
0x17: {  	_ = 	snop  }
0x18: {  	[tilespmem:s16], [sflag:$0x3] =	stream.linear.gather [hbm4b:s6+s2], $0x200, $0x38;
	[tilespmem:$0x12880] =	vst v63  }
0x19: {  	_ =	swait.ge [sflag:s13], $0x200  }
0x1a: {  	[sflag:s13] =	ssyncset.done $0x0  }
0x1b: {  	[sflag:s13] =	ssyncadd.s32 $0xFFFFFE00  }
0x1c: {  	[tilespmem:s17], [sflag:$0x3] =	stream.linear.gather [hbm4b:s7+s2], $0x200, $0x38;
	[tilespmem:$0x12880] =	vst v63  }
0x1d: {  	_ =	swait.ge [sflag:s13], $0x200  }
0x1e: {  	[sflag:s13] =	ssyncset.done $0x0  }
0x1f: {  	[sflag:s13] =	ssyncadd.s32 $0xFFFFFE00  }
0x20: {  	[tilespmem:s18], [sflag:$0x3] =	stream.linear.gather [hbm4b:s8+s2], $0x200, $0x38;
	[tilespmem:$0x12880] =	vst v63  }
0x21: {  	_ =	swait.ge [sflag:s13], $0x200  }
0x22: {  	[sflag:s13] =	ssyncset.done $0x0  }
0x23: {  	[sflag:s13] =	ssyncadd.s32 $0xFFFFFE00  }
0x24: {  	[tilespmem:s19], [sflag:$0x3] =	stream.linear.gather [hbm4b:s4+s2], $0x2080, $0x38;
	[tilespmem:$0x12880] =	vst v63  }
0x25: {  	_ =	swait.ge [sflag:s13], $0x2080  }
0x26: {  	[sflag:s13] =	ssyncset.done $0x0  }
0x27: {  	[sflag:s13] =	ssyncadd.s32 $0xFFFFDF80  }
0x28: {  	v0 =	vld [tilespmem:$0x2800]  }
0x29: {  	v1 =	vld [tilespmem:$0x2810]  }
0x2a: {  	v2 =	vld [tilespmem:$0x2820]  }
0x2b: {  	v3 =	vld [tilespmem:$0x2830]  }
0x2c: {  	v4 =	vld [tilespmem:$0x2840]  }
0x2d: {  	v5 =	vld [tilespmem:$0x2850]  }
0x2e: {  	v6 =	vld [tilespmem:$0x2860]  }
0x2f: {  	s25 =	simm.s32 $0xAA80;
	s26 =	simm.s32 $0x0;
	v7 =	vld [tilespmem:$0x2870]  }
.LBB2_2:
0x30: {  	s28 =	sshra.s32 s26, $0x2  }
0x31: {  	v8 =	vld [tilespmem:s28+$0x200];
	_ =	sdelay $0x4  }
0x32: {  	v10 =	vshll.u32 v8, $0x6  }
0x33: {  	(v2sf) =	vpush v10, $0x0;
	_ =	sdelay $0xb  }
0x34: {  	v9 =	vld [tilespmem:s28+$0x400];
	_ =	sdelay $0x1  }
0x35: {  	v8 =	vld [tilespmem:s28+$0x600]  }
0x36: {  	s31 =	spop (v2sf)  }
0x37: {  	v11 =	vld [tilespmem:s31+$0x800]  }
0x38: {  	v12 =	vbroadcast v9, $0x0;
	_ =	sdelay $0x1  }
0x39: {  	v13 =	vmul.f32 v12, v0;
	v14 =	vbroadcast v8, $0x0;
	_ =	sdelay $0x1  }
0x3a: {  	v20 =	vmul.f32 v14, v4;
	v11 =	vadd.f32 v13, v11;
	_ =	sdelay $0x1  }
0x3b: {  	v11 =	vadd.f32 v20, v11;
	_ =	sdelay $0x1  }
0x3c: {  	[tilespmem:s25+$0xFFFFFE00] =	vst v11  }
0x3d: {  	v11 =	vld [tilespmem:s31+$0x810];
	_ =	sdelay $0x2  }
0x3e: {  	v21 =	vmul.f32 v12, v1;
	_ =	sdelay $0x1  }
0x3f: {  	v22 =	vmul.f32 v14, v5;
	v11 =	vadd.f32 v11, v21;
	_ =	sdelay $0x1  }
0x40: {  	v11 =	vadd.f32 v11, v22;
	_ =	sdelay $0x1  }
0x41: {  	[tilespmem:s25+$0xFFFFFE10] =	vst v11  }
0x42: {  	v11 =	vld [tilespmem:s31+$0x820];
	_ =	sdelay $0x2  }
0x43: {  	v23 =	vmul.f32 v12, v2  }
0x44: {  	(v2sf) =	vpush v10, $0x1  }
0x45: {  	v24 =	vmul.f32 v14, v6;
	v11 =	vadd.f32 v11, v23;
	_ =	sdelay $0x1  }
0x46: {  	v11 =	vadd.f32 v11, v24;
	_ =	sdelay $0x1  }
0x47: {  	[tilespmem:s25+$0xFFFFFE20] =	vst v11  }
0x48: {  	v11 =	vld [tilespmem:s31+$0x830];
	_ =	sdelay $0x2  }
0x49: {  	v12 =	vmul.f32 v12, v3;
	_ =	sdelay $0x1  }
0x4a: {  	v25 =	vmul.f32 v14, v7;
	v11 =	vadd.f32 v11, v12;
	_ =	sdelay $0x1  }
0x4b: {  	v11 =	vadd.f32 v11, v25;
	_ =	sdelay $0x1  }
0x4c: {  	s29 =	spop (v2sf);
	[tilespmem:s25+$0xFFFFFE30] =	vst v11  }
0x4d: {  	v11 =	vld [tilespmem:s29+$0x800]  }
0x4e: {  	v26 =	vbroadcast v9, $0x1;
	_ =	sdelay $0x1  }
0x4f: {  	v27 =	vmul.f32 v26, v0;
	v28 =	vbroadcast v8, $0x1;
	_ =	sdelay $0x1  }
0x50: {  	v29 =	vmul.f32 v28, v4;
	v11 =	vadd.f32 v11, v27;
	_ =	sdelay $0x1  }
0x51: {  	v11 =	vadd.f32 v11, v29;
	_ =	sdelay $0x1  }
0x52: {  	[tilespmem:s25+$0xFFFFFE40] =	vst v11  }
0x53: {  	v11 =	vld [tilespmem:s29+$0x810];
	_ =	sdelay $0x2  }
0x54: {  	v30 =	vmul.f32 v26, v1;
	_ =	sdelay $0x1  }
0x55: {  	v31 =	vmul.f32 v28, v5;
	v11 =	vadd.f32 v11, v30;
	_ =	sdelay $0x1  }
0x56: {  	v11 =	vadd.f32 v11, v31;
	_ =	sdelay $0x1  }
0x57: {  	[tilespmem:s25+$0xFFFFFE50] =	vst v11  }
0x58: {  	v11 =	vld [tilespmem:s29+$0x820];
	_ =	sdelay $0x2  }
0x59: {  	v32 =	vmul.f32 v26, v2  }
0x5a: {  	(v2sf) =	vpush v10, $0x2  }
0x5b: {  	v33 =	vmul.f32 v28, v6;
	v11 =	vadd.f32 v11, v32;
	_ =	sdelay $0x1  }
0x5c: {  	v11 =	vadd.f32 v11, v33;
	_ =	sdelay $0x1  }
0x5d: {  	[tilespmem:s25+$0xFFFFFE60] =	vst v11  }
0x5e: {  	v11 =	vld [tilespmem:s29+$0x830];
	_ =	sdelay $0x2  }
0x5f: {  	v12 =	vmul.f32 v26, v3;
	_ =	sdelay $0x1  }
0x60: {  	v34 =	vmul.f32 v28, v7;
	v11 =	vadd.f32 v11, v12;
	_ =	sdelay $0x1  }
0x61: {  	v11 =	vadd.f32 v11, v34;
	_ =	sdelay $0x1  }
0x62: {  	s30 =	spop (v2sf);
	[tilespmem:s25+$0xFFFFFE70] =	vst v11  }
0x63: {  	v11 =	vld [tilespmem:s30+$0x800]  }
0x64: {  	v35 =	vbroadcast v9, $0x2;
	_ =	sdelay $0x1  }
0x65: {  	v36 =	vmul.f32 v35, v0;
	v37 =	vbroadcast v8, $0x2;
	_ =	sdelay $0x1  }
0x66: {  	v38 =	vmul.f32 v37, v4;
	v11 =	vadd.f32 v11, v36;
	_ =	sdelay $0x1  }
0x67: {  	v11 =	vadd.f32 v11, v38;
	_ =	sdelay $0x1  }
0x68: {  	[tilespmem:s25+$0xFFFFFE80] =	vst v11  }
0x69: {  	v11 =	vld [tilespmem:s30+$0x810];
	_ =	sdelay $0x2  }
0x6a: {  	v39 =	vmul.f32 v35, v1;
	_ =	sdelay $0x1  }
0x6b: {  	v40 =	vmul.f32 v37, v5;
	v11 =	vadd.f32 v11, v39;
	_ =	sdelay $0x1  }
0x6c: {  	v11 =	vadd.f32 v11, v40;
	_ =	sdelay $0x1  }
0x6d: {  	[tilespmem:s25+$0xFFFFFE90] =	vst v11  }
0x6e: {  	v11 =	vld [tilespmem:s30+$0x820];
	_ =	sdelay $0x2  }
0x6f: {  	v41 =	vmul.f32 v35, v2  }
0x70: {  	(v2sf) =	vpush v10, $0x3  }
0x71: {  	v42 =	vmul.f32 v37, v6;
	v11 =	vadd.f32 v11, v41;
	_ =	sdelay $0x1  }
0x72: {  	v11 =	vadd.f32 v11, v42;
	_ =	sdelay $0x1  }
0x73: {  	[tilespmem:s25+$0xFFFFFEA0] =	vst v11  }
0x74: {  	v11 =	vld [tilespmem:s30+$0x830];
	_ =	sdelay $0x2  }
0x75: {  	v12 =	vmul.f32 v35, v3;
	_ =	sdelay $0x1  }
0x76: {  	v43 =	vmul.f32 v37, v7;
	v11 =	vadd.f32 v11, v12;
	_ =	sdelay $0x1  }
0x77: {  	v11 =	vadd.f32 v11, v43;
	_ =	sdelay $0x1  }
0x78: {  	s31 =	spop (v2sf);
	[tilespmem:s25+$0xFFFFFEB0] =	vst v11  }
0x79: {  	v11 =	vld [tilespmem:s31+$0x800]  }
0x7a: {  	v44 =	vbroadcast v9, $0x3;
	_ =	sdelay $0x1  }
0x7b: {  	v45 =	vmul.f32 v44, v0;
	v46 =	vbroadcast v8, $0x3;
	_ =	sdelay $0x1  }
0x7c: {  	v47 =	vmul.f32 v46, v4;
	v11 =	vadd.f32 v11, v45;
	_ =	sdelay $0x1  }
0x7d: {  	v11 =	vadd.f32 v11, v47;
	_ =	sdelay $0x1  }
0x7e: {  	[tilespmem:s25+$0xFFFFFEC0] =	vst v11  }
0x7f: {  	v11 =	vld [tilespmem:s31+$0x810];
	_ =	sdelay $0x2  }
0x80: {  	v48 =	vmul.f32 v44, v1;
	_ =	sdelay $0x1  }
0x81: {  	v49 =	vmul.f32 v46, v5;
	v11 =	vadd.f32 v11, v48;
	_ =	sdelay $0x1  }
0x82: {  	v11 =	vadd.f32 v11, v49;
	_ =	sdelay $0x1  }
0x83: {  	[tilespmem:s25+$0xFFFFFED0] =	vst v11  }
0x84: {  	v11 =	vld [tilespmem:s31+$0x820];
	_ =	sdelay $0x2  }
0x85: {  	v50 =	vmul.f32 v44, v2  }
0x86: {  	(v2sf) =	vpush v10, $0x4  }
0x87: {  	v51 =	vmul.f32 v46, v6;
	v11 =	vadd.f32 v11, v50;
	_ =	sdelay $0x1  }
0x88: {  	v11 =	vadd.f32 v11, v51;
	_ =	sdelay $0x1  }
0x89: {  	[tilespmem:s25+$0xFFFFFEE0] =	vst v11  }
0x8a: {  	v11 =	vld [tilespmem:s31+$0x830];
	_ =	sdelay $0x2  }
0x8b: {  	v12 =	vmul.f32 v44, v3;
	_ =	sdelay $0x1  }
0x8c: {  	v52 =	vmul.f32 v46, v7;
	v11 =	vadd.f32 v11, v12;
	_ =	sdelay $0x1  }
0x8d: {  	v11 =	vadd.f32 v11, v52;
	_ =	sdelay $0x1  }
0x8e: {  	s29 =	spop (v2sf);
	[tilespmem:s25+$0xFFFFFEF0] =	vst v11  }
0x8f: {  	v11 =	vld [tilespmem:s29+$0x800]  }
0x90: {  	v53 =	vbroadcast v9, $0x4;
	_ =	sdelay $0x1  }
0x91: {  	v54 =	vmul.f32 v53, v0;
	v55 =	vbroadcast v8, $0x4;
	_ =	sdelay $0x1  }
0x92: {  	v56 =	vmul.f32 v55, v4;
	v11 =	vadd.f32 v11, v54;
	_ =	sdelay $0x1  }
0x93: {  	v11 =	vadd.f32 v11, v56;
	_ =	sdelay $0x1  }
0x94: {  	[tilespmem:s25+$0xFFFFFF00] =	vst v11  }
0x95: {  	v11 =	vld [tilespmem:s29+$0x810];
	_ =	sdelay $0x2  }
0x96: {  	v57 =	vmul.f32 v53, v1;
	_ =	sdelay $0x1  }
0x97: {  	v58 =	vmul.f32 v55, v5;
	v11 =	vadd.f32 v11, v57;
	_ =	sdelay $0x1  }
0x98: {  	v11 =	vadd.f32 v11, v58;
	_ =	sdelay $0x1  }
0x99: {  	[tilespmem:s25+$0xFFFFFF10] =	vst v11  }
0x9a: {  	v11 =	vld [tilespmem:s29+$0x820];
	_ =	sdelay $0x2  }
0x9b: {  	v59 =	vmul.f32 v53, v2  }
0x9c: {  	(v2sf) =	vpush v10, $0x5  }
0x9d: {  	v60 =	vmul.f32 v55, v6;
	v11 =	vadd.f32 v11, v59;
	_ =	sdelay $0x1  }
0x9e: {  	v11 =	vadd.f32 v11, v60;
	_ =	sdelay $0x1  }
0x9f: {  	[tilespmem:s25+$0xFFFFFF20] =	vst v11  }
0xa0: {  	v11 =	vld [tilespmem:s29+$0x830];
	_ =	sdelay $0x2  }
0xa1: {  	v12 =	vmul.f32 v53, v3;
	_ =	sdelay $0x1  }
0xa2: {  	v61 =	vmul.f32 v55, v7;
	v11 =	vadd.f32 v11, v12;
	_ =	sdelay $0x1  }
0xa3: {  	v11 =	vadd.f32 v11, v61;
	_ =	sdelay $0x1  }
0xa4: {  	s30 =	spop (v2sf);
	[tilespmem:s25+$0xFFFFFF30] =	vst v11  }
0xa5: {  	v11 =	vld [tilespmem:s30+$0x800]  }
0xa6: {  	v62 =	vbroadcast v9, $0x5;
	_ =	sdelay $0x1  }
0xa7: {  	v63 =	vmul.f32 v62, v0;
	v16 =	vbroadcast v8, $0x5;
	_ =	sdelay $0x1  }
0xa8: {  	v17 =	vmul.f32 v16, v4;
	v11 =	vadd.f32 v11, v63;
	_ =	sdelay $0x1  }
0xa9: {  	v11 =	vadd.f32 v11, v17;
	_ =	sdelay $0x1  }
0xaa: {  	[tilespmem:s25+$0xFFFFFF40] =	vst v11  }
0xab: {  	v11 =	vld [tilespmem:s30+$0x810];
	_ =	sdelay $0x2  }
0xac: {  	v18 =	vmul.f32 v62, v1;
	_ =	sdelay $0x1  }
0xad: {  	v19 =	vmul.f32 v16, v5;
	v11 =	vadd.f32 v11, v18;
	_ =	sdelay $0x1  }
0xae: {  	v11 =	vadd.f32 v11, v19;
	_ =	sdelay $0x1  }
0xaf: {  	[tilespmem:s25+$0xFFFFFF50] =	vst v11  }
0xb0: {  	v11 =	vld [tilespmem:s30+$0x820];
	_ =	sdelay $0x2  }
0xb1: {  	v20 =	vmul.f32 v62, v2  }
0xb2: {  	(v2sf) =	vpush v10, $0x6  }
0xb3: {  	v21 =	vmul.f32 v16, v6;
	v11 =	vadd.f32 v11, v20;
	_ =	sdelay $0x1  }
0xb4: {  	v11 =	vadd.f32 v11, v21;
	_ =	sdelay $0x1  }
0xb5: {  	[tilespmem:s25+$0xFFFFFF60] =	vst v11  }
0xb6: {  	v11 =	vld [tilespmem:s30+$0x830];
	_ =	sdelay $0x2  }
0xb7: {  	v12 =	vmul.f32 v62, v3;
	_ =	sdelay $0x1  }
0xb8: {  	v22 =	vmul.f32 v16, v7;
	v11 =	vadd.f32 v11, v12;
	_ =	sdelay $0x1  }
0xb9: {  	v11 =	vadd.f32 v11, v22;
	_ =	sdelay $0x1  }
0xba: {  	s31 =	spop (v2sf);
	[tilespmem:s25+$0xFFFFFF70] =	vst v11  }
0xbb: {  	v11 =	vld [tilespmem:s31+$0x800]  }
0xbc: {  	v23 =	vbroadcast v9, $0x6;
	_ =	sdelay $0x1  }
0xbd: {  	v24 =	vmul.f32 v23, v0;
	v25 =	vbroadcast v8, $0x6;
	_ =	sdelay $0x1  }
0xbe: {  	v26 =	vmul.f32 v25, v4;
	v11 =	vadd.f32 v11, v24;
	_ =	sdelay $0x1  }
0xbf: {  	v11 =	vadd.f32 v11, v26;
	_ =	sdelay $0x1  }
0xc0: {  	[tilespmem:s25+$0xFFFFFF80] =	vst v11  }
0xc1: {  	v11 =	vld [tilespmem:s31+$0x810];
	_ =	sdelay $0x2  }
0xc2: {  	v27 =	vmul.f32 v23, v1;
	_ =	sdelay $0x1  }
0xc3: {  	v28 =	vmul.f32 v25, v5;
	v11 =	vadd.f32 v11, v27;
	_ =	sdelay $0x1  }
0xc4: {  	v11 =	vadd.f32 v11, v28;
	_ =	sdelay $0x1  }
0xc5: {  	[tilespmem:s25+$0xFFFFFF90] =	vst v11  }
0xc6: {  	v11 =	vld [tilespmem:s31+$0x820];
	_ =	sdelay $0x2  }
0xc7: {  	v29 =	vmul.f32 v23, v2  }
0xc8: {  	(v2sf) =	vpush v10, $0x7  }
0xc9: {  	v30 =	vmul.f32 v25, v6;
	v11 =	vadd.f32 v11, v29;
	_ =	sdelay $0x1  }
0xca: {  	v11 =	vadd.f32 v11, v30;
	_ =	sdelay $0x1  }
0xcb: {  	[tilespmem:s25+$0xFFFFFFA0] =	vst v11  }
0xcc: {  	v11 =	vld [tilespmem:s31+$0x830];
	_ =	sdelay $0x2  }
0xcd: {  	v12 =	vmul.f32 v23, v3;
	_ =	sdelay $0x1  }
0xce: {  	v31 =	vmul.f32 v25, v7;
	v11 =	vadd.f32 v11, v12;
	_ =	sdelay $0x1  }
0xcf: {  	v11 =	vadd.f32 v11, v31;
	_ =	sdelay $0x1  }
0xd0: {  	s29 =	spop (v2sf);
	[tilespmem:s25+$0xFFFFFFB0] =	vst v11  }
0xd1: {  	v11 =	vld [tilespmem:s29+$0x800]  }
0xd2: {  	v32 =	vbroadcast v9, $0x7;
	_ =	sdelay $0x1  }
0xd3: {  	v33 =	vmul.f32 v32, v0;
	v34 =	vbroadcast v8, $0x7;
	_ =	sdelay $0x1  }
0xd4: {  	v35 =	vmul.f32 v34, v4;
	v11 =	vadd.f32 v11, v33;
	_ =	sdelay $0x1  }
0xd5: {  	v11 =	vadd.f32 v11, v35;
	_ =	sdelay $0x1  }
0xd6: {  	[tilespmem:s25+$0xFFFFFFC0] =	vst v11  }
0xd7: {  	v11 =	vld [tilespmem:s29+$0x810];
	_ =	sdelay $0x2  }
0xd8: {  	v36 =	vmul.f32 v32, v1;
	_ =	sdelay $0x1  }
0xd9: {  	v37 =	vmul.f32 v34, v5;
	v11 =	vadd.f32 v11, v36;
	_ =	sdelay $0x1  }
0xda: {  	v11 =	vadd.f32 v11, v37;
	_ =	sdelay $0x1  }
0xdb: {  	[tilespmem:s25+$0xFFFFFFD0] =	vst v11  }
0xdc: {  	v11 =	vld [tilespmem:s29+$0x820];
	_ =	sdelay $0x2  }
0xdd: {  	v38 =	vmul.f32 v32, v2  }
0xde: {  	(v2sf) =	vpush v10, $0x8  }
0xdf: {  	v39 =	vmul.f32 v34, v6;
	v11 =	vadd.f32 v11, v38;
	_ =	sdelay $0x1  }
0xe0: {  	v11 =	vadd.f32 v11, v39;
	_ =	sdelay $0x1  }
0xe1: {  	[tilespmem:s25+$0xFFFFFFE0] =	vst v11  }
0xe2: {  	v11 =	vld [tilespmem:s29+$0x830];
	_ =	sdelay $0x2  }
0xe3: {  	v12 =	vmul.f32 v32, v3;
	_ =	sdelay $0x1  }
0xe4: {  	v40 =	vmul.f32 v34, v7;
	v11 =	vadd.f32 v11, v12;
	_ =	sdelay $0x1  }
0xe5: {  	v11 =	vadd.f32 v11, v40;
	_ =	sdelay $0x1  }
0xe6: {  	s30 =	spop (v2sf);
	[tilespmem:s25+$0xFFFFFFF0] =	vst v11  }
0xe7: {  	v11 =	vld [tilespmem:s30+$0x800]  }
0xe8: {  	v41 =	vbroadcast v9, $0x8;
	_ =	sdelay $0x1  }
0xe9: {  	v42 =	vmul.f32 v41, v0;
	v43 =	vbroadcast v8, $0x8;
	_ =	sdelay $0x1  }
0xea: {  	v44 =	vmul.f32 v43, v4;
	v11 =	vadd.f32 v11, v42;
	_ =	sdelay $0x1  }
0xeb: {  	v11 =	vadd.f32 v11, v44;
	_ =	sdelay $0x1  }
0xec: {  	[tilespmem:s25+$0x0] =	vst v11  }
0xed: {  	v11 =	vld [tilespmem:s30+$0x810];
	_ =	sdelay $0x2  }
0xee: {  	v45 =	vmul.f32 v41, v1;
	_ =	sdelay $0x1  }
0xef: {  	v46 =	vmul.f32 v43, v5;
	v11 =	vadd.f32 v11, v45;
	_ =	sdelay $0x1  }
0xf0: {  	v11 =	vadd.f32 v11, v46;
	_ =	sdelay $0x1  }
0xf1: {  	[tilespmem:s25+$0x10] =	vst v11  }
0xf2: {  	v11 =	vld [tilespmem:s30+$0x820];
	_ =	sdelay $0x2  }
0xf3: {  	v47 =	vmul.f32 v41, v2  }
0xf4: {  	(v2sf) =	vpush v10, $0x9  }
0xf5: {  	v48 =	vmul.f32 v43, v6;
	v11 =	vadd.f32 v11, v47;
	_ =	sdelay $0x1  }
0xf6: {  	v11 =	vadd.f32 v11, v48;
	_ =	sdelay $0x1  }
0xf7: {  	[tilespmem:s25+$0x20] =	vst v11  }
0xf8: {  	v11 =	vld [tilespmem:s30+$0x830];
	_ =	sdelay $0x2  }
0xf9: {  	v12 =	vmul.f32 v41, v3;
	_ =	sdelay $0x1  }
0xfa: {  	v49 =	vmul.f32 v43, v7;
	v11 =	vadd.f32 v11, v12;
	_ =	sdelay $0x1  }
0xfb: {  	v11 =	vadd.f32 v11, v49;
	_ =	sdelay $0x1  }
0xfc: {  	s31 =	spop (v2sf);
	[tilespmem:s25+$0x30] =	vst v11  }
0xfd: {  	v11 =	vld [tilespmem:s31+$0x800]  }
0xfe: {  	v50 =	vbroadcast v9, $0x9;
	_ =	sdelay $0x1  }
0xff: {  	v51 =	vmul.f32 v50, v0;
	v52 =	vbroadcast v8, $0x9;
	_ =	sdelay $0x1  }
0x100: {  	v53 =	vmul.f32 v52, v4;
	v11 =	vadd.f32 v11, v51;
	_ =	sdelay $0x1  }
0x101: {  	v11 =	vadd.f32 v11, v53;
	_ =	sdelay $0x1  }
0x102: {  	[tilespmem:s25+$0x40] =	vst v11  }
0x103: {  	v11 =	vld [tilespmem:s31+$0x810];
	_ =	sdelay $0x2  }
0x104: {  	v54 =	vmul.f32 v50, v1;
	_ =	sdelay $0x1  }
0x105: {  	v55 =	vmul.f32 v52, v5;
	v11 =	vadd.f32 v11, v54;
	_ =	sdelay $0x1  }
0x106: {  	v11 =	vadd.f32 v11, v55;
	_ =	sdelay $0x1  }
0x107: {  	[tilespmem:s25+$0x50] =	vst v11  }
0x108: {  	v11 =	vld [tilespmem:s31+$0x820];
	_ =	sdelay $0x2  }
0x109: {  	v56 =	vmul.f32 v50, v2  }
0x10a: {  	(v2sf) =	vpush v10, $0xA  }
0x10b: {  	v57 =	vmul.f32 v52, v6;
	v11 =	vadd.f32 v11, v56;
	_ =	sdelay $0x1  }
0x10c: {  	v11 =	vadd.f32 v11, v57;
	_ =	sdelay $0x1  }
0x10d: {  	[tilespmem:s25+$0x60] =	vst v11  }
0x10e: {  	v11 =	vld [tilespmem:s31+$0x830];
	_ =	sdelay $0x2  }
0x10f: {  	v12 =	vmul.f32 v50, v3;
	_ =	sdelay $0x1  }
0x110: {  	v58 =	vmul.f32 v52, v7;
	v11 =	vadd.f32 v11, v12;
	_ =	sdelay $0x1  }
0x111: {  	v11 =	vadd.f32 v11, v58;
	_ =	sdelay $0x1  }
0x112: {  	s29 =	spop (v2sf);
	[tilespmem:s25+$0x70] =	vst v11  }
0x113: {  	v11 =	vld [tilespmem:s29+$0x800]  }
0x114: {  	v59 =	vbroadcast v9, $0xA;
	_ =	sdelay $0x1  }
0x115: {  	v60 =	vmul.f32 v59, v0;
	v61 =	vbroadcast v8, $0xA;
	_ =	sdelay $0x1  }
0x116: {  	v62 =	vmul.f32 v61, v4;
	v11 =	vadd.f32 v11, v60;
	_ =	sdelay $0x1  }
0x117: {  	v11 =	vadd.f32 v11, v62;
	_ =	sdelay $0x1  }
0x118: {  	[tilespmem:s25+$0x80] =	vst v11  }
0x119: {  	v11 =	vld [tilespmem:s29+$0x810];
	_ =	sdelay $0x2  }
0x11a: {  	v63 =	vmul.f32 v59, v1;
	_ =	sdelay $0x1  }
0x11b: {  	v16 =	vmul.f32 v61, v5;
	v11 =	vadd.f32 v11, v63;
	_ =	sdelay $0x1  }
0x11c: {  	v11 =	vadd.f32 v11, v16;
	_ =	sdelay $0x1  }
0x11d: {  	[tilespmem:s25+$0x90] =	vst v11  }
0x11e: {  	v11 =	vld [tilespmem:s29+$0x820];
	_ =	sdelay $0x2  }
0x11f: {  	v17 =	vmul.f32 v59, v2  }
0x120: {  	(v2sf) =	vpush v10, $0xB  }
0x121: {  	v18 =	vmul.f32 v61, v6;
	v11 =	vadd.f32 v11, v17;
	_ =	sdelay $0x1  }
0x122: {  	v11 =	vadd.f32 v11, v18;
	_ =	sdelay $0x1  }
0x123: {  	[tilespmem:s25+$0xA0] =	vst v11  }
0x124: {  	v11 =	vld [tilespmem:s29+$0x830];
	_ =	sdelay $0x2  }
0x125: {  	v12 =	vmul.f32 v59, v3;
	_ =	sdelay $0x1  }
0x126: {  	v19 =	vmul.f32 v61, v7;
	v11 =	vadd.f32 v11, v12;
	_ =	sdelay $0x1  }
0x127: {  	v11 =	vadd.f32 v11, v19;
	_ =	sdelay $0x1  }
0x128: {  	s30 =	spop (v2sf);
	[tilespmem:s25+$0xB0] =	vst v11  }
0x129: {  	v11 =	vld [tilespmem:s30+$0x800]  }
0x12a: {  	v20 =	vbroadcast v9, $0xB;
	_ =	sdelay $0x1  }
0x12b: {  	v21 =	vmul.f32 v20, v0;
	v22 =	vbroadcast v8, $0xB;
	_ =	sdelay $0x1  }
0x12c: {  	v23 =	vmul.f32 v22, v4;
	v11 =	vadd.f32 v11, v21;
	_ =	sdelay $0x1  }
0x12d: {  	v11 =	vadd.f32 v11, v23;
	_ =	sdelay $0x1  }
0x12e: {  	[tilespmem:s25+$0xC0] =	vst v11  }
0x12f: {  	v11 =	vld [tilespmem:s30+$0x810];
	_ =	sdelay $0x2  }
0x130: {  	v24 =	vmul.f32 v20, v1;
	_ =	sdelay $0x1  }
0x131: {  	v25 =	vmul.f32 v22, v5;
	v11 =	vadd.f32 v11, v24;
	_ =	sdelay $0x1  }
0x132: {  	v11 =	vadd.f32 v11, v25;
	_ =	sdelay $0x1  }
0x133: {  	[tilespmem:s25+$0xD0] =	vst v11  }
0x134: {  	v11 =	vld [tilespmem:s30+$0x820];
	_ =	sdelay $0x2  }
0x135: {  	v26 =	vmul.f32 v20, v2  }
0x136: {  	(v2sf) =	vpush v10, $0xC  }
0x137: {  	v27 =	vmul.f32 v22, v6;
	v11 =	vadd.f32 v11, v26;
	_ =	sdelay $0x1  }
0x138: {  	v11 =	vadd.f32 v11, v27;
	_ =	sdelay $0x1  }
0x139: {  	[tilespmem:s25+$0xE0] =	vst v11  }
0x13a: {  	v11 =	vld [tilespmem:s30+$0x830];
	_ =	sdelay $0x2  }
0x13b: {  	v12 =	vmul.f32 v20, v3;
	_ =	sdelay $0x1  }
0x13c: {  	v28 =	vmul.f32 v22, v7;
	v11 =	vadd.f32 v11, v12;
	_ =	sdelay $0x1  }
0x13d: {  	v11 =	vadd.f32 v11, v28;
	_ =	sdelay $0x1  }
0x13e: {  	s31 =	spop (v2sf);
	[tilespmem:s25+$0xF0] =	vst v11  }
0x13f: {  	v11 =	vld [tilespmem:s31+$0x800]  }
0x140: {  	v29 =	vbroadcast v9, $0xC;
	_ =	sdelay $0x1  }
0x141: {  	v30 =	vmul.f32 v29, v0;
	v31 =	vbroadcast v8, $0xC;
	_ =	sdelay $0x1  }
0x142: {  	v32 =	vmul.f32 v31, v4;
	v11 =	vadd.f32 v11, v30;
	_ =	sdelay $0x1  }
0x143: {  	v11 =	vadd.f32 v11, v32;
	_ =	sdelay $0x1  }
0x144: {  	[tilespmem:s25+$0x100] =	vst v11  }
0x145: {  	v11 =	vld [tilespmem:s31+$0x810];
	_ =	sdelay $0x2  }
0x146: {  	v33 =	vmul.f32 v29, v1;
	_ =	sdelay $0x1  }
0x147: {  	v34 =	vmul.f32 v31, v5;
	v11 =	vadd.f32 v11, v33;
	_ =	sdelay $0x1  }
0x148: {  	v11 =	vadd.f32 v11, v34;
	_ =	sdelay $0x1  }
0x149: {  	[tilespmem:s25+$0x110] =	vst v11  }
0x14a: {  	v11 =	vld [tilespmem:s31+$0x820];
	_ =	sdelay $0x2  }
0x14b: {  	v35 =	vmul.f32 v29, v2  }
0x14c: {  	(v2sf) =	vpush v10, $0xD  }
0x14d: {  	v36 =	vmul.f32 v31, v6;
	v11 =	vadd.f32 v11, v35;
	_ =	sdelay $0x1  }
0x14e: {  	v11 =	vadd.f32 v11, v36;
	_ =	sdelay $0x1  }
0x14f: {  	[tilespmem:s25+$0x120] =	vst v11  }
0x150: {  	v11 =	vld [tilespmem:s31+$0x830];
	_ =	sdelay $0x2  }
0x151: {  	v12 =	vmul.f32 v29, v3;
	_ =	sdelay $0x1  }
0x152: {  	v37 =	vmul.f32 v31, v7;
	v11 =	vadd.f32 v11, v12;
	_ =	sdelay $0x1  }
0x153: {  	v11 =	vadd.f32 v11, v37;
	_ =	sdelay $0x1  }
0x154: {  	s29 =	spop (v2sf);
	[tilespmem:s25+$0x130] =	vst v11  }
0x155: {  	v11 =	vld [tilespmem:s29+$0x800]  }
0x156: {  	v38 =	vbroadcast v9, $0xD;
	_ =	sdelay $0x1  }
0x157: {  	v39 =	vmul.f32 v38, v0;
	v40 =	vbroadcast v8, $0xD;
	_ =	sdelay $0x1  }
0x158: {  	v41 =	vmul.f32 v40, v4;
	v11 =	vadd.f32 v11, v39;
	_ =	sdelay $0x1  }
0x159: {  	v11 =	vadd.f32 v11, v41;
	_ =	sdelay $0x1  }
0x15a: {  	[tilespmem:s25+$0x140] =	vst v11  }
0x15b: {  	v11 =	vld [tilespmem:s29+$0x810];
	_ =	sdelay $0x2  }
0x15c: {  	v42 =	vmul.f32 v38, v1;
	_ =	sdelay $0x1  }
0x15d: {  	v43 =	vmul.f32 v40, v5;
	v11 =	vadd.f32 v11, v42;
	_ =	sdelay $0x1  }
0x15e: {  	v11 =	vadd.f32 v11, v43;
	_ =	sdelay $0x1  }
0x15f: {  	[tilespmem:s25+$0x150] =	vst v11  }
0x160: {  	v11 =	vld [tilespmem:s29+$0x820];
	_ =	sdelay $0x2  }
0x161: {  	v44 =	vmul.f32 v38, v2  }
0x162: {  	(v2sf) =	vpush v10, $0xE  }
0x163: {  	v45 =	vmul.f32 v40, v6;
	v11 =	vadd.f32 v11, v44;
	_ =	sdelay $0x1  }
0x164: {  	v11 =	vadd.f32 v11, v45;
	_ =	sdelay $0x1  }
0x165: {  	[tilespmem:s25+$0x160] =	vst v11  }
0x166: {  	v11 =	vld [tilespmem:s29+$0x830];
	_ =	sdelay $0x2  }
0x167: {  	v12 =	vmul.f32 v38, v3;
	_ =	sdelay $0x1  }
0x168: {  	v46 =	vmul.f32 v40, v7;
	v11 =	vadd.f32 v11, v12;
	_ =	sdelay $0x1  }
0x169: {  	v11 =	vadd.f32 v11, v46;
	_ =	sdelay $0x1  }
0x16a: {  	s30 =	spop (v2sf);
	[tilespmem:s25+$0x170] =	vst v11  }
0x16b: {  	v11 =	vld [tilespmem:s30+$0x800]  }
0x16c: {  	v47 =	vbroadcast v9, $0xE;
	_ =	sdelay $0x1  }
0x16d: {  	v48 =	vmul.f32 v47, v0;
	v49 =	vbroadcast v8, $0xE;
	_ =	sdelay $0x1  }
0x16e: {  	v50 =	vmul.f32 v49, v4;
	v11 =	vadd.f32 v11, v48;
	_ =	sdelay $0x1  }
0x16f: {  	v11 =	vadd.f32 v11, v50;
	_ =	sdelay $0x1  }
0x170: {  	[tilespmem:s25+$0x180] =	vst v11  }
0x171: {  	v11 =	vld [tilespmem:s30+$0x810];
	_ =	sdelay $0x2  }
0x172: {  	v51 =	vmul.f32 v47, v1;
	_ =	sdelay $0x1  }
0x173: {  	v52 =	vmul.f32 v49, v5;
	v11 =	vadd.f32 v11, v51;
	_ =	sdelay $0x1  }
0x174: {  	v11 =	vadd.f32 v11, v52;
	_ =	sdelay $0x1  }
0x175: {  	[tilespmem:s25+$0x190] =	vst v11  }
0x176: {  	v11 =	vld [tilespmem:s30+$0x820];
	_ =	sdelay $0x2  }
0x177: {  	v53 =	vmul.f32 v47, v2  }
0x178: {  	(v2sf) =	vpush v10, $0xF  }
0x179: {  	v55 =	vmul.f32 v49, v6;
	v54 =	vadd.f32 v11, v53;
	_ =	sdelay $0x1  }
0x17a: {  	v10 =	vadd.f32 v54, v55;
	_ =	sdelay $0x1  }
0x17b: {  	[tilespmem:s25+$0x1A0] =	vst v10  }
0x17c: {  	v10 =	vld [tilespmem:s30+$0x830];
	_ =	sdelay $0x2  }
0x17d: {  	v56 =	vmul.f32 v47, v3;
	_ =	sdelay $0x1  }
0x17e: {  	v57 =	vmul.f32 v49, v7;
	v10 =	vadd.f32 v10, v56;
	_ =	sdelay $0x1  }
0x17f: {  	v10 =	vadd.f32 v10, v57;
	_ =	sdelay $0x1  }
0x180: {  	s31 =	spop (v2sf);
	[tilespmem:s25+$0x1B0] =	vst v10  }
0x181: {  	v10 =	vld [tilespmem:s31+$0x800]  }
0x182: {  	v9 =	vbroadcast v9, $0xF;
	_ =	sdelay $0x1  }
0x183: {  	v8 =	vbroadcast v8, $0xF;
	v58 =	vmul.f32 v9, v0;
	_ =	sdelay $0x1  }
0x184: {  	v59 =	vmul.f32 v8, v4;
	v10 =	vadd.f32 v10, v58;
	_ =	sdelay $0x1  }
0x185: {  	v10 =	vadd.f32 v10, v59;
	_ =	sdelay $0x1  }
0x186: {  	[tilespmem:s25+$0x1C0] =	vst v10  }
0x187: {  	v10 =	vld [tilespmem:s31+$0x810];
	_ =	sdelay $0x2  }
0x188: {  	v60 =	vmul.f32 v9, v1;
	_ =	sdelay $0x1  }
0x189: {  	v61 =	vmul.f32 v8, v5;
	v10 =	vadd.f32 v10, v60;
	_ =	sdelay $0x1  }
0x18a: {  	v10 =	vadd.f32 v10, v61;
	_ =	sdelay $0x1  }
0x18b: {  	[tilespmem:s25+$0x1D0] =	vst v10  }
0x18c: {  	v10 =	vld [tilespmem:s31+$0x820];
	_ =	sdelay $0x2  }
0x18d: {  	v62 =	vmul.f32 v9, v2;
	_ =	sdelay $0x1  }
0x18e: {  	v63 =	vmul.f32 v8, v6;
	v10 =	vadd.f32 v10, v62;
	_ =	sdelay $0x1  }
0x18f: {  	v10 =	vadd.f32 v10, v63;
	_ =	sdelay $0x1  }
0x190: {  	[tilespmem:s25+$0x1E0] =	vst v10  }
0x191: {  	v10 =	vld [tilespmem:s31+$0x830];
	_ =	sdelay $0x2  }
0x192: {  	v9 =	vmul.f32 v9, v3  }
0x193: {  	p0 =	sne.s32 s26, $0x7C0  }
.Ltmp0:
0x194: {  	v8 =	vmul.f32 v8, v7;
	v9 =	vadd.f32 v10, v9;
	(pc) =	sbr.rel @p0 .LBB2_2-.Ltmp0, $3  }
0x195: {  	_ = 	snop  }
0x196: {  	v8 =	vadd.f32 v9, v8;
	_ =	sdelay $0x1  }
0x197: {  	s26 =	sadd.s32 $0x40, s26;
	[tilespmem:s25+$0x1F0] =	vst v8;
	s25 =	sadd.s32 $0x400, s25  }
0x198: {  	[hbm4b:s9+s2] =	stream.linear.scatter [tilespmem:s20], [sflag:$0x3], $0x8000, $0x38;
	[tilespmem:$0x12880] =	vst v63  }
0x199: {  	_ =	swait.ge [sflag:s13], $0x8000  }
0x19a: {  	[sflag:s13] =	ssyncset.done $0x0  }
0x19b: {  	[sflag:s13] =	ssyncadd.s32 $0xFFFF8000  }
0x19c: {  	[tilespmem:s21], [sflag:$0x2] =	stream.indirect.gather [hbm4b:s3+s14], $0x40, s14, s14, $0xb8;
	[tilespmem:$0x12880] =	vst v63  }
0x19d: {  	_ =	swait.ge [sflag:s22], $0x4000  }
0x19e: {  	[sflag:s22] =	ssyncset.done $0x0  }
0x19f: {  	[sflag:s22] =	ssyncadd.s32 $0xFFFFC000  }
0x1a0: {  	[hbm4b:s10+s2] =	stream.linear.scatter [tilespmem:s15], [sflag:$0x3], $0x4000, $0x38;
	[tilespmem:$0x12880] =	vst v63  }
0x1a1: {  	_ =	swait.ge [sflag:s13], $0x4000  }
0x1a2: {  	[sflag:s13] =	ssyncset.done $0x0  }
0x1a3: {  	[sflag:s13] =	ssyncadd.s32 $0xFFFFC000  }
0x1a4: {  	s24 =	sadd.s32 $0x1, s24;
	_ =	swait.ge [sflag:s23], $0x4000  }
0x1a5: {  	p0 =	sne.s32 s24, s12;
	[sflag:s23] =	ssyncset.done $0x0  }
.Ltmp1:
0x1a6: {  	[sflag:s23] =	ssyncadd.s32 $0xFFFFC000;
	(pc) =	sbr.rel @p0 .LBB2_1-.Ltmp1, $4  }
0x1a7: {  	[hbm4b:s11+s2] =	stream.linear.scatter [tilespmem:s21], [sflag:$0x3], $0x4000, $0x38;
	[tilespmem:$0x12880] =	vst v63  }
0x1a8: {  	_ =	swait.ge [sflag:s13], $0x4000  }
0x1a9: {  	[sflag:s13] =	ssyncset.done $0x0  }
0x1aa: {  	[sflag:s13] =	ssyncadd.s32 $0xFFFFC000  }
0x1ab: {  	_ =	sfence.sel $0x180000  }
0x1ac: {  	[bflag:$0x0] =	sbarrier.arrive $0xFFFF  }
0x1ad: {  	p0 =	sne.s32 s1, $0x0;
	_ =	strace $0x90000047  }
0x1ae: {  	s0 =	sadd.s32 @!p0 $0x100000, s0;
	[bflag:$0x2] =	sbarrier.arrive $0xFFFF  }
0x1af: {  	[sflag:s0] =	ssyncadd.tile.s32 @!p0 $0x1;
	_ =	shalt  }
.Lfunc_end2:
_tile_overlayer_lowered:
.L_overlay_start_2:
0x1b0: {  	(tag) =	ssettag $0x2  }
0x1b1: {  	s0 =	rddreg [dreg:$0x0];
	s2 =	stileid.u32  }
0x1b2: {  	s1 =	rddreg [dreg:$0x1];
	p0 =	sne.s32 s2, $0x0  }
0x1b3: {  	s3 =	rddreg [dreg:$0x2];
	[bflag:$0x3] =	sbarrier.arrive $0xFFFF;
	s2 =	simm.s32 @!p0 $0x1C03  }
0x1b4: {  	[timem:s3], [sflag:s2] =	dma.local @!p0 [hbm:s0], s1  }
0x1b5: {  	s0 =	simm.s32 @!p0 $0x3  }
0x1b6: {  	_ =	swait.ge @!p0 [sflag:s0], s1  }
0x1b7: {  	s1 =	ssub.s32 @!p0 $0x0, s1;
	[sflag:s0] =	ssyncset.done @!p0 $0x0  }
0x1b8: {  	[sflag:s0] =	ssyncadd.s32 @!p0 s1  }
0x1b9: {  	[bflag:$0x3] =	sbarrier.arrive $0xFFFF  }
0x1ba: {  	_ =	shalt  }

</sc_bundles>
